<compile_context>
chip_gen: v7x
topology: tpu7x:2x2x1
jax: 0.10.2.dev20260603
libtpu: 0.0.44.dev20260713+nightly
codegen_flags: <defaults>
</compile_context>

<pallas_src>
import functools

import jax
import jax.numpy as jnp
from jax import lax
from jax.experimental import pallas as pl
from jax.experimental.pallas import tpu as pltpu
from jax.experimental.pallas import tpu_sc as plsc

_BM = 512
_BF = 512
_L = 16



def _gating_body(x_ref, gw_ref, e0_ref, e1_ref, w0_ref, w1_ref):
    xb = x_ref[...]
    logits = jax.lax.dot_general(
        xb, gw_ref[...], (((1,), (1,)), ((), ())),
        preferred_element_type=jnp.float32)
    m = jnp.max(logits, axis=-1, keepdims=True)
    p = jnp.exp(logits - m)
    w = p / jnp.sum(p, axis=-1, keepdims=True)
    E = w.shape[-1]
    iota = jax.lax.broadcasted_iota(jnp.int32, w.shape, 1)
    w0 = jnp.max(w, axis=-1, keepdims=True)
    i0 = jnp.min(jnp.where(w == w0, iota, E), axis=-1, keepdims=True)
    w_excl = jnp.where(iota == i0, -jnp.inf, w)
    w1v = jnp.max(w_excl, axis=-1, keepdims=True)
    i1 = jnp.min(jnp.where(w_excl == w1v, iota, E), axis=-1, keepdims=True)
    denom = w0 + w1v
    e0_ref[...] = i0
    e1_ref[...] = i1
    w0_ref[...] = w0 / denom
    w1_ref[...] = w1v / denom


def _gating(x_flat, gate_W):
    N, C = x_flat.shape
    E = gate_W.shape[0]
    outs = pl.pallas_call(
        _gating_body,
        grid=(1,),
        in_specs=[
            pl.BlockSpec((N, C), lambda i: (0, 0)),
            pl.BlockSpec((E, C), lambda i: (0, 0)),
        ],
        out_specs=[
            pl.BlockSpec((N, 1), lambda i: (0, 0)),
            pl.BlockSpec((N, 1), lambda i: (0, 0)),
            pl.BlockSpec((N, 1), lambda i: (0, 0)),
            pl.BlockSpec((N, 1), lambda i: (0, 0)),
        ],
        out_shape=[
            jax.ShapeDtypeStruct((N, 1), jnp.int32),
            jax.ShapeDtypeStruct((N, 1), jnp.int32),
            jax.ShapeDtypeStruct((N, 1), jnp.float32),
            jax.ShapeDtypeStruct((N, 1), jnp.float32),
        ],
    )(x_flat, gate_W)
    return [o.reshape(N) for o in outs]



def _routing_body(e0, e1, x_hbm, xs_hbm, pos_hbm, gs_hbm,
                  exp_v, pos_v, cnt_v, grid_sp, pos_sp, gridv, cur_v, tot_v,
                  pos_all, tok_v, xbuf, sem, *, N, S):
    core = lax.axis_index("c")
    w = lax.axis_index("s")
    n_chunk = S // _L
    lane = lax.iota(jnp.int32, _L)

    @pl.when(core == 0)
    def _run():
        half = w >= (N // S)
        off = w * S

        @pl.when(jnp.logical_not(half))
        def _():
            pltpu.sync_copy(e0.at[pl.ds(off, S)], exp_v)

        @pl.when(half)
        def _():
            pltpu.sync_copy(e1.at[pl.ds(off - N, S)], exp_v)

        def hist_step(c, counts):
            v = exp_v[pl.ds(c * _L, _L)]
            for e in range(8):
                n = jnp.sum((v == e).astype(jnp.int32))
                counts = jnp.where(lane == e, counts + n, counts)
            return counts

        cnt_v[...] = lax.fori_loop(0, n_chunk, hist_step,
                                   jnp.zeros((_L,), jnp.int32))
        pltpu.sync_copy(cnt_v, grid_sp.at[w])
        plsc.subcore_barrier()
        pltpu.sync_copy(grid_sp, gridv)

        totals = jnp.zeros((_L,), jnp.int32)
        prior = jnp.zeros((_L,), jnp.int32)
        for wp in range(16):
            row = gridv[wp]
            totals = totals + row
            sel = jnp.broadcast_to(wp < w, (_L,))
            prior = prior + jnp.where(sel, row, 0)
        start = plsc.cumsum(totals) - totals + prior
        cur_v[...] = start

        @pl.when(w == 0)
        def _():
            tot_v[...] = totals
            pltpu.sync_copy(tot_v, gs_hbm)

        def slot_step(c, _):
            v = exp_v[pl.ds(c * _L, _L)]
            base = plsc.load_gather(cur_v, [v])
            rank = jnp.zeros((_L,), jnp.int32)
            cur = cur_v[...]
            for e in range(8):
                m = v == e
                mi = m.astype(jnp.int32)
                r = plsc.cumsum(mi)
                rank = jnp.where(m, r - 1, rank)
                cur = jnp.where(lane == e, cur + jnp.sum(mi), cur)
            cur_v[...] = cur
            pos_v[c, :] = base + rank
            return 0

        lax.fori_loop(0, n_chunk, slot_step, 0)
        pltpu.sync_copy(pos_v, pos_hbm.at[w])

        pltpu.sync_copy(pos_v, pos_sp.at[w])
        for h in range(S // 64):
            for k in range(64 // _L):
                tok_v[h, pl.ds(k * _L, _L)] = jnp.zeros((_L,), jnp.int32)
        plsc.subcore_barrier()
        pltpu.sync_copy(pos_sp, pos_all)

        def inv_step(g, _):
            posc = pos_all[g // n_chunk, g % n_chunk, :]
            p = g * _L + lane
            tok = p - jnp.where(p >= N, N, 0)
            d = posc - w * S
            m = (d >= 0) & (d < S)
            dc = jnp.minimum(jnp.maximum(d, 0), S - 1)
            plsc.store_scatter(tok_v, [dc >> 6, dc & 63], tok, mask=m)
            return 0

        lax.fori_loop(0, (2 * N) // _L, inv_step, 0)

        for h in range(S // 64):
            pltpu.async_copy(x_hbm.at[tok_v.at[h]], xbuf, sem).wait()
            pltpu.sync_copy(xbuf, xs_hbm.at[pl.ds(w * S + h * 64, 64)])


def _routing(e0, e1, x_flat):
    N, C = x_flat.shape
    R = 2 * N
    S = R // 16
    n_chunk = S // _L
    mesh = plsc.VectorSubcoreMesh(core_axis_name="c", subcore_axis_name="s")
    xs, pos, gs = pl.kernel(
        functools.partial(_routing_body, N=N, S=S),
        out_type=[
            jax.ShapeDtypeStruct((R, C), jnp.float32),
            jax.ShapeDtypeStruct((16, n_chunk, _L), jnp.int32),
            jax.ShapeDtypeStruct((_L,), jnp.int32),
        ],
        mesh=mesh,
        scratch_types=[
            pltpu.VMEM((S,), jnp.int32),
            pltpu.VMEM((n_chunk, _L), jnp.int32),
            pltpu.VMEM((_L,), jnp.int32),
            pltpu.VMEM_SHARED((16, _L), jnp.int32),
            pltpu.VMEM_SHARED((16, n_chunk, _L), jnp.int32),
            pltpu.VMEM((16, _L), jnp.int32),
            pltpu.VMEM((_L,), jnp.int32),
            pltpu.VMEM((_L,), jnp.int32),
            pltpu.VMEM((16, n_chunk, _L), jnp.int32),
            pltpu.VMEM((S // 64, 64), jnp.int32),
            pltpu.VMEM((64, C), jnp.float32),
            pltpu.SemaphoreType.DMA,
        ],
        compiler_params=pltpu.CompilerParams(needs_layout_passes=False),
    )(e0, e1, x_flat)
    return xs, pos.reshape(R), gs



def _combine_body(y_hbm, pos_hbm, w0_hbm, w1_hbm, out_hbm,
                  p0v, p1v, w0v, w1v, rows0, rows1, sem0, sem1,
                  *, N, C, TW):
    core = lax.axis_index("c")
    sub = lax.axis_index("s")
    wid = sub * 2 + core
    base = wid * TW

    pltpu.sync_copy(pos_hbm.at[pl.ds(base, TW)], p0v)
    pltpu.sync_copy(pos_hbm.at[pl.ds(N + base, TW)], p1v)
    pltpu.sync_copy(w0_hbm.at[pl.ds(base, TW)], w0v)
    pltpu.sync_copy(w1_hbm.at[pl.ds(base, TW)], w1v)
    for k in range(TW // _L):
        sl = pl.ds(k * _L, _L)
        p0v[sl] = p0v[sl] & (2 * N - 1)
        p1v[sl] = p1v[sl] & (2 * N - 1)
    cp0 = pltpu.async_copy(y_hbm.at[p0v], rows0, sem0)
    cp1 = pltpu.async_copy(y_hbm.at[p1v], rows1, sem1)
    cp0.wait()
    cp1.wait()

    def body(r, carry):
        s0 = plsc.load_gather(w0v, [jnp.broadcast_to(r, (_L,))])
        s1 = plsc.load_gather(w1v, [jnp.broadcast_to(r, (_L,))])
        for c in range(C // _L):
            sl = pl.ds(c * _L, _L)
            rows0[r, sl] = s0 * rows0[r, sl] + s1 * rows1[r, sl]
        return carry

    lax.fori_loop(0, TW, body, 0)
    pltpu.sync_copy(rows0, out_hbm.at[pl.ds(base, TW)])


def _combine(y, pos, w0, w1):
    R, C = y.shape
    N = R // 2
    TW = N // 32
    mesh = plsc.VectorSubcoreMesh(core_axis_name="c", subcore_axis_name="s")
    out = pl.kernel(
        functools.partial(_combine_body, N=N, C=C, TW=TW),
        out_type=jax.ShapeDtypeStruct((N, C), jnp.float32),
        mesh=mesh,
        scratch_types=[
            pltpu.VMEM((TW,), jnp.int32),
            pltpu.VMEM((TW,), jnp.int32),
            pltpu.VMEM((TW,), jnp.float32),
            pltpu.VMEM((TW,), jnp.float32),
            pltpu.VMEM((TW, C), jnp.float32),
            pltpu.VMEM((TW, C), jnp.float32),
            pltpu.SemaphoreType.DMA,
            pltpu.SemaphoreType.DMA,
        ],
        compiler_params=pltpu.CompilerParams(needs_layout_passes=False),
    )(y, pos, w0, w1)
    return out



def _group_metadata(group_sizes, R, bm, E):
    g_max = R // bm + E - 1
    ends = jnp.cumsum(group_sizes)
    starts = ends - group_sizes
    ntiles = jnp.where(group_sizes > 0,
                       (ends - 1) // bm - starts // bm + 1, 0)
    total = jnp.sum(ntiles)
    tile_cum_excl = jnp.cumsum(ntiles) - ntiles
    posn = jnp.arange(g_max, dtype=jnp.int32)
    gid_raw = jnp.repeat(jnp.arange(E, dtype=jnp.int32), ntiles,
                         total_repeat_length=g_max)
    gid_last = jnp.take(gid_raw, total - 1)
    valid = posn < total
    gid = jnp.where(valid, gid_raw, gid_last)
    tid_raw = starts[gid] // bm + (posn - tile_cum_excl[gid])
    tid_last = jnp.take(tid_raw, total - 1)
    tid = jnp.where(valid, tid_raw, tid_last).astype(jnp.int32)
    goff = jnp.concatenate([jnp.zeros(1, jnp.int32),
                            ends.astype(jnp.int32)])
    return gid.astype(jnp.int32), tid, goff



def _gmm_body(gid_ref, tid_ref, goff_ref,
              xs_ref, w1_ref, b1_ref, w2_ref, b2_ref,
              y_ref, *, bm):
    g = pl.program_id(0)
    e = gid_ref[g]
    t = tid_ref[g]

    xb = xs_ref[...].astype(jnp.bfloat16)
    w1b = w1_ref[0]
    h = jax.lax.dot_general(xb, w1b, (((1,), (1,)), ((), ())),
                            preferred_element_type=jnp.float32)
    h = jnp.maximum(h + b1_ref[0], 0.0)
    w2b = w2_ref[0]
    part = jax.lax.dot_general(h.astype(jnp.bfloat16), w2b,
                               (((1,), (1,)), ((), ())),
                               preferred_element_type=jnp.float32)

    rows = t * bm + jax.lax.broadcasted_iota(jnp.int32, (bm, 1), 0)
    mask = (rows >= goff_ref[e]) & (rows < goff_ref[e + 1])
    y_ref[...] = jnp.where(mask, part + b2_ref[0], y_ref[...])


def _gmm(x_sorted, W1, b1, W2, b2, gid, tid, goff):
    R, C = x_sorted.shape
    E, F = W1.shape[0], W1.shape[1]
    bm = _BM
    g_max = gid.shape[0]
    b1r = b1.reshape(E, 1, F)
    b2r = b2.reshape(E, 1, C)

    grid_spec = pltpu.PrefetchScalarGridSpec(
        num_scalar_prefetch=3,
        grid=(g_max,),
        in_specs=[
            pl.BlockSpec((bm, C), lambda g, gid, tid, go: (tid[g], 0)),
            pl.BlockSpec((1, F, C), lambda g, gid, tid, go: (gid[g], 0, 0)),
            pl.BlockSpec((1, 1, F), lambda g, gid, tid, go: (gid[g], 0, 0)),
            pl.BlockSpec((1, C, F), lambda g, gid, tid, go: (gid[g], 0, 0)),
            pl.BlockSpec((1, 1, C), lambda g, gid, tid, go: (gid[g], 0, 0)),
        ],
        out_specs=pl.BlockSpec(
            (bm, C), lambda g, gid, tid, go: (tid[g], 0)),
    )
    y = pl.pallas_call(
        functools.partial(_gmm_body, bm=bm),
        grid_spec=grid_spec,
        out_shape=jax.ShapeDtypeStruct((R, C), jnp.float32),
    )(gid, tid, goff, x_sorted,
      W1.astype(jnp.bfloat16), b1r, W2.astype(jnp.bfloat16), b2r)
    return y



def kernel(x, gate_W, W1, b1, W2, b2):
    B, T, C = x.shape
    E, F = W1.shape[0], W1.shape[1]
    N = B * T
    R = 2 * N
    x_flat = x.reshape(N, C)

    e0, e1, w0, w1 = _gating(x_flat, gate_W)
    x_sorted, pos, gs16 = _routing(e0, e1, x_flat)
    gid, tid, goff = _group_metadata(gs16[:E], R, _BM, E)
    y = _gmm(x_sorted, W1, b1, W2, b2, gid, tid, goff)
    out = _combine(y, pos, w0, w1)
    return out.reshape(B, T, C)

# --- scband reference (transcript-rebuilt; emitter-appended) ---
"""Pipeline reference for scband-mixture-of-experts-33981781246195 (READ-ONLY COPY).

The authoritative reference and input builder live on the scoring server;
editing this copy changes nothing except your own understanding.
"""

import jax, jax.numpy as jnp
import numpy as np

NUM_EXPERTS = 8
TOP_K = 2
EMBED_DIM = 768
FF_DIM = 4 * EMBED_DIM
BATCH = 1
SEQ = 2048


def setup_inputs(seed: int = 0) -> dict:
    key = jax.random.key(seed)
    ks = jax.random.split(key, 6)
    x = jax.random.normal(ks[0], (BATCH, SEQ, EMBED_DIM), dtype=jnp.float32)
    gate_W = jax.random.normal(ks[1], (NUM_EXPERTS, EMBED_DIM), dtype=jnp.float32) * 0.02
    W1 = jax.random.normal(ks[2], (NUM_EXPERTS, FF_DIM, EMBED_DIM), dtype=jnp.float32) * 0.02
    b1 = jax.random.normal(ks[3], (NUM_EXPERTS, FF_DIM), dtype=jnp.float32) * 0.02
    W2 = jax.random.normal(ks[4], (NUM_EXPERTS, EMBED_DIM, FF_DIM), dtype=jnp.float32) * 0.02
    b2 = jax.random.normal(ks[5], (NUM_EXPERTS, EMBED_DIM), dtype=jnp.float32) * 0.02
    return {"x": x, "gate_W": gate_W, "W1": W1, "b1": b1, "W2": W2, "b2": b2}


def reference(x, gate_W, W1, b1, W2, b2):
    B, T, C = x.shape
    E = gate_W.shape[0]
    x_flat = x.reshape(-1, C)
    # Gate: linear (no bias) -> softmax (float32) -> top-k -> renormalize
    logits = x_flat @ gate_W.T
    weights = jax.nn.softmax(logits.astype(jnp.float32), axis=-1)
    top_k_weights, top_k_indices = jax.lax.top_k(weights, TOP_K)
    top_k_weights_norm = top_k_weights / jnp.sum(top_k_weights, axis=-1, keepdims=True)
    top_k_weights_norm = top_k_weights_norm.astype(x.dtype)
    # Combine weights per expert: [N, E]; zero where the expert is not selected.
    one_hot = jax.nn.one_hot(top_k_indices, E, dtype=x.dtype)  # [N, K, E]
    combine = jnp.sum(one_hot * top_k_weights_norm[..., None], axis=1)  # [N, E]
    # Expert MLPs (dropout is identity in eval mode). Dense masked compute is
    # mathematically identical to the per-expert gather/scatter loop since
    # non-selected experts receive combine weight 0.
    h = jnp.einsum('nc,efc->nef', x_flat, W1) + b1[None, :, :]
    h = jax.nn.relu(h)
    expert_out = jnp.einsum('nef,ecf->nec', h, W2) + b2[None, :, :]
    final = jnp.einsum('nec,ne->nc', expert_out, combine)
    return final.reshape(B, T, C)

if __name__ == "__main__":
    import jax
    _d = setup_inputs()
    print(jax.jit(kernel)(*tuple(_d.values())))

</pallas_src>

<mosaic_0001>
#map = affine_map<(d0, d1) -> (0, 0)>
#map1 = affine_map<(d0, d1) -> (0)>
module attributes {stable_mosaic.version = 14 : i64} {
  func.func @_combine_body(%arg0: i32, %arg1: i32, %arg2: memref<4096x768xf32, #tpu.memory_space<hbm>>, %arg3: memref<4096xi32, #tpu.memory_space<hbm>>, %arg4: memref<2048xf32, #tpu.memory_space<hbm>>, %arg5: memref<2048xf32, #tpu.memory_space<hbm>>, %arg6: memref<2048x768xf32, #tpu.memory_space<hbm>>, %arg7: memref<64xi32, #tpu.memory_space<vmem>>, %arg8: memref<64xi32, #tpu.memory_space<vmem>>, %arg9: memref<64xf32, #tpu.memory_space<vmem>>, %arg10: memref<64xf32, #tpu.memory_space<vmem>>, %arg11: memref<64x768xf32, #tpu.memory_space<vmem>>, %arg12: memref<64x768xf32, #tpu.memory_space<vmem>>, %arg13: memref<!tpu.dma_semaphore, #tpu.memory_space<semaphore_mem>>, %arg14: memref<!tpu.dma_semaphore, #tpu.memory_space<semaphore_mem>>) attributes {dimension_semantics = [#tpu.dimension_semantics<core_parallel>, #tpu.dimension_semantics<subcore_parallel>], iteration_bounds = array<i64: 2, 16>, scalar_prefetch = 0 : i64, scratch_operands = 8 : i64, tpu.core_type = #tpu.core_type<sc_vector_subcore>, window_params = [{transform_indices = #map}, {transform_indices = #map1}, {transform_indices = #map1}, {transform_indices = #map1}, {transform_indices = #map}]} {
    %mul3A = arith.constant 2 : i32
    %mul3A_0 = arith.muli %arg1, %mul3A : i32
    %add3A = arith.addi %mul3A_0, %arg0 : i32
    %mul3A_1 = arith.constant 64 : i32
    %mul3A_2 = arith.muli %add3A, %mul3A_1 : i32
    "tpu.region"() ({
      %run_scoped3A = tpu.sem_alloc : memref<!tpu.dma_semaphore, #tpu.memory_space<semaphore_mem>>
      %dma_start3A_73 = tpu.memref_slice %arg3[%mul3A_2] : memref<4096xi32, #tpu.memory_space<hbm>> -> memref<64xi32, #tpu.memory_space<hbm>>
      %dma_start3A_74 = tpu.memref_slice %arg3[%mul3A_2] : memref<4096xi32, #tpu.memory_space<hbm>> -> memref<64xi32, #tpu.memory_space<hbm>>
      tpu.enqueue_dma source(%dma_start3A_74 : memref<64xi32, #tpu.memory_space<hbm>>) target(%arg7 : memref<64xi32, #tpu.memory_space<vmem>>) target_semaphore(%run_scoped3A : memref<!tpu.dma_semaphore, #tpu.memory_space<semaphore_mem>>)
      %dma_wait3A_75 = tpu.memref_slice %arg3[%mul3A_2] : memref<4096xi32, #tpu.memory_space<hbm>> -> memref<64xi32, #tpu.memory_space<hbm>>
      %dma_wait3A_76 = tpu.memref_slice %arg3[%mul3A_2] : memref<4096xi32, #tpu.memory_space<hbm>> -> memref<64xi32, #tpu.memory_space<hbm>>
      tpu.wait_dma2 semaphore(%run_scoped3A : memref<!tpu.dma_semaphore, #tpu.memory_space<semaphore_mem>>) src(%dma_wait3A_76 : memref<64xi32, #tpu.memory_space<hbm>>) dst(%arg7 : memref<64xi32, #tpu.memory_space<vmem>>)
      tpu.yield
    }) : () -> ()
    %add3A_3 = arith.constant 2048 : i32
    %add3A_4 = arith.addi %add3A_3, %mul3A_2 : i32
    "tpu.region"() ({
      %run_scoped3A = tpu.sem_alloc : memref<!tpu.dma_semaphore, #tpu.memory_space<semaphore_mem>>
      %dma_start3A_73 = tpu.memref_slice %arg3[%add3A_4] : memref<4096xi32, #tpu.memory_space<hbm>> -> memref<64xi32, #tpu.memory_space<hbm>>
      %dma_start3A_74 = tpu.memref_slice %arg3[%add3A_4] : memref<4096xi32, #tpu.memory_space<hbm>> -> memref<64xi32, #tpu.memory_space<hbm>>
      tpu.enqueue_dma source(%dma_start3A_74 : memref<64xi32, #tpu.memory_space<hbm>>) target(%arg8 : memref<64xi32, #tpu.memory_space<vmem>>) target_semaphore(%run_scoped3A : memref<!tpu.dma_semaphore, #tpu.memory_space<semaphore_mem>>)
      %dma_wait3A_75 = tpu.memref_slice %arg3[%add3A_4] : memref<4096xi32, #tpu.memory_space<hbm>> -> memref<64xi32, #tpu.memory_space<hbm>>
      %dma_wait3A_76 = tpu.memref_slice %arg3[%add3A_4] : memref<4096xi32, #tpu.memory_space<hbm>> -> memref<64xi32, #tpu.memory_space<hbm>>
      tpu.wait_dma2 semaphore(%run_scoped3A : memref<!tpu.dma_semaphore, #tpu.memory_space<semaphore_mem>>) src(%dma_wait3A_76 : memref<64xi32, #tpu.memory_space<hbm>>) dst(%arg8 : memref<64xi32, #tpu.memory_space<vmem>>)
      tpu.yield
    }) : () -> ()
    "tpu.region"() ({
      %run_scoped3A = tpu.sem_alloc : memref<!tpu.dma_semaphore, #tpu.memory_space<semaphore_mem>>
      %dma_start3A_73 = tpu.memref_slice %arg4[%mul3A_2] : memref<2048xf32, #tpu.memory_space<hbm>> -> memref<64xf32, #tpu.memory_space<hbm>>
      %dma_start3A_74 = tpu.memref_slice %arg4[%mul3A_2] : memref<2048xf32, #tpu.memory_space<hbm>> -> memref<64xf32, #tpu.memory_space<hbm>>
      tpu.enqueue_dma source(%dma_start3A_74 : memref<64xf32, #tpu.memory_space<hbm>>) target(%arg9 : memref<64xf32, #tpu.memory_space<vmem>>) target_semaphore(%run_scoped3A : memref<!tpu.dma_semaphore, #tpu.memory_space<semaphore_mem>>)
      %dma_wait3A_75 = tpu.memref_slice %arg4[%mul3A_2] : memref<2048xf32, #tpu.memory_space<hbm>> -> memref<64xf32, #tpu.memory_space<hbm>>
      %dma_wait3A_76 = tpu.memref_slice %arg4[%mul3A_2] : memref<2048xf32, #tpu.memory_space<hbm>> -> memref<64xf32, #tpu.memory_space<hbm>>
      tpu.wait_dma2 semaphore(%run_scoped3A : memref<!tpu.dma_semaphore, #tpu.memory_space<semaphore_mem>>) src(%dma_wait3A_76 : memref<64xf32, #tpu.memory_space<hbm>>) dst(%arg9 : memref<64xf32, #tpu.memory_space<vmem>>)
      tpu.yield
    }) : () -> ()
    "tpu.region"() ({
      %run_scoped3A = tpu.sem_alloc : memref<!tpu.dma_semaphore, #tpu.memory_space<semaphore_mem>>
      %dma_start3A_73 = tpu.memref_slice %arg5[%mul3A_2] : memref<2048xf32, #tpu.memory_space<hbm>> -> memref<64xf32, #tpu.memory_space<hbm>>
      %dma_start3A_74 = tpu.memref_slice %arg5[%mul3A_2] : memref<2048xf32, #tpu.memory_space<hbm>> -> memref<64xf32, #tpu.memory_space<hbm>>
      tpu.enqueue_dma source(%dma_start3A_74 : memref<64xf32, #tpu.memory_space<hbm>>) target(%arg10 : memref<64xf32, #tpu.memory_space<vmem>>) target_semaphore(%run_scoped3A : memref<!tpu.dma_semaphore, #tpu.memory_space<semaphore_mem>>)
      %dma_wait3A_75 = tpu.memref_slice %arg5[%mul3A_2] : memref<2048xf32, #tpu.memory_space<hbm>> -> memref<64xf32, #tpu.memory_space<hbm>>
      %dma_wait3A_76 = tpu.memref_slice %arg5[%mul3A_2] : memref<2048xf32, #tpu.memory_space<hbm>> -> memref<64xf32, #tpu.memory_space<hbm>>
      tpu.wait_dma2 semaphore(%run_scoped3A : memref<!tpu.dma_semaphore, #tpu.memory_space<semaphore_mem>>) src(%dma_wait3A_76 : memref<64xf32, #tpu.memory_space<hbm>>) dst(%arg10 : memref<64xf32, #tpu.memory_space<vmem>>)
      tpu.yield
    }) : () -> ()
    %get3A = arith.constant 0 : index
    %get3A_5 = tpu.vector_load %arg7[%get3A] {strides = array<i32>} : memref<64xi32, #tpu.memory_space<vmem>>, vector<16xi32>,
    %and3A = arith.constant 4095 : i32
    %and3A_6 = vector.broadcast %and3A : i32 to vector<16xi32>
    %and3A_7 = arith.andi %get3A_5, %and3A_6 : vector<16xi32>
    %swap3A = arith.constant 0 : index
    %swap3A_8 = tpu.vector_load %arg7[%swap3A] {strides = array<i32>} : memref<64xi32, #tpu.memory_space<vmem>>, vector<16xi32>,
    tpu.vector_store %arg7[%swap3A], %and3A_7 {strides = array<i32>} : memref<64xi32, #tpu.memory_space<vmem>>, vector<16xi32>,
    %get3A_9 = arith.constant 0 : index
    %get3A_10 = tpu.vector_load %arg8[%get3A_9] {strides = array<i32>} : memref<64xi32, #tpu.memory_space<vmem>>, vector<16xi32>,
    %and3A_11 = arith.constant 4095 : i32
    %and3A_12 = vector.broadcast %and3A_11 : i32 to vector<16xi32>
    %and3A_13 = arith.andi %get3A_10, %and3A_12 : vector<16xi32>
    %swap3A_14 = arith.constant 0 : index
    %swap3A_15 = tpu.vector_load %arg8[%swap3A_14] {strides = array<i32>} : memref<64xi32, #tpu.memory_space<vmem>>, vector<16xi32>,
    tpu.vector_store %arg8[%swap3A_14], %and3A_13 {strides = array<i32>} : memref<64xi32, #tpu.memory_space<vmem>>, vector<16xi32>,
    %get3A_16 = arith.constant 16 : index
    %get3A_17 = tpu.vector_load %arg7[%get3A_16] {strides = array<i32>} : memref<64xi32, #tpu.memory_space<vmem>>, vector<16xi32>,
    %and3A_18 = arith.constant 4095 : i32
    %and3A_19 = vector.broadcast %and3A_18 : i32 to vector<16xi32>
    %and3A_20 = arith.andi %get3A_17, %and3A_19 : vector<16xi32>
    %swap3A_21 = arith.constant 16 : index
    %swap3A_22 = tpu.vector_load %arg7[%swap3A_21] {strides = array<i32>} : memref<64xi32, #tpu.memory_space<vmem>>, vector<16xi32>,
    tpu.vector_store %arg7[%swap3A_21], %and3A_20 {strides = array<i32>} : memref<64xi32, #tpu.memory_space<vmem>>, vector<16xi32>,
    %get3A_23 = arith.constant 16 : index
    %get3A_24 = tpu.vector_load %arg8[%get3A_23] {strides = array<i32>} : memref<64xi32, #tpu.memory_space<vmem>>, vector<16xi32>,
    %and3A_25 = arith.constant 4095 : i32
    %and3A_26 = vector.broadcast %and3A_25 : i32 to vector<16xi32>
    %and3A_27 = arith.andi %get3A_24, %and3A_26 : vector<16xi32>
    %swap3A_28 = arith.constant 16 : index
    %swap3A_29 = tpu.vector_load %arg8[%swap3A_28] {strides = array<i32>} : memref<64xi32, #tpu.memory_space<vmem>>, vector<16xi32>,
    tpu.vector_store %arg8[%swap3A_28], %and3A_27 {strides = array<i32>} : memref<64xi32, #tpu.memory_space<vmem>>, vector<16xi32>,
    %get3A_30 = arith.constant 32 : index
    %get3A_31 = tpu.vector_load %arg7[%get3A_30] {strides = array<i32>} : memref<64xi32, #tpu.memory_space<vmem>>, vector<16xi32>,
    %and3A_32 = arith.constant 4095 : i32
    %and3A_33 = vector.broadcast %and3A_32 : i32 to vector<16xi32>
    %and3A_34 = arith.andi %get3A_31, %and3A_33 : vector<16xi32>
    %swap3A_35 = arith.constant 32 : index
    %swap3A_36 = tpu.vector_load %arg7[%swap3A_35] {strides = array<i32>} : memref<64xi32, #tpu.memory_space<vmem>>, vector<16xi32>,
    tpu.vector_store %arg7[%swap3A_35], %and3A_34 {strides = array<i32>} : memref<64xi32, #tpu.memory_space<vmem>>, vector<16xi32>,
    %get3A_37 = arith.constant 32 : index
    %get3A_38 = tpu.vector_load %arg8[%get3A_37] {strides = array<i32>} : memref<64xi32, #tpu.memory_space<vmem>>, vector<16xi32>,
    %and3A_39 = arith.constant 4095 : i32
    %and3A_40 = vector.broadcast %and3A_39 : i32 to vector<16xi32>
    %and3A_41 = arith.andi %get3A_38, %and3A_40 : vector<16xi32>
    %swap3A_42 = arith.constant 32 : index
    %swap3A_43 = tpu.vector_load %arg8[%swap3A_42] {strides = array<i32>} : memref<64xi32, #tpu.memory_space<vmem>>, vector<16xi32>,
    tpu.vector_store %arg8[%swap3A_42], %and3A_41 {strides = array<i32>} : memref<64xi32, #tpu.memory_space<vmem>>, vector<16xi32>,
    %get3A_44 = arith.constant 48 : index
    %get3A_45 = tpu.vector_load %arg7[%get3A_44] {strides = array<i32>} : memref<64xi32, #tpu.memory_space<vmem>>, vector<16xi32>,
    %and3A_46 = arith.constant 4095 : i32
    %and3A_47 = vector.broadcast %and3A_46 : i32 to vector<16xi32>
    %and3A_48 = arith.andi %get3A_45, %and3A_47 : vector<16xi32>
    %swap3A_49 = arith.constant 48 : index
    %swap3A_50 = tpu.vector_load %arg7[%swap3A_49] {strides = array<i32>} : memref<64xi32, #tpu.memory_space<vmem>>, vector<16xi32>,
    tpu.vector_store %arg7[%swap3A_49], %and3A_48 {strides = array<i32>} : memref<64xi32, #tpu.memory_space<vmem>>, vector<16xi32>,
    %get3A_51 = arith.constant 48 : index
    %get3A_52 = tpu.vector_load %arg8[%get3A_51] {strides = array<i32>} : memref<64xi32, #tpu.memory_space<vmem>>, vector<16xi32>,
    %and3A_53 = arith.constant 4095 : i32
    %and3A_54 = vector.broadcast %and3A_53 : i32 to vector<16xi32>
    %and3A_55 = arith.andi %get3A_52, %and3A_54 : vector<16xi32>
    %swap3A_56 = arith.constant 48 : index
    %swap3A_57 = tpu.vector_load %arg8[%swap3A_56] {strides = array<i32>} : memref<64xi32, #tpu.memory_space<vmem>>, vector<16xi32>,
    tpu.vector_store %arg8[%swap3A_56], %and3A_55 {strides = array<i32>} : memref<64xi32, #tpu.memory_space<vmem>>, vector<16xi32>,
    %dma_start3A = arith.constant 0 : i32
    %dma_start3A_58 = arith.constant 0 : i32
    %dma_start3A_59 = tpu.memref_slice %arg2[%dma_start3A, %dma_start3A_58] : memref<4096x768xf32, #tpu.memory_space<hbm>> -> memref<4096x768xf32, #tpu.memory_space<hbm>>
    tpu.enqueue_indirect_dma source(%dma_start3A_59 : memref<4096x768xf32, #tpu.memory_space<hbm>>) target(%arg11 : memref<64x768xf32, #tpu.memory_space<vmem>>) offsets(%arg7 : memref<64xi32, #tpu.memory_space<vmem>>) semaphore(%arg13 : memref<!tpu.dma_semaphore, #tpu.memory_space<semaphore_mem>>)
    %dma_start3A_60 = arith.constant 0 : i32
    %dma_start3A_61 = arith.constant 0 : i32
    %dma_start3A_62 = tpu.memref_slice %arg2[%dma_start3A_60, %dma_start3A_61] : memref<4096x768xf32, #tpu.memory_space<hbm>> -> memref<4096x768xf32, #tpu.memory_space<hbm>>
    tpu.enqueue_indirect_dma source(%dma_start3A_62 : memref<4096x768xf32, #tpu.memory_space<hbm>>) target(%arg12 : memref<64x768xf32, #tpu.memory_space<vmem>>) offsets(%arg8 : memref<64xi32, #tpu.memory_space<vmem>>) semaphore(%arg14 : memref<!tpu.dma_semaphore, #tpu.memory_space<semaphore_mem>>)
    %dma_wait3A = arith.constant 0 : i32
    %dma_wait3A_63 = arith.constant 0 : i32
    %dma_wait3A_64 = tpu.memref_slice %arg2[%dma_wait3A, %dma_wait3A_63] : memref<4096x768xf32, #tpu.memory_space<hbm>> -> memref<4096x768xf32, #tpu.memory_space<hbm>>
    tpu.wait_indirect_dma semaphore(%arg13 : memref<!tpu.dma_semaphore, #tpu.memory_space<semaphore_mem>>) src(%dma_wait3A_64 : memref<4096x768xf32, #tpu.memory_space<hbm>>) dst(%arg11 : memref<64x768xf32, #tpu.memory_space<vmem>>)
    %dma_wait3A_65 = arith.constant 0 : i32
    %dma_wait3A_66 = arith.constant 0 : i32
    %dma_wait3A_67 = tpu.memref_slice %arg2[%dma_wait3A_65, %dma_wait3A_66] : memref<4096x768xf32, #tpu.memory_space<hbm>> -> memref<4096x768xf32, #tpu.memory_space<hbm>>
    tpu.wait_indirect_dma semaphore(%arg14 : memref<!tpu.dma_semaphore, #tpu.memory_space<semaphore_mem>>) src(%dma_wait3A_67 : memref<4096x768xf32, #tpu.memory_space<hbm>>) dst(%arg12 : memref<64x768xf32, #tpu.memory_space<vmem>>)
    %scan3A = arith.constant 0 : i32
    %scan3A_68 = arith.constant 0 : i32
    %scan3A_69 = arith.constant 64 : i32
    %scan3A_70 = arith.addi %scan3A_68, %scan3A_69 : i32
    %scan3A_71 = arith.constant 1 : i32
    scf.for %scan3A_73 = %scan3A_68 to %scan3A_70 step %scan3A_71  : i32 {
      %broadcast_in_dim3A = vector.broadcast %scan3A_73 : i32 to vector<16xi32>
      %gather3A = tpu.vector_load_idx %arg9[%broadcast_in_dim3A] : memref<64xf32, #tpu.memory_space<vmem>>[vector<16xi32>], vector<16xf32>,
      %broadcast_in_dim3A_74 = vector.broadcast %scan3A_73 : i32 to vector<16xi32>
      %gather3A_75 = tpu.vector_load_idx %arg10[%broadcast_in_dim3A_74] : memref<64xf32, #tpu.memory_space<vmem>>[vector<16xi32>], vector<16xf32>,
      %get3A_76 = arith.index_cast %scan3A_73 : i32 to index
      %get3A_77 = arith.constant 0 : index
      %get3A_78 = tpu.vector_load %arg11[%get3A_76, %get3A_77] {strides = array<i32>} : memref<64x768xf32, #tpu.memory_space<vmem>>, vector<16xf32>,
      %mul3A_79 = arith.mulf %gather3A, %get3A_78 : vector<16xf32>
      %get3A_80 = arith.index_cast %scan3A_73 : i32 to index
      %get3A_81 = arith.constant 0 : index
      %get3A_82 = tpu.vector_load %arg12[%get3A_80, %get3A_81] {strides = array<i32>} : memref<64x768xf32, #tpu.memory_space<vmem>>, vector<16xf32>,
      %mul3A_83 = arith.mulf %gather3A_75, %get3A_82 : vector<16xf32>
      %add3A_84 = arith.addf %mul3A_79, %mul3A_83 : vector<16xf32>
      %swap3A_85 = arith.index_cast %scan3A_73 : i32 to index
      %swap3A_86 = arith.constant 0 : index
      %swap3A_87 = tpu.vector_load %arg11[%swap3A_85, %swap3A_86] {strides = array<i32>} : memref<64x768xf32, #tpu.memory_space<vmem>>, vector<16xf32>,
      tpu.vector_store %arg11[%swap3A_85, %swap3A_86], %add3A_84 {strides = array<i32>} : memref<64x768xf32, #tpu.memory_space<vmem>>, vector<16xf32>,
      %get3A_88 = arith.index_cast %scan3A_73 : i32 to index
      %get3A_89 = arith.constant 16 : index
      %get3A_90 = tpu.vector_load %arg11[%get3A_88, %get3A_89] {strides = array<i32>} : memref<64x768xf32, #tpu.memory_space<vmem>>, vector<16xf32>,
      %mul3A_91 = arith.mulf %gather3A, %get3A_90 : vector<16xf32>
      %get3A_92 = arith.index_cast %scan3A_73 : i32 to index
      %get3A_93 = arith.constant 16 : index
      %get3A_94 = tpu.vector_load %arg12[%get3A_92, %get3A_93] {strides = array<i32>} : memref<64x768xf32, #tpu.memory_space<vmem>>, vector<16xf32>,
      %mul3A_95 = arith.mulf %gather3A_75, %get3A_94 : vector<16xf32>
      %add3A_96 = arith.addf %mul3A_91, %mul3A_95 : vector<16xf32>
      %swap3A_97 = arith.index_cast %scan3A_73 : i32 to index
      %swap3A_98 = arith.constant 16 : index
      %swap3A_99 = tpu.vector_load %arg11[%swap3A_97, %swap3A_98] {strides = array<i32>} : memref<64x768xf32, #tpu.memory_space<vmem>>, vector<16xf32>,
      tpu.vector_store %arg11[%swap3A_97, %swap3A_98], %add3A_96 {strides = array<i32>} : memref<64x768xf32, #tpu.memory_space<vmem>>, vector<16xf32>,
      %get3A_100 = arith.index_cast %scan3A_73 : i32 to index
      %get3A_101 = arith.constant 32 : index
      %get3A_102 = tpu.vector_load %arg11[%get3A_100, %get3A_101] {strides = array<i32>} : memref<64x768xf32, #tpu.memory_space<vmem>>, vector<16xf32>,
      %mul3A_103 = arith.mulf %gather3A, %get3A_102 : vector<16xf32>
      %get3A_104 = arith.index_cast %scan3A_73 : i32 to index
      %get3A_105 = arith.constant 32 : index
      %get3A_106 = tpu.vector_load %arg12[%get3A_104, %get3A_105] {strides = array<i32>} : memref<64x768xf32, #tpu.memory_space<vmem>>, vector<16xf32>,
      %mul3A_107 = arith.mulf %gather3A_75, %get3A_106 : vector<16xf32>
      %add3A_108 = arith.addf %mul3A_103, %mul3A_107 : vector<16xf32>
      %swap3A_109 = arith.index_cast %scan3A_73 : i32 to index
      %swap3A_110 = arith.constant 32 : index
      %swap3A_111 = tpu.vector_load %arg11[%swap3A_109, %swap3A_110] {strides = array<i32>} : memref<64x768xf32, #tpu.memory_space<vmem>>, vector<16xf32>,
      tpu.vector_store %arg11[%swap3A_109, %swap3A_110], %add3A_108 {strides = array<i32>} : memref<64x768xf32, #tpu.memory_space<vmem>>, vector<16xf32>,
      %get3A_112 = arith.index_cast %scan3A_73 : i32 to index
      %get3A_113 = arith.constant 48 : index
      %get3A_114 = tpu.vector_load %arg11[%get3A_112, %get3A_113] {strides = array<i32>} : memref<64x768xf32, #tpu.memory_space<vmem>>, vector<16xf32>,
      %mul3A_115 = arith.mulf %gather3A, %get3A_114 : vector<16xf32>
      %get3A_116 = arith.index_cast %scan3A_73 : i32 to index
      %get3A_117 = arith.constant 48 : index
      %get3A_118 = tpu.vector_load %arg12[%get3A_116, %get3A_117] {strides = array<i32>} : memref<64x768xf32, #tpu.memory_space<vmem>>, vector<16xf32>,
      %mul3A_119 = arith.mulf %gather3A_75, %get3A_118 : vector<16xf32>
      %add3A_120 = arith.addf %mul3A_115, %mul3A_119 : vector<16xf32>
      %swap3A_121 = arith.index_cast %scan3A_73 : i32 to index
      %swap3A_122 = arith.constant 48 : index
      %swap3A_123 = tpu.vector_load %arg11[%swap3A_121, %swap3A_122] {strides = array<i32>} : memref<64x768xf32, #tpu.memory_space<vmem>>, vector<16xf32>,
      tpu.vector_store %arg11[%swap3A_121, %swap3A_122], %add3A_120 {strides = array<i32>} : memref<64x768xf32, #tpu.memory_space<vmem>>, vector<16xf32>,
      %get3A_124 = arith.index_cast %scan3A_73 : i32 to index
      %get3A_125 = arith.constant 64 : index
      %get3A_126 = tpu.vector_load %arg11[%get3A_124, %get3A_125] {strides = array<i32>} : memref<64x768xf32, #tpu.memory_space<vmem>>, vector<16xf32>,
      %mul3A_127 = arith.mulf %gather3A, %get3A_126 : vector<16xf32>
      %get3A_128 = arith.index_cast %scan3A_73 : i32 to index
      %get3A_129 = arith.constant 64 : index
      %get3A_130 = tpu.vector_load %arg12[%get3A_128, %get3A_129] {strides = array<i32>} : memref<64x768xf32, #tpu.memory_space<vmem>>, vector<16xf32>,
      %mul3A_131 = arith.mulf %gather3A_75, %get3A_130 : vector<16xf32>
      %add3A_132 = arith.addf %mul3A_127, %mul3A_131 : vector<16xf32>
      %swap3A_133 = arith.index_cast %scan3A_73 : i32 to index
      %swap3A_134 = arith.constant 64 : index
      %swap3A_135 = tpu.vector_load %arg11[%swap3A_133, %swap3A_134] {strides = array<i32>} : memref<64x768xf32, #tpu.memory_space<vmem>>, vector<16xf32>,
      tpu.vector_store %arg11[%swap3A_133, %swap3A_134], %add3A_132 {strides = array<i32>} : memref<64x768xf32, #tpu.memory_space<vmem>>, vector<16xf32>,
      %get3A_136 = arith.index_cast %scan3A_73 : i32 to index
      %get3A_137 = arith.constant 80 : index
      %get3A_138 = tpu.vector_load %arg11[%get3A_136, %get3A_137] {strides = array<i32>} : memref<64x768xf32, #tpu.memory_space<vmem>>, vector<16xf32>,
      %mul3A_139 = arith.mulf %gather3A, %get3A_138 : vector<16xf32>
      %get3A_140 = arith.index_cast %scan3A_73 : i32 to index
      %get3A_141 = arith.constant 80 : index
      %get3A_142 = tpu.vector_load %arg12[%get3A_140, %get3A_141] {strides = array<i32>} : memref<64x768xf32, #tpu.memory_space<vmem>>, vector<16xf32>,
      %mul3A_143 = arith.mulf %gather3A_75, %get3A_142 : vector<16xf32>
      %add3A_144 = arith.addf %mul3A_139, %mul3A_143 : vector<16xf32>
      %swap3A_145 = arith.index_cast %scan3A_73 : i32 to index
      %swap3A_146 = arith.constant 80 : index
      %swap3A_147 = tpu.vector_load %arg11[%swap3A_145, %swap3A_146] {strides = array<i32>} : memref<64x768xf32, #tpu.memory_space<vmem>>, vector<16xf32>,
      tpu.vector_store %arg11[%swap3A_145, %swap3A_146], %add3A_144 {strides = array<i32>} : memref<64x768xf32, #tpu.memory_space<vmem>>, vector<16xf32>,
      %get3A_148 = arith.index_cast %scan3A_73 : i32 to index
      %get3A_149 = arith.constant 96 : index
      %get3A_150 = tpu.vector_load %arg11[%get3A_148, %get3A_149] {strides = array<i32>} : memref<64x768xf32, #tpu.memory_space<vmem>>, vector<16xf32>,
      %mul3A_151 = arith.mulf %gather3A, %get3A_150 : vector<16xf32>
      %get3A_152 = arith.index_cast %scan3A_73 : i32 to index
      %get3A_153 = arith.constant 96 : index
      %get3A_154 = tpu.vector_load %arg12[%get3A_152, %get3A_153] {strides = array<i32>} : memref<64x768xf32, #tpu.memory_space<vmem>>, vector<16xf32>,
      %mul3A_155 = arith.mulf %gather3A_75, %get3A_154 : vector<16xf32>
      %add3A_156 = arith.addf %mul3A_151, %mul3A_155 : vector<16xf32>
      %swap3A_157 = arith.index_cast %scan3A_73 : i32 to index
      %swap3A_158 = arith.constant 96 : index
      %swap3A_159 = tpu.vector_load %arg11[%swap3A_157, %swap3A_158] {strides = array<i32>} : memref<64x768xf32, #tpu.memory_space<vmem>>, vector<16xf32>,
      tpu.vector_store %arg11[%swap3A_157, %swap3A_158], %add3A_156 {strides = array<i32>} : memref<64x768xf32, #tpu.memory_space<vmem>>, vector<16xf32>,
      %get3A_160 = arith.index_cast %scan3A_73 : i32 to index
      %get3A_161 = arith.constant 112 : index
      %get3A_162 = tpu.vector_load %arg11[%get3A_160, %get3A_161] {strides = array<i32>} : memref<64x768xf32, #tpu.memory_space<vmem>>, vector<16xf32>,
      %mul3A_163 = arith.mulf %gather3A, %get3A_162 : vector<16xf32>
      %get3A_164 = arith.index_cast %scan3A_73 : i32 to index
      %get3A_165 = arith.constant 112 : index
      %get3A_166 = tpu.vector_load %arg12[%get3A_164, %get3A_165] {strides = array<i32>} : memref<64x768xf32, #tpu.memory_space<vmem>>, vector<16xf32>,
      %mul3A_167 = arith.mulf %gather3A_75, %get3A_166 : vector<16xf32>
      %add3A_168 = arith.addf %mul3A_163, %mul3A_167 : vector<16xf32>
      %swap3A_169 = arith.index_cast %scan3A_73 : i32 to index
      %swap3A_170 = arith.constant 112 : index
      %swap3A_171 = tpu.vector_load %arg11[%swap3A_169, %swap3A_170] {strides = array<i32>} : memref<64x768xf32, #tpu.memory_space<vmem>>, vector<16xf32>,
      tpu.vector_store %arg11[%swap3A_169, %swap3A_170], %add3A_168 {strides = array<i32>} : memref<64x768xf32, #tpu.memory_space<vmem>>, vector<16xf32>,
      %get3A_172 = arith.index_cast %scan3A_73 : i32 to index
      %get3A_173 = arith.constant 128 : index
      %get3A_174 = tpu.vector_load %arg11[%get3A_172, %get3A_173] {strides = array<i32>} : memref<64x768xf32, #tpu.memory_space<vmem>>, vector<16xf32>,
      %mul3A_175 = arith.mulf %gather3A, %get3A_174 : vector<16xf32>
      %get3A_176 = arith.index_cast %scan3A_73 : i32 to index
      %get3A_177 = arith.constant 128 : index
      %get3A_178 = tpu.vector_load %arg12[%get3A_176, %get3A_177] {strides = array<i32>} : memref<64x768xf32, #tpu.memory_space<vmem>>, vector<16xf32>,
      %mul3A_179 = arith.mulf %gather3A_75, %get3A_178 : vector<16xf32>
      %add3A_180 = arith.addf %mul3A_175, %mul3A_179 : vector<16xf32>
      %swap3A_181 = arith.index_cast %scan3A_73 : i32 to index
      %swap3A_182 = arith.constant 128 : index
      %swap3A_183 = tpu.vector_load %arg11[%swap3A_181, %swap3A_182] {strides = array<i32>} : memref<64x768xf32, #tpu.memory_space<vmem>>, vector<16xf32>,
      tpu.vector_store %arg11[%swap3A_181, %swap3A_182], %add3A_180 {strides = array<i32>} : memref<64x768xf32, #tpu.memory_space<vmem>>, vector<16xf32>,
      %get3A_184 = arith.index_cast %scan3A_73 : i32 to index
      %get3A_185 = arith.constant 144 : index
      %get3A_186 = tpu.vector_load %arg11[%get3A_184, %get3A_185] {strides = array<i32>} : memref<64x768xf32, #tpu.memory_space<vmem>>, vector<16xf32>,
      %mul3A_187 = arith.mulf %gather3A, %get3A_186 : vector<16xf32>
      %get3A_188 = arith.index_cast %scan3A_73 : i32 to index
      %get3A_189 = arith.constant 144 : index
      %get3A_190 = tpu.vector_load %arg12[%get3A_188, %get3A_189] {strides = array<i32>} : memref<64x768xf32, #tpu.memory_space<vmem>>, vector<16xf32>,
      %mul3A_191 = arith.mulf %gather3A_75, %get3A_190 : vector<16xf32>
      %add3A_192 = arith.addf %mul3A_187, %mul3A_191 : vector<16xf32>
      %swap3A_193 = arith.index_cast %scan3A_73 : i32 to index
      %swap3A_194 = arith.constant 144 : index
      %swap3A_195 = tpu.vector_load %arg11[%swap3A_193, %swap3A_194] {strides = array<i32>} : memref<64x768xf32, #tpu.memory_space<vmem>>, vector<16xf32>,
      tpu.vector_store %arg11[%swap3A_193, %swap3A_194], %add3A_192 {strides = array<i32>} : memref<64x768xf32, #tpu.memory_space<vmem>>, vector<16xf32>,
      %get3A_196 = arith.index_cast %scan3A_73 : i32 to index
      %get3A_197 = arith.constant 160 : index
      %get3A_198 = tpu.vector_load %arg11[%get3A_196, %get3A_197] {strides = array<i32>} : memref<64x768xf32, #tpu.memory_space<vmem>>, vector<16xf32>,
      %mul3A_199 = arith.mulf %gather3A, %get3A_198 : vector<16xf32>
      %get3A_200 = arith.index_cast %scan3A_73 : i32 to index
      %get3A_201 = arith.constant 160 : index
      %get3A_202 = tpu.vector_load %arg12[%get3A_200, %get3A_201] {strides = array<i32>} : memref<64x768xf32, #tpu.memory_space<vmem>>, vector<16xf32>,
      %mul3A_203 = arith.mulf %gather3A_75, %get3A_202 : vector<16xf32>
      %add3A_204 = arith.addf %mul3A_199, %mul3A_203 : vector<16xf32>
      %swap3A_205 = arith.index_cast %scan3A_73 : i32 to index
      %swap3A_206 = arith.constant 160 : index
      %swap3A_207 = tpu.vector_load %arg11[%swap3A_205, %swap3A_206] {strides = array<i32>} : memref<64x768xf32, #tpu.memory_space<vmem>>, vector<16xf32>,
      tpu.vector_store %arg11[%swap3A_205, %swap3A_206], %add3A_204 {strides = array<i32>} : memref<64x768xf32, #tpu.memory_space<vmem>>, vector<16xf32>,
      %get3A_208 = arith.index_cast %scan3A_73 : i32 to index
      %get3A_209 = arith.constant 176 : index
      %get3A_210 = tpu.vector_load %arg11[%get3A_208, %get3A_209] {strides = array<i32>} : memref<64x768xf32, #tpu.memory_space<vmem>>, vector<16xf32>,
      %mul3A_211 = arith.mulf %gather3A, %get3A_210 : vector<16xf32>
      %get3A_212 = arith.index_cast %scan3A_73 : i32 to index
      %get3A_213 = arith.constant 176 : index
      %get3A_214 = tpu.vector_load %arg12[%get3A_212, %get3A_213] {strides = array<i32>} : memref<64x768xf32, #tpu.memory_space<vmem>>, vector<16xf32>,
      %mul3A_215 = arith.mulf %gather3A_75, %get3A_214 : vector<16xf32>
      %add3A_216 = arith.addf %mul3A_211, %mul3A_215 : vector<16xf32>
      %swap3A_217 = arith.index_cast %scan3A_73 : i32 to index
      %swap3A_218 = arith.constant 176 : index
      %swap3A_219 = tpu.vector_load %arg11[%swap3A_217, %swap3A_218] {strides = array<i32>} : memref<64x768xf32, #tpu.memory_space<vmem>>, vector<16xf32>,
      tpu.vector_store %arg11[%swap3A_217, %swap3A_218], %add3A_216 {strides = array<i32>} : memref<64x768xf32, #tpu.memory_space<vmem>>, vector<16xf32>,
      %get3A_220 = arith.index_cast %scan3A_73 : i32 to index
      %get3A_221 = arith.constant 192 : index
      %get3A_222 = tpu.vector_load %arg11[%get3A_220, %get3A_221] {strides = array<i32>} : memref<64x768xf32, #tpu.memory_space<vmem>>, vector<16xf32>,
      %mul3A_223 = arith.mulf %gather3A, %get3A_222 : vector<16xf32>
      %get3A_224 = arith.index_cast %scan3A_73 : i32 to index
      %get3A_225 = arith.constant 192 : index
      %get3A_226 = tpu.vector_load %arg12[%get3A_224, %get3A_225] {strides = array<i32>} : memref<64x768xf32, #tpu.memory_space<vmem>>, vector<16xf32>,
      %mul3A_227 = arith.mulf %gather3A_75, %get3A_226 : vector<16xf32>
      %add3A_228 = arith.addf %mul3A_223, %mul3A_227 : vector<16xf32>
      %swap3A_229 = arith.index_cast %scan3A_73 : i32 to index
      %swap3A_230 = arith.constant 192 : index
      %swap3A_231 = tpu.vector_load %arg11[%swap3A_229, %swap3A_230] {strides = array<i32>} : memref<64x768xf32, #tpu.memory_space<vmem>>, vector<16xf32>,
      tpu.vector_store %arg11[%swap3A_229, %swap3A_230], %add3A_228 {strides = array<i32>} : memref<64x768xf32, #tpu.memory_space<vmem>>, vector<16xf32>,
      %get3A_232 = arith.index_cast %scan3A_73 : i32 to index
      %get3A_233 = arith.constant 208 : index
      %get3A_234 = tpu.vector_load %arg11[%get3A_232, %get3A_233] {strides = array<i32>} : memref<64x768xf32, #tpu.memory_space<vmem>>, vector<16xf32>,
      %mul3A_235 = arith.mulf %gather3A, %get3A_234 : vector<16xf32>
      %get3A_236 = arith.index_cast %scan3A_73 : i32 to index
      %get3A_237 = arith.constant 208 : index
      %get3A_238 = tpu.vector_load %arg12[%get3A_236, %get3A_237] {strides = array<i32>} : memref<64x768xf32, #tpu.memory_space<vmem>>, vector<16xf32>,
      %mul3A_239 = arith.mulf %gather3A_75, %get3A_238 : vector<16xf32>
      %add3A_240 = arith.addf %mul3A_235, %mul3A_239 : vector<16xf32>
      %swap3A_241 = arith.index_cast %scan3A_73 : i32 to index
      %swap3A_242 = arith.constant 208 : index
      %swap3A_243 = tpu.vector_load %arg11[%swap3A_241, %swap3A_242] {strides = array<i32>} : memref<64x768xf32, #tpu.memory_space<vmem>>, vector<16xf32>,
      tpu.vector_store %arg11[%swap3A_241, %swap3A_242], %add3A_240 {strides = array<i32>} : memref<64x768xf32, #tpu.memory_space<vmem>>, vector<16xf32>,
      %get3A_244 = arith.index_cast %scan3A_73 : i32 to index
      %get3A_245 = arith.constant 224 : index
      %get3A_246 = tpu.vector_load %arg11[%get3A_244, %get3A_245] {strides = array<i32>} : memref<64x768xf32, #tpu.memory_space<vmem>>, vector<16xf32>,
      %mul3A_247 = arith.mulf %gather3A, %get3A_246 : vector<16xf32>
      %get3A_248 = arith.index_cast %scan3A_73 : i32 to index
      %get3A_249 = arith.constant 224 : index
      %get3A_250 = tpu.vector_load %arg12[%get3A_248, %get3A_249] {strides = array<i32>} : memref<64x768xf32, #tpu.memory_space<vmem>>, vector<16xf32>,
      %mul3A_251 = arith.mulf %gather3A_75, %get3A_250 : vector<16xf32>
      %add3A_252 = arith.addf %mul3A_247, %mul3A_251 : vector<16xf32>
      %swap3A_253 = arith.index_cast %scan3A_73 : i32 to index
      %swap3A_254 = arith.constant 224 : index
      %swap3A_255 = tpu.vector_load %arg11[%swap3A_253, %swap3A_254] {strides = array<i32>} : memref<64x768xf32, #tpu.memory_space<vmem>>, vector<16xf32>,
      tpu.vector_store %arg11[%swap3A_253, %swap3A_254], %add3A_252 {strides = array<i32>} : memref<64x768xf32, #tpu.memory_space<vmem>>, vector<16xf32>,
      %get3A_256 = arith.index_cast %scan3A_73 : i32 to index
      %get3A_257 = arith.constant 240 : index
      %get3A_258 = tpu.vector_load %arg11[%get3A_256, %get3A_257] {strides = array<i32>} : memref<64x768xf32, #tpu.memory_space<vmem>>, vector<16xf32>,
      %mul3A_259 = arith.mulf %gather3A, %get3A_258 : vector<16xf32>
      %get3A_260 = arith.index_cast %scan3A_73 : i32 to index
      %get3A_261 = arith.constant 240 : index
      %get3A_262 = tpu.vector_load %arg12[%get3A_260, %get3A_261] {strides = array<i32>} : memref<64x768xf32, #tpu.memory_space<vmem>>, vector<16xf32>,
      %mul3A_263 = arith.mulf %gather3A_75, %get3A_262 : vector<16xf32>
      %add3A_264 = arith.addf %mul3A_259, %mul3A_263 : vector<16xf32>
      %swap3A_265 = arith.index_cast %scan3A_73 : i32 to index
      %swap3A_266 = arith.constant 240 : index
      %swap3A_267 = tpu.vector_load %arg11[%swap3A_265, %swap3A_266] {strides = array<i32>} : memref<64x768xf32, #tpu.memory_space<vmem>>, vector<16xf32>,
      tpu.vector_store %arg11[%swap3A_265, %swap3A_266], %add3A_264 {strides = array<i32>} : memref<64x768xf32, #tpu.memory_space<vmem>>, vector<16xf32>,
      %get3A_268 = arith.index_cast %scan3A_73 : i32 to index
      %get3A_269 = arith.constant 256 : index
      %get3A_270 = tpu.vector_load %arg11[%get3A_268, %get3A_269] {strides = array<i32>} : memref<64x768xf32, #tpu.memory_space<vmem>>, vector<16xf32>,
      %mul3A_271 = arith.mulf %gather3A, %get3A_270 : vector<16xf32>
      %get3A_272 = arith.index_cast %scan3A_73 : i32 to index
      %get3A_273 = arith.constant 256 : index
      %get3A_274 = tpu.vector_load %arg12[%get3A_272, %get3A_273] {strides = array<i32>} : memref<64x768xf32, #tpu.memory_space<vmem>>, vector<16xf32>,
      %mul3A_275 = arith.mulf %gather3A_75, %get3A_274 : vector<16xf32>
      %add3A_276 = arith.addf %mul3A_271, %mul3A_275 : vector<16xf32>
      %swap3A_277 = arith.index_cast %scan3A_73 : i32 to index
      %swap3A_278 = arith.constant 256 : index
      %swap3A_279 = tpu.vector_load %arg11[%swap3A_277, %swap3A_278] {strides = array<i32>} : memref<64x768xf32, #tpu.memory_space<vmem>>, vector<16xf32>,
      tpu.vector_store %arg11[%swap3A_277, %swap3A_278], %add3A_276 {strides = array<i32>} : memref<64x768xf32, #tpu.memory_space<vmem>>, vector<16xf32>,
      %get3A_280 = arith.index_cast %scan3A_73 : i32 to index
      %get3A_281 = arith.constant 272 : index
      %get3A_282 = tpu.vector_load %arg11[%get3A_280, %get3A_281] {strides = array<i32>} : memref<64x768xf32, #tpu.memory_space<vmem>>, vector<16xf32>,
      %mul3A_283 = arith.mulf %gather3A, %get3A_282 : vector<16xf32>
      %get3A_284 = arith.index_cast %scan3A_73 : i32 to index
      %get3A_285 = arith.constant 272 : index
      %get3A_286 = tpu.vector_load %arg12[%get3A_284, %get3A_285] {strides = array<i32>} : memref<64x768xf32, #tpu.memory_space<vmem>>, vector<16xf32>,
      %mul3A_287 = arith.mulf %gather3A_75, %get3A_286 : vector<16xf32>
      %add3A_288 = arith.addf %mul3A_283, %mul3A_287 : vector<16xf32>
      %swap3A_289 = arith.index_cast %scan3A_73 : i32 to index
      %swap3A_290 = arith.constant 272 : index
      %swap3A_291 = tpu.vector_load %arg11[%swap3A_289, %swap3A_290] {strides = array<i32>} : memref<64x768xf32, #tpu.memory_space<vmem>>, vector<16xf32>,
      tpu.vector_store %arg11[%swap3A_289, %swap3A_290], %add3A_288 {strides = array<i32>} : memref<64x768xf32, #tpu.memory_space<vmem>>, vector<16xf32>,
      %get3A_292 = arith.index_cast %scan3A_73 : i32 to index
      %get3A_293 = arith.constant 288 : index
      %get3A_294 = tpu.vector_load %arg11[%get3A_292, %get3A_293] {strides = array<i32>} : memref<64x768xf32, #tpu.memory_space<vmem>>, vector<16xf32>,
      %mul3A_295 = arith.mulf %gather3A, %get3A_294 : vector<16xf32>
      %get3A_296 = arith.index_cast %scan3A_73 : i32 to index
      %get3A_297 = arith.constant 288 : index
      %get3A_298 = tpu.vector_load %arg12[%get3A_296, %get3A_297] {strides = array<i32>} : memref<64x768xf32, #tpu.memory_space<vmem>>, vector<16xf32>,
      %mul3A_299 = arith.mulf %gather3A_75, %get3A_298 : vector<16xf32>
      %add3A_300 = arith.addf %mul3A_295, %mul3A_299 : vector<16xf32>
      %swap3A_301 = arith.index_cast %scan3A_73 : i32 to index
      %swap3A_302 = arith.constant 288 : index
      %swap3A_303 = tpu.vector_load %arg11[%swap3A_301, %swap3A_302] {strides = array<i32>} : memref<64x768xf32, #tpu.memory_space<vmem>>, vector<16xf32>,
      tpu.vector_store %arg11[%swap3A_301, %swap3A_302], %add3A_300 {strides = array<i32>} : memref<64x768xf32, #tpu.memory_space<vmem>>, vector<16xf32>,
      %get3A_304 = arith.index_cast %scan3A_73 : i32 to index
      %get3A_305 = arith.constant 304 : index
      %get3A_306 = tpu.vector_load %arg11[%get3A_304, %get3A_305] {strides = array<i32>} : memref<64x768xf32, #tpu.memory_space<vmem>>, vector<16xf32>,
      %mul3A_307 = arith.mulf %gather3A, %get3A_306 : vector<16xf32>
      %get3A_308 = arith.index_cast %scan3A_73 : i32 to index
      %get3A_309 = arith.constant 304 : index
      %get3A_310 = tpu.vector_load %arg12[%get3A_308, %get3A_309] {strides = array<i32>} : memref<64x768xf32, #tpu.memory_space<vmem>>, vector<16xf32>,
      %mul3A_311 = arith.mulf %gather3A_75, %get3A_310 : vector<16xf32>
      %add3A_312 = arith.addf %mul3A_307, %mul3A_311 : vector<16xf32>
      %swap3A_313 = arith.index_cast %scan3A_73 : i32 to index
      %swap3A_314 = arith.constant 304 : index
      %swap3A_315 = tpu.vector_load %arg11[%swap3A_313, %swap3A_314] {strides = array<i32>} : memref<64x768xf32, #tpu.memory_space<vmem>>, vector<16xf32>,
      tpu.vector_store %arg11[%swap3A_313, %swap3A_314], %add3A_312 {strides = array<i32>} : memref<64x768xf32, #tpu.memory_space<vmem>>, vector<16xf32>,
      %get3A_316 = arith.index_cast %scan3A_73 : i32 to index
      %get3A_317 = arith.constant 320 : index
      %get3A_318 = tpu.vector_load %arg11[%get3A_316, %get3A_317] {strides = array<i32>} : memref<64x768xf32, #tpu.memory_space<vmem>>, vector<16xf32>,
      %mul3A_319 = arith.mulf %gather3A, %get3A_318 : vector<16xf32>
      %get3A_320 = arith.index_cast %scan3A_73 : i32 to index
      %get3A_321 = arith.constant 320 : index
      %get3A_322 = tpu.vector_load %arg12[%get3A_320, %get3A_321] {strides = array<i32>} : memref<64x768xf32, #tpu.memory_space<vmem>>, vector<16xf32>,
      %mul3A_323 = arith.mulf %gather3A_75, %get3A_322 : vector<16xf32>
      %add3A_324 = arith.addf %mul3A_319, %mul3A_323 : vector<16xf32>
      %swap3A_325 = arith.index_cast %scan3A_73 : i32 to index
      %swap3A_326 = arith.constant 320 : index
      %swap3A_327 = tpu.vector_load %arg11[%swap3A_325, %swap3A_326] {strides = array<i32>} : memref<64x768xf32, #tpu.memory_space<vmem>>, vector<16xf32>,
      tpu.vector_store %arg11[%swap3A_325, %swap3A_326], %add3A_324 {strides = array<i32>} : memref<64x768xf32, #tpu.memory_space<vmem>>, vector<16xf32>,
      %get3A_328 = arith.index_cast %scan3A_73 : i32 to index
      %get3A_329 = arith.constant 336 : index
      %get3A_330 = tpu.vector_load %arg11[%get3A_328, %get3A_329] {strides = array<i32>} : memref<64x768xf32, #tpu.memory_space<vmem>>, vector<16xf32>,
      %mul3A_331 = arith.mulf %gather3A, %get3A_330 : vector<16xf32>
      %get3A_332 = arith.index_cast %scan3A_73 : i32 to index
      %get3A_333 = arith.constant 336 : index
      %get3A_334 = tpu.vector_load %arg12[%get3A_332, %get3A_333] {strides = array<i32>} : memref<64x768xf32, #tpu.memory_space<vmem>>, vector<16xf32>,
      %mul3A_335 = arith.mulf %gather3A_75, %get3A_334 : vector<16xf32>
      %add3A_336 = arith.addf %mul3A_331, %mul3A_335 : vector<16xf32>
      %swap3A_337 = arith.index_cast %scan3A_73 : i32 to index
      %swap3A_338 = arith.constant 336 : index
      %swap3A_339 = tpu.vector_load %arg11[%swap3A_337, %swap3A_338] {strides = array<i32>} : memref<64x768xf32, #tpu.memory_space<vmem>>, vector<16xf32>,
      tpu.vector_store %arg11[%swap3A_337, %swap3A_338], %add3A_336 {strides = array<i32>} : memref<64x768xf32, #tpu.memory_space<vmem>>, vector<16xf32>,
      %get3A_340 = arith.index_cast %scan3A_73 : i32 to index
      %get3A_341 = arith.constant 352 : index
      %get3A_342 = tpu.vector_load %arg11[%get3A_340, %get3A_341] {strides = array<i32>} : memref<64x768xf32, #tpu.memory_space<vmem>>, vector<16xf32>,
      %mul3A_343 = arith.mulf %gather3A, %get3A_342 : vector<16xf32>
      %get3A_344 = arith.index_cast %scan3A_73 : i32 to index
      %get3A_345 = arith.constant 352 : index
      %get3A_346 = tpu.vector_load %arg12[%get3A_344, %get3A_345] {strides = array<i32>} : memref<64x768xf32, #tpu.memory_space<vmem>>, vector<16xf32>,
      %mul3A_347 = arith.mulf %gather3A_75, %get3A_346 : vector<16xf32>
      %add3A_348 = arith.addf %mul3A_343, %mul3A_347 : vector<16xf32>
      %swap3A_349 = arith.index_cast %scan3A_73 : i32 to index
      %swap3A_350 = arith.constant 352 : index
      %swap3A_351 = tpu.vector_load %arg11[%swap3A_349, %swap3A_350] {strides = array<i32>} : memref<64x768xf32, #tpu.memory_space<vmem>>, vector<16xf32>,
      tpu.vector_store %arg11[%swap3A_349, %swap3A_350], %add3A_348 {strides = array<i32>} : memref<64x768xf32, #tpu.memory_space<vmem>>, vector<16xf32>,
      %get3A_352 = arith.index_cast %scan3A_73 : i32 to index
      %get3A_353 = arith.constant 368 : index
      %get3A_354 = tpu.vector_load %arg11[%get3A_352, %get3A_353] {strides = array<i32>} : memref<64x768xf32, #tpu.memory_space<vmem>>, vector<16xf32>,
      %mul3A_355 = arith.mulf %gather3A, %get3A_354 : vector<16xf32>
      %get3A_356 = arith.index_cast %scan3A_73 : i32 to index
      %get3A_357 = arith.constant 368 : index
      %get3A_358 = tpu.vector_load %arg12[%get3A_356, %get3A_357] {strides = array<i32>} : memref<64x768xf32, #tpu.memory_space<vmem>>, vector<16xf32>,
      %mul3A_359 = arith.mulf %gather3A_75, %get3A_358 : vector<16xf32>
      %add3A_360 = arith.addf %mul3A_355, %mul3A_359 : vector<16xf32>
      %swap3A_361 = arith.index_cast %scan3A_73 : i32 to index
      %swap3A_362 = arith.constant 368 : index
      %swap3A_363 = tpu.vector_load %arg11[%swap3A_361, %swap3A_362] {strides = array<i32>} : memref<64x768xf32, #tpu.memory_space<vmem>>, vector<16xf32>,
      tpu.vector_store %arg11[%swap3A_361, %swap3A_362], %add3A_360 {strides = array<i32>} : memref<64x768xf32, #tpu.memory_space<vmem>>, vector<16xf32>,
      %get3A_364 = arith.index_cast %scan3A_73 : i32 to index
      %get3A_365 = arith.constant 384 : index
      %get3A_366 = tpu.vector_load %arg11[%get3A_364, %get3A_365] {strides = array<i32>} : memref<64x768xf32, #tpu.memory_space<vmem>>, vector<16xf32>,
      %mul3A_367 = arith.mulf %gather3A, %get3A_366 : vector<16xf32>
      %get3A_368 = arith.index_cast %scan3A_73 : i32 to index
      %get3A_369 = arith.constant 384 : index
      %get3A_370 = tpu.vector_load %arg12[%get3A_368, %get3A_369] {strides = array<i32>} : memref<64x768xf32, #tpu.memory_space<vmem>>, vector<16xf32>,
      %mul3A_371 = arith.mulf %gather3A_75, %get3A_370 : vector<16xf32>
      %add3A_372 = arith.addf %mul3A_367, %mul3A_371 : vector<16xf32>
      %swap3A_373 = arith.index_cast %scan3A_73 : i32 to index
      %swap3A_374 = arith.constant 384 : index
      %swap3A_375 = tpu.vector_load %arg11[%swap3A_373, %swap3A_374] {strides = array<i32>} : memref<64x768xf32, #tpu.memory_space<vmem>>, vector<16xf32>,
      tpu.vector_store %arg11[%swap3A_373, %swap3A_374], %add3A_372 {strides = array<i32>} : memref<64x768xf32, #tpu.memory_space<vmem>>, vector<16xf32>,
      %get3A_376 = arith.index_cast %scan3A_73 : i32 to index
      %get3A_377 = arith.constant 400 : index
      %get3A_378 = tpu.vector_load %arg11[%get3A_376, %get3A_377] {strides = array<i32>} : memref<64x768xf32, #tpu.memory_space<vmem>>, vector<16xf32>,
      %mul3A_379 = arith.mulf %gather3A, %get3A_378 : vector<16xf32>
      %get3A_380 = arith.index_cast %scan3A_73 : i32 to index
      %get3A_381 = arith.constant 400 : index
      %get3A_382 = tpu.vector_load %arg12[%get3A_380, %get3A_381] {strides = array<i32>} : memref<64x768xf32, #tpu.memory_space<vmem>>, vector<16xf32>,
      %mul3A_383 = arith.mulf %gather3A_75, %get3A_382 : vector<16xf32>
      %add3A_384 = arith.addf %mul3A_379, %mul3A_383 : vector<16xf32>
      %swap3A_385 = arith.index_cast %scan3A_73 : i32 to index
      %swap3A_386 = arith.constant 400 : index
      %swap3A_387 = tpu.vector_load %arg11[%swap3A_385, %swap3A_386] {strides = array<i32>} : memref<64x768xf32, #tpu.memory_space<vmem>>, vector<16xf32>,
      tpu.vector_store %arg11[%swap3A_385, %swap3A_386], %add3A_384 {strides = array<i32>} : memref<64x768xf32, #tpu.memory_space<vmem>>, vector<16xf32>,
      %get3A_388 = arith.index_cast %scan3A_73 : i32 to index
      %get3A_389 = arith.constant 416 : index
      %get3A_390 = tpu.vector_load %arg11[%get3A_388, %get3A_389] {strides = array<i32>} : memref<64x768xf32, #tpu.memory_space<vmem>>, vector<16xf32>,
      %mul3A_391 = arith.mulf %gather3A, %get3A_390 : vector<16xf32>
      %get3A_392 = arith.index_cast %scan3A_73 : i32 to index
      %get3A_393 = arith.constant 416 : index
      %get3A_394 = tpu.vector_load %arg12[%get3A_392, %get3A_393] {strides = array<i32>} : memref<64x768xf32, #tpu.memory_space<vmem>>, vector<16xf32>,
      %mul3A_395 = arith.mulf %gather3A_75, %get3A_394 : vector<16xf32>
      %add3A_396 = arith.addf %mul3A_391, %mul3A_395 : vector<16xf32>
      %swap3A_397 = arith.index_cast %scan3A_73 : i32 to index
      %swap3A_398 = arith.constant 416 : index
      %swap3A_399 = tpu.vector_load %arg11[%swap3A_397, %swap3A_398] {strides = array<i32>} : memref<64x768xf32, #tpu.memory_space<vmem>>, vector<16xf32>,
      tpu.vector_store %arg11[%swap3A_397, %swap3A_398], %add3A_396 {strides = array<i32>} : memref<64x768xf32, #tpu.memory_space<vmem>>, vector<16xf32>,
      %get3A_400 = arith.index_cast %scan3A_73 : i32 to index
      %get3A_401 = arith.constant 432 : index
      %get3A_402 = tpu.vector_load %arg11[%get3A_400, %get3A_401] {strides = array<i32>} : memref<64x768xf32, #tpu.memory_space<vmem>>, vector<16xf32>,
      %mul3A_403 = arith.mulf %gather3A, %get3A_402 : vector<16xf32>
      %get3A_404 = arith.index_cast %scan3A_73 : i32 to index
      %get3A_405 = arith.constant 432 : index
      %get3A_406 = tpu.vector_load %arg12[%get3A_404, %get3A_405] {strides = array<i32>} : memref<64x768xf32, #tpu.memory_space<vmem>>, vector<16xf32>,
      %mul3A_407 = arith.mulf %gather3A_75, %get3A_406 : vector<16xf32>
      %add3A_408 = arith.addf %mul3A_403, %mul3A_407 : vector<16xf32>
      %swap3A_409 = arith.index_cast %scan3A_73 : i32 to index
      %swap3A_410 = arith.constant 432 : index
      %swap3A_411 = tpu.vector_load %arg11[%swap3A_409, %swap3A_410] {strides = array<i32>} : memref<64x768xf32, #tpu.memory_space<vmem>>, vector<16xf32>,
      tpu.vector_store %arg11[%swap3A_409, %swap3A_410], %add3A_408 {strides = array<i32>} : memref<64x768xf32, #tpu.memory_space<vmem>>, vector<16xf32>,
      %get3A_412 = arith.index_cast %scan3A_73 : i32 to index
      %get3A_413 = arith.constant 448 : index
      %get3A_414 = tpu.vector_load %arg11[%get3A_412, %get3A_413] {strides = array<i32>} : memref<64x768xf32, #tpu.memory_space<vmem>>, vector<16xf32>,
      %mul3A_415 = arith.mulf %gather3A, %get3A_414 : vector<16xf32>
      %get3A_416 = arith.index_cast %scan3A_73 : i32 to index
      %get3A_417 = arith.constant 448 : index
      %get3A_418 = tpu.vector_load %arg12[%get3A_416, %get3A_417] {strides = array<i32>} : memref<64x768xf32, #tpu.memory_space<vmem>>, vector<16xf32>,
      %mul3A_419 = arith.mulf %gather3A_75, %get3A_418 : vector<16xf32>
      %add3A_420 = arith.addf %mul3A_415, %mul3A_419 : vector<16xf32>
      %swap3A_421 = arith.index_cast %scan3A_73 : i32 to index
      %swap3A_422 = arith.constant 448 : index
      %swap3A_423 = tpu.vector_load %arg11[%swap3A_421, %swap3A_422] {strides = array<i32>} : memref<64x768xf32, #tpu.memory_space<vmem>>, vector<16xf32>,
      tpu.vector_store %arg11[%swap3A_421, %swap3A_422], %add3A_420 {strides = array<i32>} : memref<64x768xf32, #tpu.memory_space<vmem>>, vector<16xf32>,
      %get3A_424 = arith.index_cast %scan3A_73 : i32 to index
      %get3A_425 = arith.constant 464 : index
      %get3A_426 = tpu.vector_load %arg11[%get3A_424, %get3A_425] {strides = array<i32>} : memref<64x768xf32, #tpu.memory_space<vmem>>, vector<16xf32>,
      %mul3A_427 = arith.mulf %gather3A, %get3A_426 : vector<16xf32>
      %get3A_428 = arith.index_cast %scan3A_73 : i32 to index
      %get3A_429 = arith.constant 464 : index
      %get3A_430 = tpu.vector_load %arg12[%get3A_428, %get3A_429] {strides = array<i32>} : memref<64x768xf32, #tpu.memory_space<vmem>>, vector<16xf32>,
      %mul3A_431 = arith.mulf %gather3A_75, %get3A_430 : vector<16xf32>
      %add3A_432 = arith.addf %mul3A_427, %mul3A_431 : vector<16xf32>
      %swap3A_433 = arith.index_cast %scan3A_73 : i32 to index
      %swap3A_434 = arith.constant 464 : index
      %swap3A_435 = tpu.vector_load %arg11[%swap3A_433, %swap3A_434] {strides = array<i32>} : memref<64x768xf32, #tpu.memory_space<vmem>>, vector<16xf32>,
      tpu.vector_store %arg11[%swap3A_433, %swap3A_434], %add3A_432 {strides = array<i32>} : memref<64x768xf32, #tpu.memory_space<vmem>>, vector<16xf32>,
      %get3A_436 = arith.index_cast %scan3A_73 : i32 to index
      %get3A_437 = arith.constant 480 : index
      %get3A_438 = tpu.vector_load %arg11[%get3A_436, %get3A_437] {strides = array<i32>} : memref<64x768xf32, #tpu.memory_space<vmem>>, vector<16xf32>,
      %mul3A_439 = arith.mulf %gather3A, %get3A_438 : vector<16xf32>
      %get3A_440 = arith.index_cast %scan3A_73 : i32 to index
      %get3A_441 = arith.constant 480 : index
      %get3A_442 = tpu.vector_load %arg12[%get3A_440, %get3A_441] {strides = array<i32>} : memref<64x768xf32, #tpu.memory_space<vmem>>, vector<16xf32>,
      %mul3A_443 = arith.mulf %gather3A_75, %get3A_442 : vector<16xf32>
      %add3A_444 = arith.addf %mul3A_439, %mul3A_443 : vector<16xf32>
      %swap3A_445 = arith.index_cast %scan3A_73 : i32 to index
      %swap3A_446 = arith.constant 480 : index
      %swap3A_447 = tpu.vector_load %arg11[%swap3A_445, %swap3A_446] {strides = array<i32>} : memref<64x768xf32, #tpu.memory_space<vmem>>, vector<16xf32>,
      tpu.vector_store %arg11[%swap3A_445, %swap3A_446], %add3A_444 {strides = array<i32>} : memref<64x768xf32, #tpu.memory_space<vmem>>, vector<16xf32>,
      %get3A_448 = arith.index_cast %scan3A_73 : i32 to index
      %get3A_449 = arith.constant 496 : index
      %get3A_450 = tpu.vector_load %arg11[%get3A_448, %get3A_449] {strides = array<i32>} : memref<64x768xf32, #tpu.memory_space<vmem>>, vector<16xf32>,
      %mul3A_451 = arith.mulf %gather3A, %get3A_450 : vector<16xf32>
      %get3A_452 = arith.index_cast %scan3A_73 : i32 to index
      %get3A_453 = arith.constant 496 : index
      %get3A_454 = tpu.vector_load %arg12[%get3A_452, %get3A_453] {strides = array<i32>} : memref<64x768xf32, #tpu.memory_space<vmem>>, vector<16xf32>,
      %mul3A_455 = arith.mulf %gather3A_75, %get3A_454 : vector<16xf32>
      %add3A_456 = arith.addf %mul3A_451, %mul3A_455 : vector<16xf32>
      %swap3A_457 = arith.index_cast %scan3A_73 : i32 to index
      %swap3A_458 = arith.constant 496 : index
      %swap3A_459 = tpu.vector_load %arg11[%swap3A_457, %swap3A_458] {strides = array<i32>} : memref<64x768xf32, #tpu.memory_space<vmem>>, vector<16xf32>,
      tpu.vector_store %arg11[%swap3A_457, %swap3A_458], %add3A_456 {strides = array<i32>} : memref<64x768xf32, #tpu.memory_space<vmem>>, vector<16xf32>,
      %get3A_460 = arith.index_cast %scan3A_73 : i32 to index
      %get3A_461 = arith.constant 512 : index
      %get3A_462 = tpu.vector_load %arg11[%get3A_460, %get3A_461] {strides = array<i32>} : memref<64x768xf32, #tpu.memory_space<vmem>>, vector<16xf32>,
      %mul3A_463 = arith.mulf %gather3A, %get3A_462 : vector<16xf32>
      %get3A_464 = arith.index_cast %scan3A_73 : i32 to index
      %get3A_465 = arith.constant 512 : index
      %get3A_466 = tpu.vector_load %arg12[%get3A_464, %get3A_465] {strides = array<i32>} : memref<64x768xf32, #tpu.memory_space<vmem>>, vector<16xf32>,
      %mul3A_467 = arith.mulf %gather3A_75, %get3A_466 : vector<16xf32>
      %add3A_468 = arith.addf %mul3A_463, %mul3A_467 : vector<16xf32>
      %swap3A_469 = arith.index_cast %scan3A_73 : i32 to index
      %swap3A_470 = arith.constant 512 : index
      %swap3A_471 = tpu.vector_load %arg11[%swap3A_469, %swap3A_470] {strides = array<i32>} : memref<64x768xf32, #tpu.memory_space<vmem>>, vector<16xf32>,
      tpu.vector_store %arg11[%swap3A_469, %swap3A_470], %add3A_468 {strides = array<i32>} : memref<64x768xf32, #tpu.memory_space<vmem>>, vector<16xf32>,
      %get3A_472 = arith.index_cast %scan3A_73 : i32 to index
      %get3A_473 = arith.constant 528 : index
      %get3A_474 = tpu.vector_load %arg11[%get3A_472, %get3A_473] {strides = array<i32>} : memref<64x768xf32, #tpu.memory_space<vmem>>, vector<16xf32>,
      %mul3A_475 = arith.mulf %gather3A, %get3A_474 : vector<16xf32>
      %get3A_476 = arith.index_cast %scan3A_73 : i32 to index
      %get3A_477 = arith.constant 528 : index
      %get3A_478 = tpu.vector_load %arg12[%get3A_476, %get3A_477] {strides = array<i32>} : memref<64x768xf32, #tpu.memory_space<vmem>>, vector<16xf32>,
      %mul3A_479 = arith.mulf %gather3A_75, %get3A_478 : vector<16xf32>
      %add3A_480 = arith.addf %mul3A_475, %mul3A_479 : vector<16xf32>
      %swap3A_481 = arith.index_cast %scan3A_73 : i32 to index
      %swap3A_482 = arith.constant 528 : index
      %swap3A_483 = tpu.vector_load %arg11[%swap3A_481, %swap3A_482] {strides = array<i32>} : memref<64x768xf32, #tpu.memory_space<vmem>>, vector<16xf32>,
      tpu.vector_store %arg11[%swap3A_481, %swap3A_482], %add3A_480 {strides = array<i32>} : memref<64x768xf32, #tpu.memory_space<vmem>>, vector<16xf32>,
      %get3A_484 = arith.index_cast %scan3A_73 : i32 to index
      %get3A_485 = arith.constant 544 : index
      %get3A_486 = tpu.vector_load %arg11[%get3A_484, %get3A_485] {strides = array<i32>} : memref<64x768xf32, #tpu.memory_space<vmem>>, vector<16xf32>,
      %mul3A_487 = arith.mulf %gather3A, %get3A_486 : vector<16xf32>
      %get3A_488 = arith.index_cast %scan3A_73 : i32 to index
      %get3A_489 = arith.constant 544 : index
      %get3A_490 = tpu.vector_load %arg12[%get3A_488, %get3A_489] {strides = array<i32>} : memref<64x768xf32, #tpu.memory_space<vmem>>, vector<16xf32>,
      %mul3A_491 = arith.mulf %gather3A_75, %get3A_490 : vector<16xf32>
      %add3A_492 = arith.addf %mul3A_487, %mul3A_491 : vector<16xf32>
      %swap3A_493 = arith.index_cast %scan3A_73 : i32 to index
      %swap3A_494 = arith.constant 544 : index
      %swap3A_495 = tpu.vector_load %arg11[%swap3A_493, %swap3A_494] {strides = array<i32>} : memref<64x768xf32, #tpu.memory_space<vmem>>, vector<16xf32>,
      tpu.vector_store %arg11[%swap3A_493, %swap3A_494], %add3A_492 {strides = array<i32>} : memref<64x768xf32, #tpu.memory_space<vmem>>, vector<16xf32>,
      %get3A_496 = arith.index_cast %scan3A_73 : i32 to index
      %get3A_497 = arith.constant 560 : index
      %get3A_498 = tpu.vector_load %arg11[%get3A_496, %get3A_497] {strides = array<i32>} : memref<64x768xf32, #tpu.memory_space<vmem>>, vector<16xf32>,
      %mul3A_499 = arith.mulf %gather3A, %get3A_498 : vector<16xf32>
      %get3A_500 = arith.index_cast %scan3A_73 : i32 to index
      %get3A_501 = arith.constant 560 : index
      %get3A_502 = tpu.vector_load %arg12[%get3A_500, %get3A_501] {strides = array<i32>} : memref<64x768xf32, #tpu.memory_space<vmem>>, vector<16xf32>,
      %mul3A_503 = arith.mulf %gather3A_75, %get3A_502 : vector<16xf32>
      %add3A_504 = arith.addf %mul3A_499, %mul3A_503 : vector<16xf32>
      %swap3A_505 = arith.index_cast %scan3A_73 : i32 to index
      %swap3A_506 = arith.constant 560 : index
      %swap3A_507 = tpu.vector_load %arg11[%swap3A_505, %swap3A_506] {strides = array<i32>} : memref<64x768xf32, #tpu.memory_space<vmem>>, vector<16xf32>,
      tpu.vector_store %arg11[%swap3A_505, %swap3A_506], %add3A_504 {strides = array<i32>} : memref<64x768xf32, #tpu.memory_space<vmem>>, vector<16xf32>,
      %get3A_508 = arith.index_cast %scan3A_73 : i32 to index
      %get3A_509 = arith.constant 576 : index
      %get3A_510 = tpu.vector_load %arg11[%get3A_508, %get3A_509] {strides = array<i32>} : memref<64x768xf32, #tpu.memory_space<vmem>>, vector<16xf32>,
      %mul3A_511 = arith.mulf %gather3A, %get3A_510 : vector<16xf32>
      %get3A_512 = arith.index_cast %scan3A_73 : i32 to index
      %get3A_513 = arith.constant 576 : index
      %get3A_514 = tpu.vector_load %arg12[%get3A_512, %get3A_513] {strides = array<i32>} : memref<64x768xf32, #tpu.memory_space<vmem>>, vector<16xf32>,
      %mul3A_515 = arith.mulf %gather3A_75, %get3A_514 : vector<16xf32>
      %add3A_516 = arith.addf %mul3A_511, %mul3A_515 : vector<16xf32>
      %swap3A_517 = arith.index_cast %scan3A_73 : i32 to index
      %swap3A_518 = arith.constant 576 : index
      %swap3A_519 = tpu.vector_load %arg11[%swap3A_517, %swap3A_518] {strides = array<i32>} : memref<64x768xf32, #tpu.memory_space<vmem>>, vector<16xf32>,
      tpu.vector_store %arg11[%swap3A_517, %swap3A_518], %add3A_516 {strides = array<i32>} : memref<64x768xf32, #tpu.memory_space<vmem>>, vector<16xf32>,
      %get3A_520 = arith.index_cast %scan3A_73 : i32 to index
      %get3A_521 = arith.constant 592 : index
      %get3A_522 = tpu.vector_load %arg11[%get3A_520, %get3A_521] {strides = array<i32>} : memref<64x768xf32, #tpu.memory_space<vmem>>, vector<16xf32>,
      %mul3A_523 = arith.mulf %gather3A, %get3A_522 : vector<16xf32>
      %get3A_524 = arith.index_cast %scan3A_73 : i32 to index
      %get3A_525 = arith.constant 592 : index
      %get3A_526 = tpu.vector_load %arg12[%get3A_524, %get3A_525] {strides = array<i32>} : memref<64x768xf32, #tpu.memory_space<vmem>>, vector<16xf32>,
      %mul3A_527 = arith.mulf %gather3A_75, %get3A_526 : vector<16xf32>
      %add3A_528 = arith.addf %mul3A_523, %mul3A_527 : vector<16xf32>
      %swap3A_529 = arith.index_cast %scan3A_73 : i32 to index
      %swap3A_530 = arith.constant 592 : index
      %swap3A_531 = tpu.vector_load %arg11[%swap3A_529, %swap3A_530] {strides = array<i32>} : memref<64x768xf32, #tpu.memory_space<vmem>>, vector<16xf32>,
      tpu.vector_store %arg11[%swap3A_529, %swap3A_530], %add3A_528 {strides = array<i32>} : memref<64x768xf32, #tpu.memory_space<vmem>>, vector<16xf32>,
      %get3A_532 = arith.index_cast %scan3A_73 : i32 to index
      %get3A_533 = arith.constant 608 : index
      %get3A_534 = tpu.vector_load %arg11[%get3A_532, %get3A_533] {strides = array<i32>} : memref<64x768xf32, #tpu.memory_space<vmem>>, vector<16xf32>,
      %mul3A_535 = arith.mulf %gather3A, %get3A_534 : vector<16xf32>
      %get3A_536 = arith.index_cast %scan3A_73 : i32 to index
      %get3A_537 = arith.constant 608 : index
      %get3A_538 = tpu.vector_load %arg12[%get3A_536, %get3A_537] {strides = array<i32>} : memref<64x768xf32, #tpu.memory_space<vmem>>, vector<16xf32>,
      %mul3A_539 = arith.mulf %gather3A_75, %get3A_538 : vector<16xf32>
      %add3A_540 = arith.addf %mul3A_535, %mul3A_539 : vector<16xf32>
      %swap3A_541 = arith.index_cast %scan3A_73 : i32 to index
      %swap3A_542 = arith.constant 608 : index
      %swap3A_543 = tpu.vector_load %arg11[%swap3A_541, %swap3A_542] {strides = array<i32>} : memref<64x768xf32, #tpu.memory_space<vmem>>, vector<16xf32>,
      tpu.vector_store %arg11[%swap3A_541, %swap3A_542], %add3A_540 {strides = array<i32>} : memref<64x768xf32, #tpu.memory_space<vmem>>, vector<16xf32>,
      %get3A_544 = arith.index_cast %scan3A_73 : i32 to index
      %get3A_545 = arith.constant 624 : index
      %get3A_546 = tpu.vector_load %arg11[%get3A_544, %get3A_545] {strides = array<i32>} : memref<64x768xf32, #tpu.memory_space<vmem>>, vector<16xf32>,
      %mul3A_547 = arith.mulf %gather3A, %get3A_546 : vector<16xf32>
      %get3A_548 = arith.index_cast %scan3A_73 : i32 to index
      %get3A_549 = arith.constant 624 : index
      %get3A_550 = tpu.vector_load %arg12[%get3A_548, %get3A_549] {strides = array<i32>} : memref<64x768xf32, #tpu.memory_space<vmem>>, vector<16xf32>,
      %mul3A_551 = arith.mulf %gather3A_75, %get3A_550 : vector<16xf32>
      %add3A_552 = arith.addf %mul3A_547, %mul3A_551 : vector<16xf32>
      %swap3A_553 = arith.index_cast %scan3A_73 : i32 to index
      %swap3A_554 = arith.constant 624 : index
      %swap3A_555 = tpu.vector_load %arg11[%swap3A_553, %swap3A_554] {strides = array<i32>} : memref<64x768xf32, #tpu.memory_space<vmem>>, vector<16xf32>,
      tpu.vector_store %arg11[%swap3A_553, %swap3A_554], %add3A_552 {strides = array<i32>} : memref<64x768xf32, #tpu.memory_space<vmem>>, vector<16xf32>,
      %get3A_556 = arith.index_cast %scan3A_73 : i32 to index
      %get3A_557 = arith.constant 640 : index
      %get3A_558 = tpu.vector_load %arg11[%get3A_556, %get3A_557] {strides = array<i32>} : memref<64x768xf32, #tpu.memory_space<vmem>>, vector<16xf32>,
      %mul3A_559 = arith.mulf %gather3A, %get3A_558 : vector<16xf32>
      %get3A_560 = arith.index_cast %scan3A_73 : i32 to index
      %get3A_561 = arith.constant 640 : index
      %get3A_562 = tpu.vector_load %arg12[%get3A_560, %get3A_561] {strides = array<i32>} : memref<64x768xf32, #tpu.memory_space<vmem>>, vector<16xf32>,
      %mul3A_563 = arith.mulf %gather3A_75, %get3A_562 : vector<16xf32>
      %add3A_564 = arith.addf %mul3A_559, %mul3A_563 : vector<16xf32>
      %swap3A_565 = arith.index_cast %scan3A_73 : i32 to index
      %swap3A_566 = arith.constant 640 : index
      %swap3A_567 = tpu.vector_load %arg11[%swap3A_565, %swap3A_566] {strides = array<i32>} : memref<64x768xf32, #tpu.memory_space<vmem>>, vector<16xf32>,
      tpu.vector_store %arg11[%swap3A_565, %swap3A_566], %add3A_564 {strides = array<i32>} : memref<64x768xf32, #tpu.memory_space<vmem>>, vector<16xf32>,
      %get3A_568 = arith.index_cast %scan3A_73 : i32 to index
      %get3A_569 = arith.constant 656 : index
      %get3A_570 = tpu.vector_load %arg11[%get3A_568, %get3A_569] {strides = array<i32>} : memref<64x768xf32, #tpu.memory_space<vmem>>, vector<16xf32>,
      %mul3A_571 = arith.mulf %gather3A, %get3A_570 : vector<16xf32>
      %get3A_572 = arith.index_cast %scan3A_73 : i32 to index
      %get3A_573 = arith.constant 656 : index
      %get3A_574 = tpu.vector_load %arg12[%get3A_572, %get3A_573] {strides = array<i32>} : memref<64x768xf32, #tpu.memory_space<vmem>>, vector<16xf32>,
      %mul3A_575 = arith.mulf %gather3A_75, %get3A_574 : vector<16xf32>
      %add3A_576 = arith.addf %mul3A_571, %mul3A_575 : vector<16xf32>
      %swap3A_577 = arith.index_cast %scan3A_73 : i32 to index
      %swap3A_578 = arith.constant 656 : index
      %swap3A_579 = tpu.vector_load %arg11[%swap3A_577, %swap3A_578] {strides = array<i32>} : memref<64x768xf32, #tpu.memory_space<vmem>>, vector<16xf32>,
      tpu.vector_store %arg11[%swap3A_577, %swap3A_578], %add3A_576 {strides = array<i32>} : memref<64x768xf32, #tpu.memory_space<vmem>>, vector<16xf32>,
      %get3A_580 = arith.index_cast %scan3A_73 : i32 to index
      %get3A_581 = arith.constant 672 : index
      %get3A_582 = tpu.vector_load %arg11[%get3A_580, %get3A_581] {strides = array<i32>} : memref<64x768xf32, #tpu.memory_space<vmem>>, vector<16xf32>,
      %mul3A_583 = arith.mulf %gather3A, %get3A_582 : vector<16xf32>
      %get3A_584 = arith.index_cast %scan3A_73 : i32 to index
      %get3A_585 = arith.constant 672 : index
      %get3A_586 = tpu.vector_load %arg12[%get3A_584, %get3A_585] {strides = array<i32>} : memref<64x768xf32, #tpu.memory_space<vmem>>, vector<16xf32>,
      %mul3A_587 = arith.mulf %gather3A_75, %get3A_586 : vector<16xf32>
      %add3A_588 = arith.addf %mul3A_583, %mul3A_587 : vector<16xf32>
      %swap3A_589 = arith.index_cast %scan3A_73 : i32 to index
      %swap3A_590 = arith.constant 672 : index
      %swap3A_591 = tpu.vector_load %arg11[%swap3A_589, %swap3A_590] {strides = array<i32>} : memref<64x768xf32, #tpu.memory_space<vmem>>, vector<16xf32>,
      tpu.vector_store %arg11[%swap3A_589, %swap3A_590], %add3A_588 {strides = array<i32>} : memref<64x768xf32, #tpu.memory_space<vmem>>, vector<16xf32>,
      %get3A_592 = arith.index_cast %scan3A_73 : i32 to index
      %get3A_593 = arith.constant 688 : index
      %get3A_594 = tpu.vector_load %arg11[%get3A_592, %get3A_593] {strides = array<i32>} : memref<64x768xf32, #tpu.memory_space<vmem>>, vector<16xf32>,
      %mul3A_595 = arith.mulf %gather3A, %get3A_594 : vector<16xf32>
      %get3A_596 = arith.index_cast %scan3A_73 : i32 to index
      %get3A_597 = arith.constant 688 : index
      %get3A_598 = tpu.vector_load %arg12[%get3A_596, %get3A_597] {strides = array<i32>} : memref<64x768xf32, #tpu.memory_space<vmem>>, vector<16xf32>,
      %mul3A_599 = arith.mulf %gather3A_75, %get3A_598 : vector<16xf32>
      %add3A_600 = arith.addf %mul3A_595, %mul3A_599 : vector<16xf32>
      %swap3A_601 = arith.index_cast %scan3A_73 : i32 to index
      %swap3A_602 = arith.constant 688 : index
      %swap3A_603 = tpu.vector_load %arg11[%swap3A_601, %swap3A_602] {strides = array<i32>} : memref<64x768xf32, #tpu.memory_space<vmem>>, vector<16xf32>,
      tpu.vector_store %arg11[%swap3A_601, %swap3A_602], %add3A_600 {strides = array<i32>} : memref<64x768xf32, #tpu.memory_space<vmem>>, vector<16xf32>,
      %get3A_604 = arith.index_cast %scan3A_73 : i32 to index
      %get3A_605 = arith.constant 704 : index
      %get3A_606 = tpu.vector_load %arg11[%get3A_604, %get3A_605] {strides = array<i32>} : memref<64x768xf32, #tpu.memory_space<vmem>>, vector<16xf32>,
      %mul3A_607 = arith.mulf %gather3A, %get3A_606 : vector<16xf32>
      %get3A_608 = arith.index_cast %scan3A_73 : i32 to index
      %get3A_609 = arith.constant 704 : index
      %get3A_610 = tpu.vector_load %arg12[%get3A_608, %get3A_609] {strides = array<i32>} : memref<64x768xf32, #tpu.memory_space<vmem>>, vector<16xf32>,
      %mul3A_611 = arith.mulf %gather3A_75, %get3A_610 : vector<16xf32>
      %add3A_612 = arith.addf %mul3A_607, %mul3A_611 : vector<16xf32>
      %swap3A_613 = arith.index_cast %scan3A_73 : i32 to index
      %swap3A_614 = arith.constant 704 : index
      %swap3A_615 = tpu.vector_load %arg11[%swap3A_613, %swap3A_614] {strides = array<i32>} : memref<64x768xf32, #tpu.memory_space<vmem>>, vector<16xf32>,
      tpu.vector_store %arg11[%swap3A_613, %swap3A_614], %add3A_612 {strides = array<i32>} : memref<64x768xf32, #tpu.memory_space<vmem>>, vector<16xf32>,
      %get3A_616 = arith.index_cast %scan3A_73 : i32 to index
      %get3A_617 = arith.constant 720 : index
      %get3A_618 = tpu.vector_load %arg11[%get3A_616, %get3A_617] {strides = array<i32>} : memref<64x768xf32, #tpu.memory_space<vmem>>, vector<16xf32>,
      %mul3A_619 = arith.mulf %gather3A, %get3A_618 : vector<16xf32>
      %get3A_620 = arith.index_cast %scan3A_73 : i32 to index
      %get3A_621 = arith.constant 720 : index
      %get3A_622 = tpu.vector_load %arg12[%get3A_620, %get3A_621] {strides = array<i32>} : memref<64x768xf32, #tpu.memory_space<vmem>>, vector<16xf32>,
      %mul3A_623 = arith.mulf %gather3A_75, %get3A_622 : vector<16xf32>
      %add3A_624 = arith.addf %mul3A_619, %mul3A_623 : vector<16xf32>
      %swap3A_625 = arith.index_cast %scan3A_73 : i32 to index
      %swap3A_626 = arith.constant 720 : index
      %swap3A_627 = tpu.vector_load %arg11[%swap3A_625, %swap3A_626] {strides = array<i32>} : memref<64x768xf32, #tpu.memory_space<vmem>>, vector<16xf32>,
      tpu.vector_store %arg11[%swap3A_625, %swap3A_626], %add3A_624 {strides = array<i32>} : memref<64x768xf32, #tpu.memory_space<vmem>>, vector<16xf32>,
      %get3A_628 = arith.index_cast %scan3A_73 : i32 to index
      %get3A_629 = arith.constant 736 : index
      %get3A_630 = tpu.vector_load %arg11[%get3A_628, %get3A_629] {strides = array<i32>} : memref<64x768xf32, #tpu.memory_space<vmem>>, vector<16xf32>,
      %mul3A_631 = arith.mulf %gather3A, %get3A_630 : vector<16xf32>
      %get3A_632 = arith.index_cast %scan3A_73 : i32 to index
      %get3A_633 = arith.constant 736 : index
      %get3A_634 = tpu.vector_load %arg12[%get3A_632, %get3A_633] {strides = array<i32>} : memref<64x768xf32, #tpu.memory_space<vmem>>, vector<16xf32>,
      %mul3A_635 = arith.mulf %gather3A_75, %get3A_634 : vector<16xf32>
      %add3A_636 = arith.addf %mul3A_631, %mul3A_635 : vector<16xf32>
      %swap3A_637 = arith.index_cast %scan3A_73 : i32 to index
      %swap3A_638 = arith.constant 736 : index
      %swap3A_639 = tpu.vector_load %arg11[%swap3A_637, %swap3A_638] {strides = array<i32>} : memref<64x768xf32, #tpu.memory_space<vmem>>, vector<16xf32>,
      tpu.vector_store %arg11[%swap3A_637, %swap3A_638], %add3A_636 {strides = array<i32>} : memref<64x768xf32, #tpu.memory_space<vmem>>, vector<16xf32>,
      %get3A_640 = arith.index_cast %scan3A_73 : i32 to index
      %get3A_641 = arith.constant 752 : index
      %get3A_642 = tpu.vector_load %arg11[%get3A_640, %get3A_641] {strides = array<i32>} : memref<64x768xf32, #tpu.memory_space<vmem>>, vector<16xf32>,
      %mul3A_643 = arith.mulf %gather3A, %get3A_642 : vector<16xf32>
      %get3A_644 = arith.index_cast %scan3A_73 : i32 to index
      %get3A_645 = arith.constant 752 : index
      %get3A_646 = tpu.vector_load %arg12[%get3A_644, %get3A_645] {strides = array<i32>} : memref<64x768xf32, #tpu.memory_space<vmem>>, vector<16xf32>,
      %mul3A_647 = arith.mulf %gather3A_75, %get3A_646 : vector<16xf32>
      %add3A_648 = arith.addf %mul3A_643, %mul3A_647 : vector<16xf32>
      %swap3A_649 = arith.index_cast %scan3A_73 : i32 to index
      %swap3A_650 = arith.constant 752 : index
      %swap3A_651 = tpu.vector_load %arg11[%swap3A_649, %swap3A_650] {strides = array<i32>} : memref<64x768xf32, #tpu.memory_space<vmem>>, vector<16xf32>,
      tpu.vector_store %arg11[%swap3A_649, %swap3A_650], %add3A_648 {strides = array<i32>} : memref<64x768xf32, #tpu.memory_space<vmem>>, vector<16xf32>,
    }
    %scan3A_72 = arith.constant 64 : i32
    "tpu.region"() ({
      %run_scoped3A = tpu.sem_alloc : memref<!tpu.dma_semaphore, #tpu.memory_space<semaphore_mem>>
      %dma_start3A_73 = arith.constant 0 : i32
      %dma_start3A_74 = tpu.memref_slice %arg6[%mul3A_2, %dma_start3A_73] : memref<2048x768xf32, #tpu.memory_space<hbm>> -> memref<64x768xf32, #tpu.memory_space<hbm>>
      %dma_start3A_75 = arith.constant 0 : i32
      %dma_start3A_76 = tpu.memref_slice %arg6[%mul3A_2, %dma_start3A_75] : memref<2048x768xf32, #tpu.memory_space<hbm>> -> memref<64x768xf32, #tpu.memory_space<hbm>>
      tpu.enqueue_dma source(%arg11 : memref<64x768xf32, #tpu.memory_space<vmem>>) target(%dma_start3A_76 : memref<64x768xf32, #tpu.memory_space<hbm>>) target_semaphore(%run_scoped3A : memref<!tpu.dma_semaphore, #tpu.memory_space<semaphore_mem>>)
      %dma_wait3A_77 = arith.constant 0 : i32
      %dma_wait3A_78 = tpu.memref_slice %arg6[%mul3A_2, %dma_wait3A_77] : memref<2048x768xf32, #tpu.memory_space<hbm>> -> memref<64x768xf32, #tpu.memory_space<hbm>>
      %dma_wait3A_79 = arith.constant 0 : i32
      %dma_wait3A_80 = tpu.memref_slice %arg6[%mul3A_2, %dma_wait3A_79] : memref<2048x768xf32, #tpu.memory_space<hbm>> -> memref<64x768xf32, #tpu.memory_space<hbm>>
      tpu.wait_dma2 semaphore(%run_scoped3A : memref<!tpu.dma_semaphore, #tpu.memory_space<semaphore_mem>>) src(%arg11 : memref<64x768xf32, #tpu.memory_space<vmem>>) dst(%dma_wait3A_80 : memref<64x768xf32, #tpu.memory_space<hbm>>)
      tpu.yield
    }) : () -> ()
    return
  }
}

#map = affine_map<(d0, d1) -> (0)>
#map1 = affine_map<(d0, d1) -> (0, 0)>
#map2 = affine_map<(d0, d1) -> (0, 0, 0)>
module attributes {stable_mosaic.version = 14 : i64} {
  func.func @_routing_body(%arg0: i32, %arg1: i32, %arg2: memref<2048xi32, #tpu.memory_space<hbm>>, %arg3: memref<2048xi32, #tpu.memory_space<hbm>>, %arg4: memref<2048x768xf32, #tpu.memory_space<hbm>>, %arg5: memref<4096x768xf32, #tpu.memory_space<hbm>>, %arg6: memref<16x16x16xi32, #tpu.memory_space<hbm>>, %arg7: memref<16xi32, #tpu.memory_space<hbm>>, %arg8: memref<256xi32, #tpu.memory_space<vmem>>, %arg9: memref<16x16xi32, #tpu.memory_space<vmem>>, %arg10: memref<16xi32, #tpu.memory_space<vmem>>, %arg11: memref<16x16xi32, #tpu.memory_space<vmem_shared>>, %arg12: memref<16x16x16xi32, #tpu.memory_space<vmem_shared>>, %arg13: memref<16x16xi32, #tpu.memory_space<vmem>>, %arg14: memref<16xi32, #tpu.memory_space<vmem>>, %arg15: memref<16xi32, #tpu.memory_space<vmem>>, %arg16: memref<16x16x16xi32, #tpu.memory_space<vmem>>, %arg17: memref<4x64xi32, #tpu.memory_space<vmem>>, %arg18: memref<64x768xf32, #tpu.memory_space<vmem>>, %arg19: memref<!tpu.dma_semaphore, #tpu.memory_space<semaphore_mem>>) attributes {dimension_semantics = [#tpu.dimension_semantics<core_parallel>, #tpu.dimension_semantics<subcore_parallel>], iteration_bounds = array<i64: 2, 16>, scalar_prefetch = 0 : i64, scratch_operands = 12 : i64, tpu.core_type = #tpu.core_type<sc_vector_subcore>, window_params = [{transform_indices = #map}, {transform_indices = #map}, {transform_indices = #map1}, {transform_indices = #map1}, {transform_indices = #map2}, {transform_indices = #map}]} {
    %iota3A = tpu.iota {dimensions = array<i32: 0>} : vector<16xi32>
    %eq3A = arith.constant 0 : i32
    %eq3A_0 = arith.cmpi eq, %arg0, %eq3A : i32
    %convert_element_type3A = arith.extui %eq3A_0 : i1 to i32
    %cond3A = arith.constant 0 : i32
    %cond3A_1 = arith.cmpi ne, %convert_element_type3A, %cond3A : i32
    scf.if %cond3A_1 {
      %ge3A = arith.constant 8 : i32
      %ge3A_2 = arith.cmpi sge, %arg1, %ge3A : i32
      %mul3A = arith.constant 256 : i32
      %mul3A_3 = arith.muli %arg1, %mul3A : i32
      %not3A = arith.constant true
      %not3A_4 = arith.xori %ge3A_2, %not3A : i1
      %convert_element_type3A_5 = arith.extui %not3A_4 : i1 to i32
      %cond3A_6 = arith.constant 0 : i32
      %cond3A_7 = arith.cmpi ne, %convert_element_type3A_5, %cond3A_6 : i32
      scf.if %cond3A_7 {
        "tpu.region"() ({
          %run_scoped3A = tpu.sem_alloc : memref<!tpu.dma_semaphore, #tpu.memory_space<semaphore_mem>>
          %dma_start3A_400 = tpu.memref_slice %arg2[%mul3A_3] : memref<2048xi32, #tpu.memory_space<hbm>> -> memref<256xi32, #tpu.memory_space<hbm>>
          %dma_start3A_401 = tpu.memref_slice %arg2[%mul3A_3] : memref<2048xi32, #tpu.memory_space<hbm>> -> memref<256xi32, #tpu.memory_space<hbm>>
          tpu.enqueue_dma source(%dma_start3A_401 : memref<256xi32, #tpu.memory_space<hbm>>) target(%arg8 : memref<256xi32, #tpu.memory_space<vmem>>) target_semaphore(%run_scoped3A : memref<!tpu.dma_semaphore, #tpu.memory_space<semaphore_mem>>)
          %dma_wait3A_402 = tpu.memref_slice %arg2[%mul3A_3] : memref<2048xi32, #tpu.memory_space<hbm>> -> memref<256xi32, #tpu.memory_space<hbm>>
          %dma_wait3A_403 = tpu.memref_slice %arg2[%mul3A_3] : memref<2048xi32, #tpu.memory_space<hbm>> -> memref<256xi32, #tpu.memory_space<hbm>>
          tpu.wait_dma2 semaphore(%run_scoped3A : memref<!tpu.dma_semaphore, #tpu.memory_space<semaphore_mem>>) src(%dma_wait3A_403 : memref<256xi32, #tpu.memory_space<hbm>>) dst(%arg8 : memref<256xi32, #tpu.memory_space<vmem>>)
          tpu.yield
        }) : () -> ()
      } else {
      }
      %convert_element_type3A_8 = arith.extui %ge3A_2 : i1 to i32
      %cond3A_9 = arith.constant 0 : i32
      %cond3A_10 = arith.cmpi ne, %convert_element_type3A_8, %cond3A_9 : i32
      scf.if %cond3A_10 {
        %sub3A_400 = arith.constant 2048 : i32
        %sub3A_401 = arith.subi %mul3A_3, %sub3A_400 : i32
        "tpu.region"() ({
          %run_scoped3A = tpu.sem_alloc : memref<!tpu.dma_semaphore, #tpu.memory_space<semaphore_mem>>
          %dma_start3A_402 = tpu.memref_slice %arg3[%sub3A_401] : memref<2048xi32, #tpu.memory_space<hbm>> -> memref<256xi32, #tpu.memory_space<hbm>>
          %dma_start3A_403 = tpu.memref_slice %arg3[%sub3A_401] : memref<2048xi32, #tpu.memory_space<hbm>> -> memref<256xi32, #tpu.memory_space<hbm>>
          tpu.enqueue_dma source(%dma_start3A_403 : memref<256xi32, #tpu.memory_space<hbm>>) target(%arg8 : memref<256xi32, #tpu.memory_space<vmem>>) target_semaphore(%run_scoped3A : memref<!tpu.dma_semaphore, #tpu.memory_space<semaphore_mem>>)
          %dma_wait3A_404 = tpu.memref_slice %arg3[%sub3A_401] : memref<2048xi32, #tpu.memory_space<hbm>> -> memref<256xi32, #tpu.memory_space<hbm>>
          %dma_wait3A_405 = tpu.memref_slice %arg3[%sub3A_401] : memref<2048xi32, #tpu.memory_space<hbm>> -> memref<256xi32, #tpu.memory_space<hbm>>
          tpu.wait_dma2 semaphore(%run_scoped3A : memref<!tpu.dma_semaphore, #tpu.memory_space<semaphore_mem>>) src(%dma_wait3A_405 : memref<256xi32, #tpu.memory_space<hbm>>) dst(%arg8 : memref<256xi32, #tpu.memory_space<vmem>>)
          tpu.yield
        }) : () -> ()
      } else {
      }
      %broadcast_in_dim3A = arith.constant 0 : i32
      %broadcast_in_dim3A_11 = vector.broadcast %broadcast_in_dim3A : i32 to vector<16xi32>
      %scan3A = arith.constant 0 : i32
      %scan3A_12 = arith.constant 16 : i32
      %scan3A_13 = arith.addi %scan3A, %scan3A_12 : i32
      %scan3A_14 = arith.constant 1 : i32
      %scan3A_15 = scf.for %scan3A_400 = %scan3A to %scan3A_13 step %scan3A_14 iter_args(%scan3A_401 = %broadcast_in_dim3A_11) -> (vector<16xi32>)  : i32 {
        %mul3A_402 = arith.constant 16 : i32
        %mul3A_403 = arith.muli %scan3A_400, %mul3A_402 : i32
        %get3A_404 = arith.index_cast %mul3A_403 : i32 to index
        %get3A_405 = tpu.vector_load %arg8[%get3A_404] {strides = array<i32>} : memref<256xi32, #tpu.memory_space<vmem>>, vector<16xi32>,
        %eq3A_406 = arith.constant 0 : i32
        %eq3A_407 = vector.broadcast %eq3A_406 : i32 to vector<16xi32>
        %eq3A_408 = arith.cmpi eq, %get3A_405, %eq3A_407 : vector<16xi32>
        %convert_element_type3A_409 = arith.extui %eq3A_408 : vector<16xi1> to vector<16xi32>
        %reduce_sum3A = arith.constant true
        %reduce_sum3A_410 = vector.broadcast %reduce_sum3A : i1 to vector<16xi1>
        %reduce_sum3A_411 = tpu.scan <sum>, %convert_element_type3A_409 masked %reduce_sum3A_410 : vector<16xi32>, vector<16xi1> -> vector<16xi32>
        %reduce_sum3A_412 = vector.extract %reduce_sum3A_411[15] : i32 from vector<16xi32>
        %eq3A_413 = arith.constant 0 : i32
        %eq3A_414 = vector.broadcast %eq3A_413 : i32 to vector<16xi32>
        %eq3A_415 = arith.cmpi eq, %iota3A, %eq3A_414 : vector<16xi32>
        %add3A_416 = vector.broadcast %reduce_sum3A_412 : i32 to vector<16xi32>
        %add3A_417 = arith.addi %scan3A_401, %add3A_416 : vector<16xi32>
        %select_n3A_418 = arith.select %eq3A_415, %add3A_417, %scan3A_401 : vector<16xi1>, vector<16xi32>
        %eq3A_419 = arith.constant 1 : i32
        %eq3A_420 = vector.broadcast %eq3A_419 : i32 to vector<16xi32>
        %eq3A_421 = arith.cmpi eq, %get3A_405, %eq3A_420 : vector<16xi32>
        %convert_element_type3A_422 = arith.extui %eq3A_421 : vector<16xi1> to vector<16xi32>
        %reduce_sum3A_423 = arith.constant true
        %reduce_sum3A_424 = vector.broadcast %reduce_sum3A_423 : i1 to vector<16xi1>
        %reduce_sum3A_425 = tpu.scan <sum>, %convert_element_type3A_422 masked %reduce_sum3A_424 : vector<16xi32>, vector<16xi1> -> vector<16xi32>
        %reduce_sum3A_426 = vector.extract %reduce_sum3A_425[15] : i32 from vector<16xi32>
        %eq3A_427 = arith.constant 1 : i32
        %eq3A_428 = vector.broadcast %eq3A_427 : i32 to vector<16xi32>
        %eq3A_429 = arith.cmpi eq, %iota3A, %eq3A_428 : vector<16xi32>
        %add3A_430 = vector.broadcast %reduce_sum3A_426 : i32 to vector<16xi32>
        %add3A_431 = arith.addi %select_n3A_418, %add3A_430 : vector<16xi32>
        %select_n3A_432 = arith.select %eq3A_429, %add3A_431, %select_n3A_418 : vector<16xi1>, vector<16xi32>
        %eq3A_433 = arith.constant 2 : i32
        %eq3A_434 = vector.broadcast %eq3A_433 : i32 to vector<16xi32>
        %eq3A_435 = arith.cmpi eq, %get3A_405, %eq3A_434 : vector<16xi32>
        %convert_element_type3A_436 = arith.extui %eq3A_435 : vector<16xi1> to vector<16xi32>
        %reduce_sum3A_437 = arith.constant true
        %reduce_sum3A_438 = vector.broadcast %reduce_sum3A_437 : i1 to vector<16xi1>
        %reduce_sum3A_439 = tpu.scan <sum>, %convert_element_type3A_436 masked %reduce_sum3A_438 : vector<16xi32>, vector<16xi1> -> vector<16xi32>
        %reduce_sum3A_440 = vector.extract %reduce_sum3A_439[15] : i32 from vector<16xi32>
        %eq3A_441 = arith.constant 2 : i32
        %eq3A_442 = vector.broadcast %eq3A_441 : i32 to vector<16xi32>
        %eq3A_443 = arith.cmpi eq, %iota3A, %eq3A_442 : vector<16xi32>
        %add3A_444 = vector.broadcast %reduce_sum3A_440 : i32 to vector<16xi32>
        %add3A_445 = arith.addi %select_n3A_432, %add3A_444 : vector<16xi32>
        %select_n3A_446 = arith.select %eq3A_443, %add3A_445, %select_n3A_432 : vector<16xi1>, vector<16xi32>
        %eq3A_447 = arith.constant 3 : i32
        %eq3A_448 = vector.broadcast %eq3A_447 : i32 to vector<16xi32>
        %eq3A_449 = arith.cmpi eq, %get3A_405, %eq3A_448 : vector<16xi32>
        %convert_element_type3A_450 = arith.extui %eq3A_449 : vector<16xi1> to vector<16xi32>
        %reduce_sum3A_451 = arith.constant true
        %reduce_sum3A_452 = vector.broadcast %reduce_sum3A_451 : i1 to vector<16xi1>
        %reduce_sum3A_453 = tpu.scan <sum>, %convert_element_type3A_450 masked %reduce_sum3A_452 : vector<16xi32>, vector<16xi1> -> vector<16xi32>
        %reduce_sum3A_454 = vector.extract %reduce_sum3A_453[15] : i32 from vector<16xi32>
        %eq3A_455 = arith.constant 3 : i32
        %eq3A_456 = vector.broadcast %eq3A_455 : i32 to vector<16xi32>
        %eq3A_457 = arith.cmpi eq, %iota3A, %eq3A_456 : vector<16xi32>
        %add3A_458 = vector.broadcast %reduce_sum3A_454 : i32 to vector<16xi32>
        %add3A_459 = arith.addi %select_n3A_446, %add3A_458 : vector<16xi32>
        %select_n3A_460 = arith.select %eq3A_457, %add3A_459, %select_n3A_446 : vector<16xi1>, vector<16xi32>
        %eq3A_461 = arith.constant 4 : i32
        %eq3A_462 = vector.broadcast %eq3A_461 : i32 to vector<16xi32>
        %eq3A_463 = arith.cmpi eq, %get3A_405, %eq3A_462 : vector<16xi32>
        %convert_element_type3A_464 = arith.extui %eq3A_463 : vector<16xi1> to vector<16xi32>
        %reduce_sum3A_465 = arith.constant true
        %reduce_sum3A_466 = vector.broadcast %reduce_sum3A_465 : i1 to vector<16xi1>
        %reduce_sum3A_467 = tpu.scan <sum>, %convert_element_type3A_464 masked %reduce_sum3A_466 : vector<16xi32>, vector<16xi1> -> vector<16xi32>
        %reduce_sum3A_468 = vector.extract %reduce_sum3A_467[15] : i32 from vector<16xi32>
        %eq3A_469 = arith.constant 4 : i32
        %eq3A_470 = vector.broadcast %eq3A_469 : i32 to vector<16xi32>
        %eq3A_471 = arith.cmpi eq, %iota3A, %eq3A_470 : vector<16xi32>
        %add3A_472 = vector.broadcast %reduce_sum3A_468 : i32 to vector<16xi32>
        %add3A_473 = arith.addi %select_n3A_460, %add3A_472 : vector<16xi32>
        %select_n3A_474 = arith.select %eq3A_471, %add3A_473, %select_n3A_460 : vector<16xi1>, vector<16xi32>
        %eq3A_475 = arith.constant 5 : i32
        %eq3A_476 = vector.broadcast %eq3A_475 : i32 to vector<16xi32>
        %eq3A_477 = arith.cmpi eq, %get3A_405, %eq3A_476 : vector<16xi32>
        %convert_element_type3A_478 = arith.extui %eq3A_477 : vector<16xi1> to vector<16xi32>
        %reduce_sum3A_479 = arith.constant true
        %reduce_sum3A_480 = vector.broadcast %reduce_sum3A_479 : i1 to vector<16xi1>
        %reduce_sum3A_481 = tpu.scan <sum>, %convert_element_type3A_478 masked %reduce_sum3A_480 : vector<16xi32>, vector<16xi1> -> vector<16xi32>
        %reduce_sum3A_482 = vector.extract %reduce_sum3A_481[15] : i32 from vector<16xi32>
        %eq3A_483 = arith.constant 5 : i32
        %eq3A_484 = vector.broadcast %eq3A_483 : i32 to vector<16xi32>
        %eq3A_485 = arith.cmpi eq, %iota3A, %eq3A_484 : vector<16xi32>
        %add3A_486 = vector.broadcast %reduce_sum3A_482 : i32 to vector<16xi32>
        %add3A_487 = arith.addi %select_n3A_474, %add3A_486 : vector<16xi32>
        %select_n3A_488 = arith.select %eq3A_485, %add3A_487, %select_n3A_474 : vector<16xi1>, vector<16xi32>
        %eq3A_489 = arith.constant 6 : i32
        %eq3A_490 = vector.broadcast %eq3A_489 : i32 to vector<16xi32>
        %eq3A_491 = arith.cmpi eq, %get3A_405, %eq3A_490 : vector<16xi32>
        %convert_element_type3A_492 = arith.extui %eq3A_491 : vector<16xi1> to vector<16xi32>
        %reduce_sum3A_493 = arith.constant true
        %reduce_sum3A_494 = vector.broadcast %reduce_sum3A_493 : i1 to vector<16xi1>
        %reduce_sum3A_495 = tpu.scan <sum>, %convert_element_type3A_492 masked %reduce_sum3A_494 : vector<16xi32>, vector<16xi1> -> vector<16xi32>
        %reduce_sum3A_496 = vector.extract %reduce_sum3A_495[15] : i32 from vector<16xi32>
        %eq3A_497 = arith.constant 6 : i32
        %eq3A_498 = vector.broadcast %eq3A_497 : i32 to vector<16xi32>
        %eq3A_499 = arith.cmpi eq, %iota3A, %eq3A_498 : vector<16xi32>
        %add3A_500 = vector.broadcast %reduce_sum3A_496 : i32 to vector<16xi32>
        %add3A_501 = arith.addi %select_n3A_488, %add3A_500 : vector<16xi32>
        %select_n3A_502 = arith.select %eq3A_499, %add3A_501, %select_n3A_488 : vector<16xi1>, vector<16xi32>
        %eq3A_503 = arith.constant 7 : i32
        %eq3A_504 = vector.broadcast %eq3A_503 : i32 to vector<16xi32>
        %eq3A_505 = arith.cmpi eq, %get3A_405, %eq3A_504 : vector<16xi32>
        %convert_element_type3A_506 = arith.extui %eq3A_505 : vector<16xi1> to vector<16xi32>
        %reduce_sum3A_507 = arith.constant true
        %reduce_sum3A_508 = vector.broadcast %reduce_sum3A_507 : i1 to vector<16xi1>
        %reduce_sum3A_509 = tpu.scan <sum>, %convert_element_type3A_506 masked %reduce_sum3A_508 : vector<16xi32>, vector<16xi1> -> vector<16xi32>
        %reduce_sum3A_510 = vector.extract %reduce_sum3A_509[15] : i32 from vector<16xi32>
        %eq3A_511 = arith.constant 7 : i32
        %eq3A_512 = vector.broadcast %eq3A_511 : i32 to vector<16xi32>
        %eq3A_513 = arith.cmpi eq, %iota3A, %eq3A_512 : vector<16xi32>
        %add3A_514 = vector.broadcast %reduce_sum3A_510 : i32 to vector<16xi32>
        %add3A_515 = arith.addi %select_n3A_502, %add3A_514 : vector<16xi32>
        %select_n3A_516 = arith.select %eq3A_513, %add3A_515, %select_n3A_502 : vector<16xi1>, vector<16xi32>
        scf.yield %select_n3A_516 : vector<16xi32>
      }
      %scan3A_16 = arith.constant 16 : i32
      %swap3A = arith.constant 0 : index
      %swap3A_17 = tpu.vector_load %arg10[%swap3A] {strides = array<i32>} : memref<16xi32, #tpu.memory_space<vmem>>, vector<16xi32>,
      tpu.vector_store %arg10[%swap3A], %scan3A_15 {strides = array<i32>} : memref<16xi32, #tpu.memory_space<vmem>>, vector<16xi32>,
      "tpu.region"() ({
        %run_scoped3A = tpu.sem_alloc : memref<!tpu.dma_semaphore, #tpu.memory_space<semaphore_mem>>
        %dma_start3A_400 = arith.constant 0 : i32
        %dma_start3A_401 = tpu.memref_slice %arg11[%arg1, %dma_start3A_400] : memref<16x16xi32, #tpu.memory_space<vmem_shared>> -> memref<1x16xi32, #tpu.memory_space<vmem_shared>>
        %dma_start3A_402 = tpu.memref_squeeze %dma_start3A_401 : memref<1x16xi32, #tpu.memory_space<vmem_shared>> -> memref<16xi32, #tpu.memory_space<vmem_shared>>
        %dma_start3A_403 = arith.constant 0 : i32
        %dma_start3A_404 = tpu.memref_slice %arg11[%arg1, %dma_start3A_403] : memref<16x16xi32, #tpu.memory_space<vmem_shared>> -> memref<1x16xi32, #tpu.memory_space<vmem_shared>>
        %dma_start3A_405 = tpu.memref_squeeze %dma_start3A_404 : memref<1x16xi32, #tpu.memory_space<vmem_shared>> -> memref<16xi32, #tpu.memory_space<vmem_shared>>
        tpu.enqueue_dma source(%arg10 : memref<16xi32, #tpu.memory_space<vmem>>) target(%dma_start3A_405 : memref<16xi32, #tpu.memory_space<vmem_shared>>) target_semaphore(%run_scoped3A : memref<!tpu.dma_semaphore, #tpu.memory_space<semaphore_mem>>)
        %dma_wait3A_406 = arith.constant 0 : i32
        %dma_wait3A_407 = tpu.memref_slice %arg11[%arg1, %dma_wait3A_406] : memref<16x16xi32, #tpu.memory_space<vmem_shared>> -> memref<1x16xi32, #tpu.memory_space<vmem_shared>>
        %dma_wait3A_408 = tpu.memref_squeeze %dma_wait3A_407 : memref<1x16xi32, #tpu.memory_space<vmem_shared>> -> memref<16xi32, #tpu.memory_space<vmem_shared>>
        %dma_wait3A_409 = arith.constant 0 : i32
        %dma_wait3A_410 = tpu.memref_slice %arg11[%arg1, %dma_wait3A_409] : memref<16x16xi32, #tpu.memory_space<vmem_shared>> -> memref<1x16xi32, #tpu.memory_space<vmem_shared>>
        %dma_wait3A_411 = tpu.memref_squeeze %dma_wait3A_410 : memref<1x16xi32, #tpu.memory_space<vmem_shared>> -> memref<16xi32, #tpu.memory_space<vmem_shared>>
        tpu.wait_dma2 semaphore(%run_scoped3A : memref<!tpu.dma_semaphore, #tpu.memory_space<semaphore_mem>>) src(%arg10 : memref<16xi32, #tpu.memory_space<vmem>>) dst(%dma_wait3A_411 : memref<16xi32, #tpu.memory_space<vmem_shared>>)
        tpu.yield
      }) : () -> ()
      %barrier3A = arith.constant 0 : index
      tpu.barrier barrier_id(%barrier3A)
      "tpu.region"() ({
        %run_scoped3A = tpu.sem_alloc : memref<!tpu.dma_semaphore, #tpu.memory_space<semaphore_mem>>
        tpu.enqueue_dma source(%arg11 : memref<16x16xi32, #tpu.memory_space<vmem_shared>>) target(%arg13 : memref<16x16xi32, #tpu.memory_space<vmem>>) target_semaphore(%run_scoped3A : memref<!tpu.dma_semaphore, #tpu.memory_space<semaphore_mem>>)
        tpu.wait_dma2 semaphore(%run_scoped3A : memref<!tpu.dma_semaphore, #tpu.memory_space<semaphore_mem>>) src(%arg11 : memref<16x16xi32, #tpu.memory_space<vmem_shared>>) dst(%arg13 : memref<16x16xi32, #tpu.memory_space<vmem>>)
        tpu.yield
      }) : () -> ()
      %broadcast_in_dim3A_18 = arith.constant 0 : i32
      %broadcast_in_dim3A_19 = vector.broadcast %broadcast_in_dim3A_18 : i32 to vector<16xi32>
      %broadcast_in_dim3A_20 = arith.constant 0 : i32
      %broadcast_in_dim3A_21 = vector.broadcast %broadcast_in_dim3A_20 : i32 to vector<16xi32>
      %get3A = arith.constant 0 : i32
      %get3A_22 = arith.index_cast %get3A : i32 to index
      %get3A_23 = arith.constant 0 : index
      %get3A_24 = tpu.vector_load %arg13[%get3A_22, %get3A_23] {strides = array<i32>} : memref<16x16xi32, #tpu.memory_space<vmem>>, vector<16xi32>,
      %add3A = arith.addi %broadcast_in_dim3A_19, %get3A_24 : vector<16xi32>
      %gt3A = arith.constant 0 : i32
      %gt3A_25 = arith.cmpi sgt, %arg1, %gt3A : i32
      %broadcast_in_dim3A_26 = vector.broadcast %gt3A_25 : i1 to vector<16xi1>
      %jit3A = arith.constant 0 : i32
      %broadcast_in_dim3A_27 = vector.broadcast %jit3A : i32 to vector<16xi32>
      %select_n3A = arith.select %broadcast_in_dim3A_26, %get3A_24, %broadcast_in_dim3A_27 : vector<16xi1>, vector<16xi32>
      %add3A_28 = arith.addi %broadcast_in_dim3A_21, %select_n3A : vector<16xi32>
      %get3A_29 = arith.constant 1 : i32
      %get3A_30 = arith.index_cast %get3A_29 : i32 to index
      %get3A_31 = arith.constant 0 : index
      %get3A_32 = tpu.vector_load %arg13[%get3A_30, %get3A_31] {strides = array<i32>} : memref<16x16xi32, #tpu.memory_space<vmem>>, vector<16xi32>,
      %add3A_33 = arith.addi %add3A, %get3A_32 : vector<16xi32>
      %gt3A_34 = arith.constant 1 : i32
      %gt3A_35 = arith.cmpi sgt, %arg1, %gt3A_34 : i32
      %broadcast_in_dim3A_36 = vector.broadcast %gt3A_35 : i1 to vector<16xi1>
      %jit3A_37 = arith.constant 0 : i32
      %broadcast_in_dim3A_38 = vector.broadcast %jit3A_37 : i32 to vector<16xi32>
      %select_n3A_39 = arith.select %broadcast_in_dim3A_36, %get3A_32, %broadcast_in_dim3A_38 : vector<16xi1>, vector<16xi32>
      %add3A_40 = arith.addi %add3A_28, %select_n3A_39 : vector<16xi32>
      %get3A_41 = arith.constant 2 : i32
      %get3A_42 = arith.index_cast %get3A_41 : i32 to index
      %get3A_43 = arith.constant 0 : index
      %get3A_44 = tpu.vector_load %arg13[%get3A_42, %get3A_43] {strides = array<i32>} : memref<16x16xi32, #tpu.memory_space<vmem>>, vector<16xi32>,
      %add3A_45 = arith.addi %add3A_33, %get3A_44 : vector<16xi32>
      %gt3A_46 = arith.constant 2 : i32
      %gt3A_47 = arith.cmpi sgt, %arg1, %gt3A_46 : i32
      %broadcast_in_dim3A_48 = vector.broadcast %gt3A_47 : i1 to vector<16xi1>
      %jit3A_49 = arith.constant 0 : i32
      %broadcast_in_dim3A_50 = vector.broadcast %jit3A_49 : i32 to vector<16xi32>
      %select_n3A_51 = arith.select %broadcast_in_dim3A_48, %get3A_44, %broadcast_in_dim3A_50 : vector<16xi1>, vector<16xi32>
      %add3A_52 = arith.addi %add3A_40, %select_n3A_51 : vector<16xi32>
      %get3A_53 = arith.constant 3 : i32
      %get3A_54 = arith.index_cast %get3A_53 : i32 to index
      %get3A_55 = arith.constant 0 : index
      %get3A_56 = tpu.vector_load %arg13[%get3A_54, %get3A_55] {strides = array<i32>} : memref<16x16xi32, #tpu.memory_space<vmem>>, vector<16xi32>,
      %add3A_57 = arith.addi %add3A_45, %get3A_56 : vector<16xi32>
      %gt3A_58 = arith.constant 3 : i32
      %gt3A_59 = arith.cmpi sgt, %arg1, %gt3A_58 : i32
      %broadcast_in_dim3A_60 = vector.broadcast %gt3A_59 : i1 to vector<16xi1>
      %jit3A_61 = arith.constant 0 : i32
      %broadcast_in_dim3A_62 = vector.broadcast %jit3A_61 : i32 to vector<16xi32>
      %select_n3A_63 = arith.select %broadcast_in_dim3A_60, %get3A_56, %broadcast_in_dim3A_62 : vector<16xi1>, vector<16xi32>
      %add3A_64 = arith.addi %add3A_52, %select_n3A_63 : vector<16xi32>
      %get3A_65 = arith.constant 4 : i32
      %get3A_66 = arith.index_cast %get3A_65 : i32 to index
      %get3A_67 = arith.constant 0 : index
      %get3A_68 = tpu.vector_load %arg13[%get3A_66, %get3A_67] {strides = array<i32>} : memref<16x16xi32, #tpu.memory_space<vmem>>, vector<16xi32>,
      %add3A_69 = arith.addi %add3A_57, %get3A_68 : vector<16xi32>
      %gt3A_70 = arith.constant 4 : i32
      %gt3A_71 = arith.cmpi sgt, %arg1, %gt3A_70 : i32
      %broadcast_in_dim3A_72 = vector.broadcast %gt3A_71 : i1 to vector<16xi1>
      %jit3A_73 = arith.constant 0 : i32
      %broadcast_in_dim3A_74 = vector.broadcast %jit3A_73 : i32 to vector<16xi32>
      %select_n3A_75 = arith.select %broadcast_in_dim3A_72, %get3A_68, %broadcast_in_dim3A_74 : vector<16xi1>, vector<16xi32>
      %add3A_76 = arith.addi %add3A_64, %select_n3A_75 : vector<16xi32>
      %get3A_77 = arith.constant 5 : i32
      %get3A_78 = arith.index_cast %get3A_77 : i32 to index
      %get3A_79 = arith.constant 0 : index
      %get3A_80 = tpu.vector_load %arg13[%get3A_78, %get3A_79] {strides = array<i32>} : memref<16x16xi32, #tpu.memory_space<vmem>>, vector<16xi32>,
      %add3A_81 = arith.addi %add3A_69, %get3A_80 : vector<16xi32>
      %gt3A_82 = arith.constant 5 : i32
      %gt3A_83 = arith.cmpi sgt, %arg1, %gt3A_82 : i32
      %broadcast_in_dim3A_84 = vector.broadcast %gt3A_83 : i1 to vector<16xi1>
      %jit3A_85 = arith.constant 0 : i32
      %broadcast_in_dim3A_86 = vector.broadcast %jit3A_85 : i32 to vector<16xi32>
      %select_n3A_87 = arith.select %broadcast_in_dim3A_84, %get3A_80, %broadcast_in_dim3A_86 : vector<16xi1>, vector<16xi32>
      %add3A_88 = arith.addi %add3A_76, %select_n3A_87 : vector<16xi32>
      %get3A_89 = arith.constant 6 : i32
      %get3A_90 = arith.index_cast %get3A_89 : i32 to index
      %get3A_91 = arith.constant 0 : index
      %get3A_92 = tpu.vector_load %arg13[%get3A_90, %get3A_91] {strides = array<i32>} : memref<16x16xi32, #tpu.memory_space<vmem>>, vector<16xi32>,
      %add3A_93 = arith.addi %add3A_81, %get3A_92 : vector<16xi32>
      %gt3A_94 = arith.constant 6 : i32
      %gt3A_95 = arith.cmpi sgt, %arg1, %gt3A_94 : i32
      %broadcast_in_dim3A_96 = vector.broadcast %gt3A_95 : i1 to vector<16xi1>
      %jit3A_97 = arith.constant 0 : i32
      %broadcast_in_dim3A_98 = vector.broadcast %jit3A_97 : i32 to vector<16xi32>
      %select_n3A_99 = arith.select %broadcast_in_dim3A_96, %get3A_92, %broadcast_in_dim3A_98 : vector<16xi1>, vector<16xi32>
      %add3A_100 = arith.addi %add3A_88, %select_n3A_99 : vector<16xi32>
      %get3A_101 = arith.constant 7 : i32
      %get3A_102 = arith.index_cast %get3A_101 : i32 to index
      %get3A_103 = arith.constant 0 : index
      %get3A_104 = tpu.vector_load %arg13[%get3A_102, %get3A_103] {strides = array<i32>} : memref<16x16xi32, #tpu.memory_space<vmem>>, vector<16xi32>,
      %add3A_105 = arith.addi %add3A_93, %get3A_104 : vector<16xi32>
      %gt3A_106 = arith.constant 7 : i32
      %gt3A_107 = arith.cmpi sgt, %arg1, %gt3A_106 : i32
      %broadcast_in_dim3A_108 = vector.broadcast %gt3A_107 : i1 to vector<16xi1>
      %jit3A_109 = arith.constant 0 : i32
      %broadcast_in_dim3A_110 = vector.broadcast %jit3A_109 : i32 to vector<16xi32>
      %select_n3A_111 = arith.select %broadcast_in_dim3A_108, %get3A_104, %broadcast_in_dim3A_110 : vector<16xi1>, vector<16xi32>
      %add3A_112 = arith.addi %add3A_100, %select_n3A_111 : vector<16xi32>
      %get3A_113 = arith.constant 8 : i32
      %get3A_114 = arith.index_cast %get3A_113 : i32 to index
      %get3A_115 = arith.constant 0 : index
      %get3A_116 = tpu.vector_load %arg13[%get3A_114, %get3A_115] {strides = array<i32>} : memref<16x16xi32, #tpu.memory_space<vmem>>, vector<16xi32>,
      %add3A_117 = arith.addi %add3A_105, %get3A_116 : vector<16xi32>
      %gt3A_118 = arith.constant 8 : i32
      %gt3A_119 = arith.cmpi sgt, %arg1, %gt3A_118 : i32
      %broadcast_in_dim3A_120 = vector.broadcast %gt3A_119 : i1 to vector<16xi1>
      %jit3A_121 = arith.constant 0 : i32
      %broadcast_in_dim3A_122 = vector.broadcast %jit3A_121 : i32 to vector<16xi32>
      %select_n3A_123 = arith.select %broadcast_in_dim3A_120, %get3A_116, %broadcast_in_dim3A_122 : vector<16xi1>, vector<16xi32>
      %add3A_124 = arith.addi %add3A_112, %select_n3A_123 : vector<16xi32>
      %get3A_125 = arith.constant 9 : i32
      %get3A_126 = arith.index_cast %get3A_125 : i32 to index
      %get3A_127 = arith.constant 0 : index
      %get3A_128 = tpu.vector_load %arg13[%get3A_126, %get3A_127] {strides = array<i32>} : memref<16x16xi32, #tpu.memory_space<vmem>>, vector<16xi32>,
      %add3A_129 = arith.addi %add3A_117, %get3A_128 : vector<16xi32>
      %gt3A_130 = arith.constant 9 : i32
      %gt3A_131 = arith.cmpi sgt, %arg1, %gt3A_130 : i32
      %broadcast_in_dim3A_132 = vector.broadcast %gt3A_131 : i1 to vector<16xi1>
      %jit3A_133 = arith.constant 0 : i32
      %broadcast_in_dim3A_134 = vector.broadcast %jit3A_133 : i32 to vector<16xi32>
      %select_n3A_135 = arith.select %broadcast_in_dim3A_132, %get3A_128, %broadcast_in_dim3A_134 : vector<16xi1>, vector<16xi32>
      %add3A_136 = arith.addi %add3A_124, %select_n3A_135 : vector<16xi32>
      %get3A_137 = arith.constant 10 : i32
      %get3A_138 = arith.index_cast %get3A_137 : i32 to index
      %get3A_139 = arith.constant 0 : index
      %get3A_140 = tpu.vector_load %arg13[%get3A_138, %get3A_139] {strides = array<i32>} : memref<16x16xi32, #tpu.memory_space<vmem>>, vector<16xi32>,
      %add3A_141 = arith.addi %add3A_129, %get3A_140 : vector<16xi32>
      %gt3A_142 = arith.constant 10 : i32
      %gt3A_143 = arith.cmpi sgt, %arg1, %gt3A_142 : i32
      %broadcast_in_dim3A_144 = vector.broadcast %gt3A_143 : i1 to vector<16xi1>
      %jit3A_145 = arith.constant 0 : i32
      %broadcast_in_dim3A_146 = vector.broadcast %jit3A_145 : i32 to vector<16xi32>
      %select_n3A_147 = arith.select %broadcast_in_dim3A_144, %get3A_140, %broadcast_in_dim3A_146 : vector<16xi1>, vector<16xi32>
      %add3A_148 = arith.addi %add3A_136, %select_n3A_147 : vector<16xi32>
      %get3A_149 = arith.constant 11 : i32
      %get3A_150 = arith.index_cast %get3A_149 : i32 to index
      %get3A_151 = arith.constant 0 : index
      %get3A_152 = tpu.vector_load %arg13[%get3A_150, %get3A_151] {strides = array<i32>} : memref<16x16xi32, #tpu.memory_space<vmem>>, vector<16xi32>,
      %add3A_153 = arith.addi %add3A_141, %get3A_152 : vector<16xi32>
      %gt3A_154 = arith.constant 11 : i32
      %gt3A_155 = arith.cmpi sgt, %arg1, %gt3A_154 : i32
      %broadcast_in_dim3A_156 = vector.broadcast %gt3A_155 : i1 to vector<16xi1>
      %jit3A_157 = arith.constant 0 : i32
      %broadcast_in_dim3A_158 = vector.broadcast %jit3A_157 : i32 to vector<16xi32>
      %select_n3A_159 = arith.select %broadcast_in_dim3A_156, %get3A_152, %broadcast_in_dim3A_158 : vector<16xi1>, vector<16xi32>
      %add3A_160 = arith.addi %add3A_148, %select_n3A_159 : vector<16xi32>
      %get3A_161 = arith.constant 12 : i32
      %get3A_162 = arith.index_cast %get3A_161 : i32 to index
      %get3A_163 = arith.constant 0 : index
      %get3A_164 = tpu.vector_load %arg13[%get3A_162, %get3A_163] {strides = array<i32>} : memref<16x16xi32, #tpu.memory_space<vmem>>, vector<16xi32>,
      %add3A_165 = arith.addi %add3A_153, %get3A_164 : vector<16xi32>
      %gt3A_166 = arith.constant 12 : i32
      %gt3A_167 = arith.cmpi sgt, %arg1, %gt3A_166 : i32
      %broadcast_in_dim3A_168 = vector.broadcast %gt3A_167 : i1 to vector<16xi1>
      %jit3A_169 = arith.constant 0 : i32
      %broadcast_in_dim3A_170 = vector.broadcast %jit3A_169 : i32 to vector<16xi32>
      %select_n3A_171 = arith.select %broadcast_in_dim3A_168, %get3A_164, %broadcast_in_dim3A_170 : vector<16xi1>, vector<16xi32>
      %add3A_172 = arith.addi %add3A_160, %select_n3A_171 : vector<16xi32>
      %get3A_173 = arith.constant 13 : i32
      %get3A_174 = arith.index_cast %get3A_173 : i32 to index
      %get3A_175 = arith.constant 0 : index
      %get3A_176 = tpu.vector_load %arg13[%get3A_174, %get3A_175] {strides = array<i32>} : memref<16x16xi32, #tpu.memory_space<vmem>>, vector<16xi32>,
      %add3A_177 = arith.addi %add3A_165, %get3A_176 : vector<16xi32>
      %gt3A_178 = arith.constant 13 : i32
      %gt3A_179 = arith.cmpi sgt, %arg1, %gt3A_178 : i32
      %broadcast_in_dim3A_180 = vector.broadcast %gt3A_179 : i1 to vector<16xi1>
      %jit3A_181 = arith.constant 0 : i32
      %broadcast_in_dim3A_182 = vector.broadcast %jit3A_181 : i32 to vector<16xi32>
      %select_n3A_183 = arith.select %broadcast_in_dim3A_180, %get3A_176, %broadcast_in_dim3A_182 : vector<16xi1>, vector<16xi32>
      %add3A_184 = arith.addi %add3A_172, %select_n3A_183 : vector<16xi32>
      %get3A_185 = arith.constant 14 : i32
      %get3A_186 = arith.index_cast %get3A_185 : i32 to index
      %get3A_187 = arith.constant 0 : index
      %get3A_188 = tpu.vector_load %arg13[%get3A_186, %get3A_187] {strides = array<i32>} : memref<16x16xi32, #tpu.memory_space<vmem>>, vector<16xi32>,
      %add3A_189 = arith.addi %add3A_177, %get3A_188 : vector<16xi32>
      %gt3A_190 = arith.constant 14 : i32
      %gt3A_191 = arith.cmpi sgt, %arg1, %gt3A_190 : i32
      %broadcast_in_dim3A_192 = vector.broadcast %gt3A_191 : i1 to vector<16xi1>
      %jit3A_193 = arith.constant 0 : i32
      %broadcast_in_dim3A_194 = vector.broadcast %jit3A_193 : i32 to vector<16xi32>
      %select_n3A_195 = arith.select %broadcast_in_dim3A_192, %get3A_188, %broadcast_in_dim3A_194 : vector<16xi1>, vector<16xi32>
      %add3A_196 = arith.addi %add3A_184, %select_n3A_195 : vector<16xi32>
      %get3A_197 = arith.constant 15 : i32
      %get3A_198 = arith.index_cast %get3A_197 : i32 to index
      %get3A_199 = arith.constant 0 : index
      %get3A_200 = tpu.vector_load %arg13[%get3A_198, %get3A_199] {strides = array<i32>} : memref<16x16xi32, #tpu.memory_space<vmem>>, vector<16xi32>,
      %add3A_201 = arith.addi %add3A_189, %get3A_200 : vector<16xi32>
      %gt3A_202 = arith.constant 15 : i32
      %gt3A_203 = arith.cmpi sgt, %arg1, %gt3A_202 : i32
      %broadcast_in_dim3A_204 = vector.broadcast %gt3A_203 : i1 to vector<16xi1>
      %jit3A_205 = arith.constant 0 : i32
      %broadcast_in_dim3A_206 = vector.broadcast %jit3A_205 : i32 to vector<16xi32>
      %select_n3A_207 = arith.select %broadcast_in_dim3A_204, %get3A_200, %broadcast_in_dim3A_206 : vector<16xi1>, vector<16xi32>
      %add3A_208 = arith.addi %add3A_196, %select_n3A_207 : vector<16xi32>
      %broadcast_in_dim3A_209 = arith.constant true
      %broadcast_in_dim3A_210 = vector.broadcast %broadcast_in_dim3A_209 : i1 to vector<16xi1>
      %masked_cumsum3A = tpu.scan <sum>, %add3A_201 masked %broadcast_in_dim3A_210 : vector<16xi32>, vector<16xi1> -> vector<16xi32>
      %sub3A = arith.subi %masked_cumsum3A, %add3A_201 : vector<16xi32>
      %add3A_211 = arith.addi %sub3A, %add3A_208 : vector<16xi32>
      %swap3A_212 = arith.constant 0 : index
      %swap3A_213 = tpu.vector_load %arg14[%swap3A_212] {strides = array<i32>} : memref<16xi32, #tpu.memory_space<vmem>>, vector<16xi32>,
      tpu.vector_store %arg14[%swap3A_212], %add3A_211 {strides = array<i32>} : memref<16xi32, #tpu.memory_space<vmem>>, vector<16xi32>,
      %eq3A_214 = arith.constant 0 : i32
      %eq3A_215 = arith.cmpi eq, %arg1, %eq3A_214 : i32
      %convert_element_type3A_216 = arith.extui %eq3A_215 : i1 to i32
      %cond3A_217 = arith.constant 0 : i32
      %cond3A_218 = arith.cmpi ne, %convert_element_type3A_216, %cond3A_217 : i32
      scf.if %cond3A_218 {
        %swap3A_400 = arith.constant 0 : index
        %swap3A_401 = tpu.vector_load %arg15[%swap3A_400] {strides = array<i32>} : memref<16xi32, #tpu.memory_space<vmem>>, vector<16xi32>,
        tpu.vector_store %arg15[%swap3A_400], %add3A_201 {strides = array<i32>} : memref<16xi32, #tpu.memory_space<vmem>>, vector<16xi32>,
        "tpu.region"() ({
          %run_scoped3A = tpu.sem_alloc : memref<!tpu.dma_semaphore, #tpu.memory_space<semaphore_mem>>
          tpu.enqueue_dma source(%arg15 : memref<16xi32, #tpu.memory_space<vmem>>) target(%arg7 : memref<16xi32, #tpu.memory_space<hbm>>) target_semaphore(%run_scoped3A : memref<!tpu.dma_semaphore, #tpu.memory_space<semaphore_mem>>)
          tpu.wait_dma2 semaphore(%run_scoped3A : memref<!tpu.dma_semaphore, #tpu.memory_space<semaphore_mem>>) src(%arg15 : memref<16xi32, #tpu.memory_space<vmem>>) dst(%arg7 : memref<16xi32, #tpu.memory_space<hbm>>)
          tpu.yield
        }) : () -> ()
      } else {
      }
      %scan3A_219 = arith.constant 0 : i32
      %scan3A_220 = arith.constant 0 : i32
      %scan3A_221 = arith.constant 16 : i32
      %scan3A_222 = arith.addi %scan3A_220, %scan3A_221 : i32
      %scan3A_223 = arith.constant 1 : i32
      %scan3A_224 = scf.for %scan3A_400 = %scan3A_220 to %scan3A_222 step %scan3A_223 iter_args(%scan3A_401 = %scan3A_219) -> (i32)  : i32 {
        %mul3A_402 = arith.constant 16 : i32
        %mul3A_403 = arith.muli %scan3A_400, %mul3A_402 : i32
        %get3A_404 = arith.index_cast %mul3A_403 : i32 to index
        %get3A_405 = tpu.vector_load %arg8[%get3A_404] {strides = array<i32>} : memref<256xi32, #tpu.memory_space<vmem>>, vector<16xi32>,
        %gather3A = tpu.vector_load_idx %arg14[%get3A_405] : memref<16xi32, #tpu.memory_space<vmem>>[vector<16xi32>], vector<16xi32>,
        %broadcast_in_dim3A_406 = arith.constant 0 : i32
        %broadcast_in_dim3A_407 = vector.broadcast %broadcast_in_dim3A_406 : i32 to vector<16xi32>
        %get3A_408 = arith.constant 0 : index
        %get3A_409 = tpu.vector_load %arg14[%get3A_408] {strides = array<i32>} : memref<16xi32, #tpu.memory_space<vmem>>, vector<16xi32>,
        %eq3A_410 = arith.constant 0 : i32
        %eq3A_411 = vector.broadcast %eq3A_410 : i32 to vector<16xi32>
        %eq3A_412 = arith.cmpi eq, %get3A_405, %eq3A_411 : vector<16xi32>
        %convert_element_type3A_413 = arith.extui %eq3A_412 : vector<16xi1> to vector<16xi32>
        %broadcast_in_dim3A_414 = arith.constant true
        %broadcast_in_dim3A_415 = vector.broadcast %broadcast_in_dim3A_414 : i1 to vector<16xi1>
        %masked_cumsum3A_416 = tpu.scan <sum>, %convert_element_type3A_413 masked %broadcast_in_dim3A_415 : vector<16xi32>, vector<16xi1> -> vector<16xi32>
        %sub3A_417 = arith.constant 1 : i32
        %sub3A_418 = vector.broadcast %sub3A_417 : i32 to vector<16xi32>
        %sub3A_419 = arith.subi %masked_cumsum3A_416, %sub3A_418 : vector<16xi32>
        %select_n3A_420 = arith.select %eq3A_412, %sub3A_419, %broadcast_in_dim3A_407 : vector<16xi1>, vector<16xi32>
        %eq3A_421 = arith.constant 0 : i32
        %eq3A_422 = vector.broadcast %eq3A_421 : i32 to vector<16xi32>
        %eq3A_423 = arith.cmpi eq, %iota3A, %eq3A_422 : vector<16xi32>
        %reduce_sum3A = arith.constant true
        %reduce_sum3A_424 = vector.broadcast %reduce_sum3A : i1 to vector<16xi1>
        %reduce_sum3A_425 = tpu.scan <sum>, %convert_element_type3A_413 masked %reduce_sum3A_424 : vector<16xi32>, vector<16xi1> -> vector<16xi32>
        %reduce_sum3A_426 = vector.extract %reduce_sum3A_425[15] : i32 from vector<16xi32>
        %add3A_427 = vector.broadcast %reduce_sum3A_426 : i32 to vector<16xi32>
        %add3A_428 = arith.addi %get3A_409, %add3A_427 : vector<16xi32>
        %select_n3A_429 = arith.select %eq3A_423, %add3A_428, %get3A_409 : vector<16xi1>, vector<16xi32>
        %eq3A_430 = arith.constant 1 : i32
        %eq3A_431 = vector.broadcast %eq3A_430 : i32 to vector<16xi32>
        %eq3A_432 = arith.cmpi eq, %get3A_405, %eq3A_431 : vector<16xi32>
        %convert_element_type3A_433 = arith.extui %eq3A_432 : vector<16xi1> to vector<16xi32>
        %broadcast_in_dim3A_434 = arith.constant true
        %broadcast_in_dim3A_435 = vector.broadcast %broadcast_in_dim3A_434 : i1 to vector<16xi1>
        %masked_cumsum3A_436 = tpu.scan <sum>, %convert_element_type3A_433 masked %broadcast_in_dim3A_435 : vector<16xi32>, vector<16xi1> -> vector<16xi32>
        %sub3A_437 = arith.constant 1 : i32
        %sub3A_438 = vector.broadcast %sub3A_437 : i32 to vector<16xi32>
        %sub3A_439 = arith.subi %masked_cumsum3A_436, %sub3A_438 : vector<16xi32>
        %select_n3A_440 = arith.select %eq3A_432, %sub3A_439, %select_n3A_420 : vector<16xi1>, vector<16xi32>
        %eq3A_441 = arith.constant 1 : i32
        %eq3A_442 = vector.broadcast %eq3A_441 : i32 to vector<16xi32>
        %eq3A_443 = arith.cmpi eq, %iota3A, %eq3A_442 : vector<16xi32>
        %reduce_sum3A_444 = arith.constant true
        %reduce_sum3A_445 = vector.broadcast %reduce_sum3A_444 : i1 to vector<16xi1>
        %reduce_sum3A_446 = tpu.scan <sum>, %convert_element_type3A_433 masked %reduce_sum3A_445 : vector<16xi32>, vector<16xi1> -> vector<16xi32>
        %reduce_sum3A_447 = vector.extract %reduce_sum3A_446[15] : i32 from vector<16xi32>
        %add3A_448 = vector.broadcast %reduce_sum3A_447 : i32 to vector<16xi32>
        %add3A_449 = arith.addi %select_n3A_429, %add3A_448 : vector<16xi32>
        %select_n3A_450 = arith.select %eq3A_443, %add3A_449, %select_n3A_429 : vector<16xi1>, vector<16xi32>
        %eq3A_451 = arith.constant 2 : i32
        %eq3A_452 = vector.broadcast %eq3A_451 : i32 to vector<16xi32>
        %eq3A_453 = arith.cmpi eq, %get3A_405, %eq3A_452 : vector<16xi32>
        %convert_element_type3A_454 = arith.extui %eq3A_453 : vector<16xi1> to vector<16xi32>
        %broadcast_in_dim3A_455 = arith.constant true
        %broadcast_in_dim3A_456 = vector.broadcast %broadcast_in_dim3A_455 : i1 to vector<16xi1>
        %masked_cumsum3A_457 = tpu.scan <sum>, %convert_element_type3A_454 masked %broadcast_in_dim3A_456 : vector<16xi32>, vector<16xi1> -> vector<16xi32>
        %sub3A_458 = arith.constant 1 : i32
        %sub3A_459 = vector.broadcast %sub3A_458 : i32 to vector<16xi32>
        %sub3A_460 = arith.subi %masked_cumsum3A_457, %sub3A_459 : vector<16xi32>
        %select_n3A_461 = arith.select %eq3A_453, %sub3A_460, %select_n3A_440 : vector<16xi1>, vector<16xi32>
        %eq3A_462 = arith.constant 2 : i32
        %eq3A_463 = vector.broadcast %eq3A_462 : i32 to vector<16xi32>
        %eq3A_464 = arith.cmpi eq, %iota3A, %eq3A_463 : vector<16xi32>
        %reduce_sum3A_465 = arith.constant true
        %reduce_sum3A_466 = vector.broadcast %reduce_sum3A_465 : i1 to vector<16xi1>
        %reduce_sum3A_467 = tpu.scan <sum>, %convert_element_type3A_454 masked %reduce_sum3A_466 : vector<16xi32>, vector<16xi1> -> vector<16xi32>
        %reduce_sum3A_468 = vector.extract %reduce_sum3A_467[15] : i32 from vector<16xi32>
        %add3A_469 = vector.broadcast %reduce_sum3A_468 : i32 to vector<16xi32>
        %add3A_470 = arith.addi %select_n3A_450, %add3A_469 : vector<16xi32>
        %select_n3A_471 = arith.select %eq3A_464, %add3A_470, %select_n3A_450 : vector<16xi1>, vector<16xi32>
        %eq3A_472 = arith.constant 3 : i32
        %eq3A_473 = vector.broadcast %eq3A_472 : i32 to vector<16xi32>
        %eq3A_474 = arith.cmpi eq, %get3A_405, %eq3A_473 : vector<16xi32>
        %convert_element_type3A_475 = arith.extui %eq3A_474 : vector<16xi1> to vector<16xi32>
        %broadcast_in_dim3A_476 = arith.constant true
        %broadcast_in_dim3A_477 = vector.broadcast %broadcast_in_dim3A_476 : i1 to vector<16xi1>
        %masked_cumsum3A_478 = tpu.scan <sum>, %convert_element_type3A_475 masked %broadcast_in_dim3A_477 : vector<16xi32>, vector<16xi1> -> vector<16xi32>
        %sub3A_479 = arith.constant 1 : i32
        %sub3A_480 = vector.broadcast %sub3A_479 : i32 to vector<16xi32>
        %sub3A_481 = arith.subi %masked_cumsum3A_478, %sub3A_480 : vector<16xi32>
        %select_n3A_482 = arith.select %eq3A_474, %sub3A_481, %select_n3A_461 : vector<16xi1>, vector<16xi32>
        %eq3A_483 = arith.constant 3 : i32
        %eq3A_484 = vector.broadcast %eq3A_483 : i32 to vector<16xi32>
        %eq3A_485 = arith.cmpi eq, %iota3A, %eq3A_484 : vector<16xi32>
        %reduce_sum3A_486 = arith.constant true
        %reduce_sum3A_487 = vector.broadcast %reduce_sum3A_486 : i1 to vector<16xi1>
        %reduce_sum3A_488 = tpu.scan <sum>, %convert_element_type3A_475 masked %reduce_sum3A_487 : vector<16xi32>, vector<16xi1> -> vector<16xi32>
        %reduce_sum3A_489 = vector.extract %reduce_sum3A_488[15] : i32 from vector<16xi32>
        %add3A_490 = vector.broadcast %reduce_sum3A_489 : i32 to vector<16xi32>
        %add3A_491 = arith.addi %select_n3A_471, %add3A_490 : vector<16xi32>
        %select_n3A_492 = arith.select %eq3A_485, %add3A_491, %select_n3A_471 : vector<16xi1>, vector<16xi32>
        %eq3A_493 = arith.constant 4 : i32
        %eq3A_494 = vector.broadcast %eq3A_493 : i32 to vector<16xi32>
        %eq3A_495 = arith.cmpi eq, %get3A_405, %eq3A_494 : vector<16xi32>
        %convert_element_type3A_496 = arith.extui %eq3A_495 : vector<16xi1> to vector<16xi32>
        %broadcast_in_dim3A_497 = arith.constant true
        %broadcast_in_dim3A_498 = vector.broadcast %broadcast_in_dim3A_497 : i1 to vector<16xi1>
        %masked_cumsum3A_499 = tpu.scan <sum>, %convert_element_type3A_496 masked %broadcast_in_dim3A_498 : vector<16xi32>, vector<16xi1> -> vector<16xi32>
        %sub3A_500 = arith.constant 1 : i32
        %sub3A_501 = vector.broadcast %sub3A_500 : i32 to vector<16xi32>
        %sub3A_502 = arith.subi %masked_cumsum3A_499, %sub3A_501 : vector<16xi32>
        %select_n3A_503 = arith.select %eq3A_495, %sub3A_502, %select_n3A_482 : vector<16xi1>, vector<16xi32>
        %eq3A_504 = arith.constant 4 : i32
        %eq3A_505 = vector.broadcast %eq3A_504 : i32 to vector<16xi32>
        %eq3A_506 = arith.cmpi eq, %iota3A, %eq3A_505 : vector<16xi32>
        %reduce_sum3A_507 = arith.constant true
        %reduce_sum3A_508 = vector.broadcast %reduce_sum3A_507 : i1 to vector<16xi1>
        %reduce_sum3A_509 = tpu.scan <sum>, %convert_element_type3A_496 masked %reduce_sum3A_508 : vector<16xi32>, vector<16xi1> -> vector<16xi32>
        %reduce_sum3A_510 = vector.extract %reduce_sum3A_509[15] : i32 from vector<16xi32>
        %add3A_511 = vector.broadcast %reduce_sum3A_510 : i32 to vector<16xi32>
        %add3A_512 = arith.addi %select_n3A_492, %add3A_511 : vector<16xi32>
        %select_n3A_513 = arith.select %eq3A_506, %add3A_512, %select_n3A_492 : vector<16xi1>, vector<16xi32>
        %eq3A_514 = arith.constant 5 : i32
        %eq3A_515 = vector.broadcast %eq3A_514 : i32 to vector<16xi32>
        %eq3A_516 = arith.cmpi eq, %get3A_405, %eq3A_515 : vector<16xi32>
        %convert_element_type3A_517 = arith.extui %eq3A_516 : vector<16xi1> to vector<16xi32>
        %broadcast_in_dim3A_518 = arith.constant true
        %broadcast_in_dim3A_519 = vector.broadcast %broadcast_in_dim3A_518 : i1 to vector<16xi1>
        %masked_cumsum3A_520 = tpu.scan <sum>, %convert_element_type3A_517 masked %broadcast_in_dim3A_519 : vector<16xi32>, vector<16xi1> -> vector<16xi32>
        %sub3A_521 = arith.constant 1 : i32
        %sub3A_522 = vector.broadcast %sub3A_521 : i32 to vector<16xi32>
        %sub3A_523 = arith.subi %masked_cumsum3A_520, %sub3A_522 : vector<16xi32>
        %select_n3A_524 = arith.select %eq3A_516, %sub3A_523, %select_n3A_503 : vector<16xi1>, vector<16xi32>
        %eq3A_525 = arith.constant 5 : i32
        %eq3A_526 = vector.broadcast %eq3A_525 : i32 to vector<16xi32>
        %eq3A_527 = arith.cmpi eq, %iota3A, %eq3A_526 : vector<16xi32>
        %reduce_sum3A_528 = arith.constant true
        %reduce_sum3A_529 = vector.broadcast %reduce_sum3A_528 : i1 to vector<16xi1>
        %reduce_sum3A_530 = tpu.scan <sum>, %convert_element_type3A_517 masked %reduce_sum3A_529 : vector<16xi32>, vector<16xi1> -> vector<16xi32>
        %reduce_sum3A_531 = vector.extract %reduce_sum3A_530[15] : i32 from vector<16xi32>
        %add3A_532 = vector.broadcast %reduce_sum3A_531 : i32 to vector<16xi32>
        %add3A_533 = arith.addi %select_n3A_513, %add3A_532 : vector<16xi32>
        %select_n3A_534 = arith.select %eq3A_527, %add3A_533, %select_n3A_513 : vector<16xi1>, vector<16xi32>
        %eq3A_535 = arith.constant 6 : i32
        %eq3A_536 = vector.broadcast %eq3A_535 : i32 to vector<16xi32>
        %eq3A_537 = arith.cmpi eq, %get3A_405, %eq3A_536 : vector<16xi32>
        %convert_element_type3A_538 = arith.extui %eq3A_537 : vector<16xi1> to vector<16xi32>
        %broadcast_in_dim3A_539 = arith.constant true
        %broadcast_in_dim3A_540 = vector.broadcast %broadcast_in_dim3A_539 : i1 to vector<16xi1>
        %masked_cumsum3A_541 = tpu.scan <sum>, %convert_element_type3A_538 masked %broadcast_in_dim3A_540 : vector<16xi32>, vector<16xi1> -> vector<16xi32>
        %sub3A_542 = arith.constant 1 : i32
        %sub3A_543 = vector.broadcast %sub3A_542 : i32 to vector<16xi32>
        %sub3A_544 = arith.subi %masked_cumsum3A_541, %sub3A_543 : vector<16xi32>
        %select_n3A_545 = arith.select %eq3A_537, %sub3A_544, %select_n3A_524 : vector<16xi1>, vector<16xi32>
        %eq3A_546 = arith.constant 6 : i32
        %eq3A_547 = vector.broadcast %eq3A_546 : i32 to vector<16xi32>
        %eq3A_548 = arith.cmpi eq, %iota3A, %eq3A_547 : vector<16xi32>
        %reduce_sum3A_549 = arith.constant true
        %reduce_sum3A_550 = vector.broadcast %reduce_sum3A_549 : i1 to vector<16xi1>
        %reduce_sum3A_551 = tpu.scan <sum>, %convert_element_type3A_538 masked %reduce_sum3A_550 : vector<16xi32>, vector<16xi1> -> vector<16xi32>
        %reduce_sum3A_552 = vector.extract %reduce_sum3A_551[15] : i32 from vector<16xi32>
        %add3A_553 = vector.broadcast %reduce_sum3A_552 : i32 to vector<16xi32>
        %add3A_554 = arith.addi %select_n3A_534, %add3A_553 : vector<16xi32>
        %select_n3A_555 = arith.select %eq3A_548, %add3A_554, %select_n3A_534 : vector<16xi1>, vector<16xi32>
        %eq3A_556 = arith.constant 7 : i32
        %eq3A_557 = vector.broadcast %eq3A_556 : i32 to vector<16xi32>
        %eq3A_558 = arith.cmpi eq, %get3A_405, %eq3A_557 : vector<16xi32>
        %convert_element_type3A_559 = arith.extui %eq3A_558 : vector<16xi1> to vector<16xi32>
        %broadcast_in_dim3A_560 = arith.constant true
        %broadcast_in_dim3A_561 = vector.broadcast %broadcast_in_dim3A_560 : i1 to vector<16xi1>
        %masked_cumsum3A_562 = tpu.scan <sum>, %convert_element_type3A_559 masked %broadcast_in_dim3A_561 : vector<16xi32>, vector<16xi1> -> vector<16xi32>
        %sub3A_563 = arith.constant 1 : i32
        %sub3A_564 = vector.broadcast %sub3A_563 : i32 to vector<16xi32>
        %sub3A_565 = arith.subi %masked_cumsum3A_562, %sub3A_564 : vector<16xi32>
        %select_n3A_566 = arith.select %eq3A_558, %sub3A_565, %select_n3A_545 : vector<16xi1>, vector<16xi32>
        %eq3A_567 = arith.constant 7 : i32
        %eq3A_568 = vector.broadcast %eq3A_567 : i32 to vector<16xi32>
        %eq3A_569 = arith.cmpi eq, %iota3A, %eq3A_568 : vector<16xi32>
        %reduce_sum3A_570 = arith.constant true
        %reduce_sum3A_571 = vector.broadcast %reduce_sum3A_570 : i1 to vector<16xi1>
        %reduce_sum3A_572 = tpu.scan <sum>, %convert_element_type3A_559 masked %reduce_sum3A_571 : vector<16xi32>, vector<16xi1> -> vector<16xi32>
        %reduce_sum3A_573 = vector.extract %reduce_sum3A_572[15] : i32 from vector<16xi32>
        %add3A_574 = vector.broadcast %reduce_sum3A_573 : i32 to vector<16xi32>
        %add3A_575 = arith.addi %select_n3A_555, %add3A_574 : vector<16xi32>
        %select_n3A_576 = arith.select %eq3A_569, %add3A_575, %select_n3A_555 : vector<16xi1>, vector<16xi32>
        %swap3A_577 = arith.constant 0 : index
        %swap3A_578 = tpu.vector_load %arg14[%swap3A_577] {strides = array<i32>} : memref<16xi32, #tpu.memory_space<vmem>>, vector<16xi32>,
        tpu.vector_store %arg14[%swap3A_577], %select_n3A_576 {strides = array<i32>} : memref<16xi32, #tpu.memory_space<vmem>>, vector<16xi32>,
        %add3A_579 = arith.addi %gather3A, %select_n3A_566 : vector<16xi32>
        %swap3A_580 = arith.index_cast %scan3A_400 : i32 to index
        %swap3A_581 = arith.constant 0 : index
        %swap3A_582 = tpu.vector_load %arg9[%swap3A_580, %swap3A_581] {strides = array<i32>} : memref<16x16xi32, #tpu.memory_space<vmem>>, vector<16xi32>,
        tpu.vector_store %arg9[%swap3A_580, %swap3A_581], %add3A_579 {strides = array<i32>} : memref<16x16xi32, #tpu.memory_space<vmem>>, vector<16xi32>,
        %scan3A_583 = arith.constant 0 : i32
        scf.yield %scan3A_583 : i32
      }
      %scan3A_225 = arith.constant 16 : i32
      "tpu.region"() ({
        %run_scoped3A = tpu.sem_alloc : memref<!tpu.dma_semaphore, #tpu.memory_space<semaphore_mem>>
        %dma_start3A_400 = arith.constant 0 : i32
        %dma_start3A_401 = arith.constant 0 : i32
        %dma_start3A_402 = tpu.memref_slice %arg6[%arg1, %dma_start3A_400, %dma_start3A_401] : memref<16x16x16xi32, #tpu.memory_space<hbm>> -> memref<1x16x16xi32, #tpu.memory_space<hbm>>
        %dma_start3A_403 = tpu.memref_squeeze %dma_start3A_402 : memref<1x16x16xi32, #tpu.memory_space<hbm>> -> memref<16x16xi32, #tpu.memory_space<hbm>>
        %dma_start3A_404 = arith.constant 0 : i32
        %dma_start3A_405 = arith.constant 0 : i32
        %dma_start3A_406 = tpu.memref_slice %arg6[%arg1, %dma_start3A_404, %dma_start3A_405] : memref<16x16x16xi32, #tpu.memory_space<hbm>> -> memref<1x16x16xi32, #tpu.memory_space<hbm>>
        %dma_start3A_407 = tpu.memref_squeeze %dma_start3A_406 : memref<1x16x16xi32, #tpu.memory_space<hbm>> -> memref<16x16xi32, #tpu.memory_space<hbm>>
        tpu.enqueue_dma source(%arg9 : memref<16x16xi32, #tpu.memory_space<vmem>>) target(%dma_start3A_407 : memref<16x16xi32, #tpu.memory_space<hbm>>) target_semaphore(%run_scoped3A : memref<!tpu.dma_semaphore, #tpu.memory_space<semaphore_mem>>)
        %dma_wait3A_408 = arith.constant 0 : i32
        %dma_wait3A_409 = arith.constant 0 : i32
        %dma_wait3A_410 = tpu.memref_slice %arg6[%arg1, %dma_wait3A_408, %dma_wait3A_409] : memref<16x16x16xi32, #tpu.memory_space<hbm>> -> memref<1x16x16xi32, #tpu.memory_space<hbm>>
        %dma_wait3A_411 = tpu.memref_squeeze %dma_wait3A_410 : memref<1x16x16xi32, #tpu.memory_space<hbm>> -> memref<16x16xi32, #tpu.memory_space<hbm>>
        %dma_wait3A_412 = arith.constant 0 : i32
        %dma_wait3A_413 = arith.constant 0 : i32
        %dma_wait3A_414 = tpu.memref_slice %arg6[%arg1, %dma_wait3A_412, %dma_wait3A_413] : memref<16x16x16xi32, #tpu.memory_space<hbm>> -> memref<1x16x16xi32, #tpu.memory_space<hbm>>
        %dma_wait3A_415 = tpu.memref_squeeze %dma_wait3A_414 : memref<1x16x16xi32, #tpu.memory_space<hbm>> -> memref<16x16xi32, #tpu.memory_space<hbm>>
        tpu.wait_dma2 semaphore(%run_scoped3A : memref<!tpu.dma_semaphore, #tpu.memory_space<semaphore_mem>>) src(%arg9 : memref<16x16xi32, #tpu.memory_space<vmem>>) dst(%dma_wait3A_415 : memref<16x16xi32, #tpu.memory_space<hbm>>)
        tpu.yield
      }) : () -> ()
      "tpu.region"() ({
        %run_scoped3A = tpu.sem_alloc : memref<!tpu.dma_semaphore, #tpu.memory_space<semaphore_mem>>
        %dma_start3A_400 = arith.constant 0 : i32
        %dma_start3A_401 = arith.constant 0 : i32
        %dma_start3A_402 = tpu.memref_slice %arg12[%arg1, %dma_start3A_400, %dma_start3A_401] : memref<16x16x16xi32, #tpu.memory_space<vmem_shared>> -> memref<1x16x16xi32, #tpu.memory_space<vmem_shared>>
        %dma_start3A_403 = tpu.memref_squeeze %dma_start3A_402 : memref<1x16x16xi32, #tpu.memory_space<vmem_shared>> -> memref<16x16xi32, #tpu.memory_space<vmem_shared>>
        %dma_start3A_404 = arith.constant 0 : i32
        %dma_start3A_405 = arith.constant 0 : i32
        %dma_start3A_406 = tpu.memref_slice %arg12[%arg1, %dma_start3A_404, %dma_start3A_405] : memref<16x16x16xi32, #tpu.memory_space<vmem_shared>> -> memref<1x16x16xi32, #tpu.memory_space<vmem_shared>>
        %dma_start3A_407 = tpu.memref_squeeze %dma_start3A_406 : memref<1x16x16xi32, #tpu.memory_space<vmem_shared>> -> memref<16x16xi32, #tpu.memory_space<vmem_shared>>
        tpu.enqueue_dma source(%arg9 : memref<16x16xi32, #tpu.memory_space<vmem>>) target(%dma_start3A_407 : memref<16x16xi32, #tpu.memory_space<vmem_shared>>) target_semaphore(%run_scoped3A : memref<!tpu.dma_semaphore, #tpu.memory_space<semaphore_mem>>)
        %dma_wait3A_408 = arith.constant 0 : i32
        %dma_wait3A_409 = arith.constant 0 : i32
        %dma_wait3A_410 = tpu.memref_slice %arg12[%arg1, %dma_wait3A_408, %dma_wait3A_409] : memref<16x16x16xi32, #tpu.memory_space<vmem_shared>> -> memref<1x16x16xi32, #tpu.memory_space<vmem_shared>>
        %dma_wait3A_411 = tpu.memref_squeeze %dma_wait3A_410 : memref<1x16x16xi32, #tpu.memory_space<vmem_shared>> -> memref<16x16xi32, #tpu.memory_space<vmem_shared>>
        %dma_wait3A_412 = arith.constant 0 : i32
        %dma_wait3A_413 = arith.constant 0 : i32
        %dma_wait3A_414 = tpu.memref_slice %arg12[%arg1, %dma_wait3A_412, %dma_wait3A_413] : memref<16x16x16xi32, #tpu.memory_space<vmem_shared>> -> memref<1x16x16xi32, #tpu.memory_space<vmem_shared>>
        %dma_wait3A_415 = tpu.memref_squeeze %dma_wait3A_414 : memref<1x16x16xi32, #tpu.memory_space<vmem_shared>> -> memref<16x16xi32, #tpu.memory_space<vmem_shared>>
        tpu.wait_dma2 semaphore(%run_scoped3A : memref<!tpu.dma_semaphore, #tpu.memory_space<semaphore_mem>>) src(%arg9 : memref<16x16xi32, #tpu.memory_space<vmem>>) dst(%dma_wait3A_415 : memref<16x16xi32, #tpu.memory_space<vmem_shared>>)
        tpu.yield
      }) : () -> ()
      %broadcast_in_dim3A_226 = arith.constant 0 : i32
      %broadcast_in_dim3A_227 = vector.broadcast %broadcast_in_dim3A_226 : i32 to vector<16xi32>
      %swap3A_228 = arith.constant 0 : i32
      %swap3A_229 = arith.index_cast %swap3A_228 : i32 to index
      %swap3A_230 = arith.constant 0 : index
      %swap3A_231 = tpu.vector_load %arg17[%swap3A_229, %swap3A_230] {strides = array<i32>} : memref<4x64xi32, #tpu.memory_space<vmem>>, vector<16xi32>,
      tpu.vector_store %arg17[%swap3A_229, %swap3A_230], %broadcast_in_dim3A_227 {strides = array<i32>} : memref<4x64xi32, #tpu.memory_space<vmem>>, vector<16xi32>,
      %broadcast_in_dim3A_232 = arith.constant 0 : i32
      %broadcast_in_dim3A_233 = vector.broadcast %broadcast_in_dim3A_232 : i32 to vector<16xi32>
      %swap3A_234 = arith.constant 0 : i32
      %swap3A_235 = arith.index_cast %swap3A_234 : i32 to index
      %swap3A_236 = arith.constant 16 : index
      %swap3A_237 = tpu.vector_load %arg17[%swap3A_235, %swap3A_236] {strides = array<i32>} : memref<4x64xi32, #tpu.memory_space<vmem>>, vector<16xi32>,
      tpu.vector_store %arg17[%swap3A_235, %swap3A_236], %broadcast_in_dim3A_233 {strides = array<i32>} : memref<4x64xi32, #tpu.memory_space<vmem>>, vector<16xi32>,
      %broadcast_in_dim3A_238 = arith.constant 0 : i32
      %broadcast_in_dim3A_239 = vector.broadcast %broadcast_in_dim3A_238 : i32 to vector<16xi32>
      %swap3A_240 = arith.constant 0 : i32
      %swap3A_241 = arith.index_cast %swap3A_240 : i32 to index
      %swap3A_242 = arith.constant 32 : index
      %swap3A_243 = tpu.vector_load %arg17[%swap3A_241, %swap3A_242] {strides = array<i32>} : memref<4x64xi32, #tpu.memory_space<vmem>>, vector<16xi32>,
      tpu.vector_store %arg17[%swap3A_241, %swap3A_242], %broadcast_in_dim3A_239 {strides = array<i32>} : memref<4x64xi32, #tpu.memory_space<vmem>>, vector<16xi32>,
      %broadcast_in_dim3A_244 = arith.constant 0 : i32
      %broadcast_in_dim3A_245 = vector.broadcast %broadcast_in_dim3A_244 : i32 to vector<16xi32>
      %swap3A_246 = arith.constant 0 : i32
      %swap3A_247 = arith.index_cast %swap3A_246 : i32 to index
      %swap3A_248 = arith.constant 48 : index
      %swap3A_249 = tpu.vector_load %arg17[%swap3A_247, %swap3A_248] {strides = array<i32>} : memref<4x64xi32, #tpu.memory_space<vmem>>, vector<16xi32>,
      tpu.vector_store %arg17[%swap3A_247, %swap3A_248], %broadcast_in_dim3A_245 {strides = array<i32>} : memref<4x64xi32, #tpu.memory_space<vmem>>, vector<16xi32>,
      %broadcast_in_dim3A_250 = arith.constant 0 : i32
      %broadcast_in_dim3A_251 = vector.broadcast %broadcast_in_dim3A_250 : i32 to vector<16xi32>
      %swap3A_252 = arith.constant 1 : i32
      %swap3A_253 = arith.index_cast %swap3A_252 : i32 to index
      %swap3A_254 = arith.constant 0 : index
      %swap3A_255 = tpu.vector_load %arg17[%swap3A_253, %swap3A_254] {strides = array<i32>} : memref<4x64xi32, #tpu.memory_space<vmem>>, vector<16xi32>,
      tpu.vector_store %arg17[%swap3A_253, %swap3A_254], %broadcast_in_dim3A_251 {strides = array<i32>} : memref<4x64xi32, #tpu.memory_space<vmem>>, vector<16xi32>,
      %broadcast_in_dim3A_256 = arith.constant 0 : i32
      %broadcast_in_dim3A_257 = vector.broadcast %broadcast_in_dim3A_256 : i32 to vector<16xi32>
      %swap3A_258 = arith.constant 1 : i32
      %swap3A_259 = arith.index_cast %swap3A_258 : i32 to index
      %swap3A_260 = arith.constant 16 : index
      %swap3A_261 = tpu.vector_load %arg17[%swap3A_259, %swap3A_260] {strides = array<i32>} : memref<4x64xi32, #tpu.memory_space<vmem>>, vector<16xi32>,
      tpu.vector_store %arg17[%swap3A_259, %swap3A_260], %broadcast_in_dim3A_257 {strides = array<i32>} : memref<4x64xi32, #tpu.memory_space<vmem>>, vector<16xi32>,
      %broadcast_in_dim3A_262 = arith.constant 0 : i32
      %broadcast_in_dim3A_263 = vector.broadcast %broadcast_in_dim3A_262 : i32 to vector<16xi32>
      %swap3A_264 = arith.constant 1 : i32
      %swap3A_265 = arith.index_cast %swap3A_264 : i32 to index
      %swap3A_266 = arith.constant 32 : index
      %swap3A_267 = tpu.vector_load %arg17[%swap3A_265, %swap3A_266] {strides = array<i32>} : memref<4x64xi32, #tpu.memory_space<vmem>>, vector<16xi32>,
      tpu.vector_store %arg17[%swap3A_265, %swap3A_266], %broadcast_in_dim3A_263 {strides = array<i32>} : memref<4x64xi32, #tpu.memory_space<vmem>>, vector<16xi32>,
      %broadcast_in_dim3A_268 = arith.constant 0 : i32
      %broadcast_in_dim3A_269 = vector.broadcast %broadcast_in_dim3A_268 : i32 to vector<16xi32>
      %swap3A_270 = arith.constant 1 : i32
      %swap3A_271 = arith.index_cast %swap3A_270 : i32 to index
      %swap3A_272 = arith.constant 48 : index
      %swap3A_273 = tpu.vector_load %arg17[%swap3A_271, %swap3A_272] {strides = array<i32>} : memref<4x64xi32, #tpu.memory_space<vmem>>, vector<16xi32>,
      tpu.vector_store %arg17[%swap3A_271, %swap3A_272], %broadcast_in_dim3A_269 {strides = array<i32>} : memref<4x64xi32, #tpu.memory_space<vmem>>, vector<16xi32>,
      %broadcast_in_dim3A_274 = arith.constant 0 : i32
      %broadcast_in_dim3A_275 = vector.broadcast %broadcast_in_dim3A_274 : i32 to vector<16xi32>
      %swap3A_276 = arith.constant 2 : i32
      %swap3A_277 = arith.index_cast %swap3A_276 : i32 to index
      %swap3A_278 = arith.constant 0 : index
      %swap3A_279 = tpu.vector_load %arg17[%swap3A_277, %swap3A_278] {strides = array<i32>} : memref<4x64xi32, #tpu.memory_space<vmem>>, vector<16xi32>,
      tpu.vector_store %arg17[%swap3A_277, %swap3A_278], %broadcast_in_dim3A_275 {strides = array<i32>} : memref<4x64xi32, #tpu.memory_space<vmem>>, vector<16xi32>,
      %broadcast_in_dim3A_280 = arith.constant 0 : i32
      %broadcast_in_dim3A_281 = vector.broadcast %broadcast_in_dim3A_280 : i32 to vector<16xi32>
      %swap3A_282 = arith.constant 2 : i32
      %swap3A_283 = arith.index_cast %swap3A_282 : i32 to index
      %swap3A_284 = arith.constant 16 : index
      %swap3A_285 = tpu.vector_load %arg17[%swap3A_283, %swap3A_284] {strides = array<i32>} : memref<4x64xi32, #tpu.memory_space<vmem>>, vector<16xi32>,
      tpu.vector_store %arg17[%swap3A_283, %swap3A_284], %broadcast_in_dim3A_281 {strides = array<i32>} : memref<4x64xi32, #tpu.memory_space<vmem>>, vector<16xi32>,
      %broadcast_in_dim3A_286 = arith.constant 0 : i32
      %broadcast_in_dim3A_287 = vector.broadcast %broadcast_in_dim3A_286 : i32 to vector<16xi32>
      %swap3A_288 = arith.constant 2 : i32
      %swap3A_289 = arith.index_cast %swap3A_288 : i32 to index
      %swap3A_290 = arith.constant 32 : index
      %swap3A_291 = tpu.vector_load %arg17[%swap3A_289, %swap3A_290] {strides = array<i32>} : memref<4x64xi32, #tpu.memory_space<vmem>>, vector<16xi32>,
      tpu.vector_store %arg17[%swap3A_289, %swap3A_290], %broadcast_in_dim3A_287 {strides = array<i32>} : memref<4x64xi32, #tpu.memory_space<vmem>>, vector<16xi32>,
      %broadcast_in_dim3A_292 = arith.constant 0 : i32
      %broadcast_in_dim3A_293 = vector.broadcast %broadcast_in_dim3A_292 : i32 to vector<16xi32>
      %swap3A_294 = arith.constant 2 : i32
      %swap3A_295 = arith.index_cast %swap3A_294 : i32 to index
      %swap3A_296 = arith.constant 48 : index
      %swap3A_297 = tpu.vector_load %arg17[%swap3A_295, %swap3A_296] {strides = array<i32>} : memref<4x64xi32, #tpu.memory_space<vmem>>, vector<16xi32>,
      tpu.vector_store %arg17[%swap3A_295, %swap3A_296], %broadcast_in_dim3A_293 {strides = array<i32>} : memref<4x64xi32, #tpu.memory_space<vmem>>, vector<16xi32>,
      %broadcast_in_dim3A_298 = arith.constant 0 : i32
      %broadcast_in_dim3A_299 = vector.broadcast %broadcast_in_dim3A_298 : i32 to vector<16xi32>
      %swap3A_300 = arith.constant 3 : i32
      %swap3A_301 = arith.index_cast %swap3A_300 : i32 to index
      %swap3A_302 = arith.constant 0 : index
      %swap3A_303 = tpu.vector_load %arg17[%swap3A_301, %swap3A_302] {strides = array<i32>} : memref<4x64xi32, #tpu.memory_space<vmem>>, vector<16xi32>,
      tpu.vector_store %arg17[%swap3A_301, %swap3A_302], %broadcast_in_dim3A_299 {strides = array<i32>} : memref<4x64xi32, #tpu.memory_space<vmem>>, vector<16xi32>,
      %broadcast_in_dim3A_304 = arith.constant 0 : i32
      %broadcast_in_dim3A_305 = vector.broadcast %broadcast_in_dim3A_304 : i32 to vector<16xi32>
      %swap3A_306 = arith.constant 3 : i32
      %swap3A_307 = arith.index_cast %swap3A_306 : i32 to index
      %swap3A_308 = arith.constant 16 : index
      %swap3A_309 = tpu.vector_load %arg17[%swap3A_307, %swap3A_308] {strides = array<i32>} : memref<4x64xi32, #tpu.memory_space<vmem>>, vector<16xi32>,
      tpu.vector_store %arg17[%swap3A_307, %swap3A_308], %broadcast_in_dim3A_305 {strides = array<i32>} : memref<4x64xi32, #tpu.memory_space<vmem>>, vector<16xi32>,
      %broadcast_in_dim3A_310 = arith.constant 0 : i32
      %broadcast_in_dim3A_311 = vector.broadcast %broadcast_in_dim3A_310 : i32 to vector<16xi32>
      %swap3A_312 = arith.constant 3 : i32
      %swap3A_313 = arith.index_cast %swap3A_312 : i32 to index
      %swap3A_314 = arith.constant 32 : index
      %swap3A_315 = tpu.vector_load %arg17[%swap3A_313, %swap3A_314] {strides = array<i32>} : memref<4x64xi32, #tpu.memory_space<vmem>>, vector<16xi32>,
      tpu.vector_store %arg17[%swap3A_313, %swap3A_314], %broadcast_in_dim3A_311 {strides = array<i32>} : memref<4x64xi32, #tpu.memory_space<vmem>>, vector<16xi32>,
      %broadcast_in_dim3A_316 = arith.constant 0 : i32
      %broadcast_in_dim3A_317 = vector.broadcast %broadcast_in_dim3A_316 : i32 to vector<16xi32>
      %swap3A_318 = arith.constant 3 : i32
      %swap3A_319 = arith.index_cast %swap3A_318 : i32 to index
      %swap3A_320 = arith.constant 48 : index
      %swap3A_321 = tpu.vector_load %arg17[%swap3A_319, %swap3A_320] {strides = array<i32>} : memref<4x64xi32, #tpu.memory_space<vmem>>, vector<16xi32>,
      tpu.vector_store %arg17[%swap3A_319, %swap3A_320], %broadcast_in_dim3A_317 {strides = array<i32>} : memref<4x64xi32, #tpu.memory_space<vmem>>, vector<16xi32>,
      %barrier3A_322 = arith.constant 0 : index
      tpu.barrier barrier_id(%barrier3A_322)
      "tpu.region"() ({
        %run_scoped3A = tpu.sem_alloc : memref<!tpu.dma_semaphore, #tpu.memory_space<semaphore_mem>>
        tpu.enqueue_dma source(%arg12 : memref<16x16x16xi32, #tpu.memory_space<vmem_shared>>) target(%arg16 : memref<16x16x16xi32, #tpu.memory_space<vmem>>) target_semaphore(%run_scoped3A : memref<!tpu.dma_semaphore, #tpu.memory_space<semaphore_mem>>)
        tpu.wait_dma2 semaphore(%run_scoped3A : memref<!tpu.dma_semaphore, #tpu.memory_space<semaphore_mem>>) src(%arg12 : memref<16x16x16xi32, #tpu.memory_space<vmem_shared>>) dst(%arg16 : memref<16x16x16xi32, #tpu.memory_space<vmem>>)
        tpu.yield
      }) : () -> ()
      %scan3A_323 = arith.constant 0 : i32
      %scan3A_324 = arith.constant 0 : i32
      %scan3A_325 = arith.constant 256 : i32
      %scan3A_326 = arith.addi %scan3A_324, %scan3A_325 : i32
      %scan3A_327 = arith.constant 1 : i32
      %scan3A_328 = scf.for %scan3A_400 = %scan3A_324 to %scan3A_326 step %scan3A_327 iter_args(%scan3A_401 = %scan3A_323) -> (i32)  : i32 {
        %jit3A_402 = arith.constant 16 : i32
        %div3A = arith.divsi %scan3A_400, %jit3A_402 : i32
        %sign3A = arith.constant 0 : i32
        %sign3A_403 = arith.cmpi sgt, %scan3A_400, %sign3A : i32
        %sign3A_404 = arith.extui %sign3A_403 : i1 to i32
        %sign3A_405 = arith.constant 0 : i32
        %sign3A_406 = arith.cmpi slt, %scan3A_400, %sign3A_405 : i32
        %sign3A_407 = arith.extui %sign3A_406 : i1 to i32
        %sign3A_408 = arith.subi %sign3A_404, %sign3A_407 : i32
        %sign3A_409 = arith.constant 0 : i32
        %sign3A_410 = arith.cmpi sgt, %jit3A_402, %sign3A_409 : i32
        %sign3A_411 = arith.extui %sign3A_410 : i1 to i32
        %sign3A_412 = arith.constant 0 : i32
        %sign3A_413 = arith.cmpi slt, %jit3A_402, %sign3A_412 : i32
        %sign3A_414 = arith.extui %sign3A_413 : i1 to i32
        %sign3A_415 = arith.subi %sign3A_411, %sign3A_414 : i32
        %ne3A = arith.cmpi ne, %sign3A_408, %sign3A_415 : i32
        %rem3A = arith.remsi %scan3A_400, %jit3A_402 : i32
        %ne3A_416 = arith.constant 0 : i32
        %ne3A_417 = arith.cmpi ne, %rem3A, %ne3A_416 : i32
        %and3A = arith.andi %ne3A, %ne3A_417 : i1
        %sub3A_418 = arith.constant 1 : i32
        %sub3A_419 = arith.subi %div3A, %sub3A_418 : i32
        %select_n3A_420 = arith.select %and3A, %sub3A_419, %div3A : i32
        %jit3A_421 = arith.constant 16 : i32
        %eq3A_422 = arith.constant 0 : i32
        %eq3A_423 = arith.cmpi eq, %jit3A_421, %eq3A_422 : i32
        %jit3A_424 = arith.constant 1 : i32
        %select_n3A_425 = arith.select %eq3A_423, %jit3A_424, %jit3A_421 : i32
        %rem3A_426 = arith.remsi %scan3A_400, %select_n3A_425 : i32
        %ne3A_427 = arith.constant 0 : i32
        %ne3A_428 = arith.cmpi ne, %rem3A_426, %ne3A_427 : i32
        %lt3A = arith.constant 0 : i32
        %lt3A_429 = arith.cmpi slt, %rem3A_426, %lt3A : i32
        %lt3A_430 = arith.constant 0 : i32
        %lt3A_431 = arith.cmpi slt, %select_n3A_425, %lt3A_430 : i32
        %ne3A_432 = arith.xori %lt3A_429, %lt3A_431 : i1
        %and3A_433 = arith.andi %ne3A_432, %ne3A_428 : i1
        %add3A_434 = arith.addi %rem3A_426, %select_n3A_425 : i32
        %select_n3A_435 = arith.select %and3A_433, %add3A_434, %rem3A_426 : i32
        %get3A_436 = arith.index_cast %select_n3A_420 : i32 to index
        %get3A_437 = arith.index_cast %select_n3A_435 : i32 to index
        %get3A_438 = arith.constant 0 : index
        %get3A_439 = tpu.vector_load %arg16[%get3A_436, %get3A_437, %get3A_438] {strides = array<i32>} : memref<16x16x16xi32, #tpu.memory_space<vmem>>, vector<16xi32>,
        %mul3A_440 = arith.constant 16 : i32
        %mul3A_441 = arith.muli %scan3A_400, %mul3A_440 : i32
        %add3A_442 = vector.broadcast %mul3A_441 : i32 to vector<16xi32>
        %add3A_443 = arith.addi %add3A_442, %iota3A : vector<16xi32>
        %ge3A_444 = arith.constant 2048 : i32
        %ge3A_445 = vector.broadcast %ge3A_444 : i32 to vector<16xi32>
        %ge3A_446 = arith.cmpi sge, %add3A_443, %ge3A_445 : vector<16xi32>
        %jit3A_447 = arith.constant 2048 : i32
        %jit3A_448 = arith.constant 0 : i32
        %broadcast_in_dim3A_449 = vector.broadcast %jit3A_447 : i32 to vector<16xi32>
        %broadcast_in_dim3A_450 = vector.broadcast %jit3A_448 : i32 to vector<16xi32>
        %select_n3A_451 = arith.select %ge3A_446, %broadcast_in_dim3A_449, %broadcast_in_dim3A_450 : vector<16xi1>, vector<16xi32>
        %sub3A_452 = arith.subi %add3A_443, %select_n3A_451 : vector<16xi32>
        %mul3A_453 = arith.constant 256 : i32
        %mul3A_454 = arith.muli %arg1, %mul3A_453 : i32
        %sub3A_455 = vector.broadcast %mul3A_454 : i32 to vector<16xi32>
        %sub3A_456 = arith.subi %get3A_439, %sub3A_455 : vector<16xi32>
        %ge3A_457 = arith.constant 0 : i32
        %ge3A_458 = vector.broadcast %ge3A_457 : i32 to vector<16xi32>
        %ge3A_459 = arith.cmpi sge, %sub3A_456, %ge3A_458 : vector<16xi32>
        %lt3A_460 = arith.constant 256 : i32
        %lt3A_461 = vector.broadcast %lt3A_460 : i32 to vector<16xi32>
        %lt3A_462 = arith.cmpi slt, %sub3A_456, %lt3A_461 : vector<16xi32>
        %and3A_463 = arith.andi %ge3A_459, %lt3A_462 : vector<16xi1>
        %max3A = arith.constant 0 : i32
        %max3A_464 = vector.broadcast %max3A : i32 to vector<16xi32>
        %max3A_465 = arith.maxsi %sub3A_456, %max3A_464 : vector<16xi32>
        %min3A = arith.constant 255 : i32
        %min3A_466 = vector.broadcast %min3A : i32 to vector<16xi32>
        %min3A_467 = arith.minsi %max3A_465, %min3A_466 : vector<16xi32>
        %shift_right_arithmetic3A = arith.constant 6 : i32
        %shift_right_arithmetic3A_468 = vector.broadcast %shift_right_arithmetic3A : i32 to vector<16xi32>
        %shift_right_arithmetic3A_469 = arith.shrsi %min3A_467, %shift_right_arithmetic3A_468 : vector<16xi32>
        %and3A_470 = arith.constant 63 : i32
        %and3A_471 = vector.broadcast %and3A_470 : i32 to vector<16xi32>
        %and3A_472 = arith.andi %min3A_467, %and3A_471 : vector<16xi32>
        tpu.vector_store_idx %arg17[%shift_right_arithmetic3A_469, %and3A_472], %sub3A_452 masked %and3A_463 : memref<4x64xi32, #tpu.memory_space<vmem>>[vector<16xi32>, vector<16xi32>], vector<16xi32>, vector<16xi1>
        %scan3A_473 = arith.constant 0 : i32
        scf.yield %scan3A_473 : i32
      }
      %scan3A_329 = arith.constant 256 : i32
      %dma_start3A = arith.constant 0 : i32
      %dma_start3A_330 = arith.constant 0 : i32
      %dma_start3A_331 = tpu.memref_slice %arg17[%dma_start3A, %dma_start3A_330] : memref<4x64xi32, #tpu.memory_space<vmem>> -> memref<1x64xi32, #tpu.memory_space<vmem>>
      %dma_start3A_332 = tpu.memref_squeeze %dma_start3A_331 : memref<1x64xi32, #tpu.memory_space<vmem>> -> memref<64xi32, #tpu.memory_space<vmem>>
      %dma_start3A_333 = arith.constant 0 : i32
      %dma_start3A_334 = arith.constant 0 : i32
      %dma_start3A_335 = tpu.memref_slice %arg4[%dma_start3A_333, %dma_start3A_334] : memref<2048x768xf32, #tpu.memory_space<hbm>> -> memref<2048x768xf32, #tpu.memory_space<hbm>>
      tpu.enqueue_indirect_dma source(%dma_start3A_335 : memref<2048x768xf32, #tpu.memory_space<hbm>>) target(%arg18 : memref<64x768xf32, #tpu.memory_space<vmem>>) offsets(%dma_start3A_332 : memref<64xi32, #tpu.memory_space<vmem>>) semaphore(%arg19 : memref<!tpu.dma_semaphore, #tpu.memory_space<semaphore_mem>>)
      %dma_wait3A = arith.constant 0 : i32
      %dma_wait3A_336 = arith.constant 0 : i32
      %dma_wait3A_337 = tpu.memref_slice %arg17[%dma_wait3A, %dma_wait3A_336] : memref<4x64xi32, #tpu.memory_space<vmem>> -> memref<1x64xi32, #tpu.memory_space<vmem>>
      %dma_wait3A_338 = tpu.memref_squeeze %dma_wait3A_337 : memref<1x64xi32, #tpu.memory_space<vmem>> -> memref<64xi32, #tpu.memory_space<vmem>>
      %dma_wait3A_339 = arith.constant 0 : i32
      %dma_wait3A_340 = arith.constant 0 : i32
      %dma_wait3A_341 = tpu.memref_slice %arg4[%dma_wait3A_339, %dma_wait3A_340] : memref<2048x768xf32, #tpu.memory_space<hbm>> -> memref<2048x768xf32, #tpu.memory_space<hbm>>
      tpu.wait_indirect_dma semaphore(%arg19 : memref<!tpu.dma_semaphore, #tpu.memory_space<semaphore_mem>>) src(%dma_wait3A_341 : memref<2048x768xf32, #tpu.memory_space<hbm>>) dst(%arg18 : memref<64x768xf32, #tpu.memory_space<vmem>>)
      %mul3A_342 = arith.constant 256 : i32
      %mul3A_343 = arith.muli %arg1, %mul3A_342 : i32
      %add3A_344 = arith.constant 0 : i32
      %add3A_345 = arith.addi %mul3A_343, %add3A_344 : i32
      "tpu.region"() ({
        %run_scoped3A = tpu.sem_alloc : memref<!tpu.dma_semaphore, #tpu.memory_space<semaphore_mem>>
        %dma_start3A_400 = arith.constant 0 : i32
        %dma_start3A_401 = tpu.memref_slice %arg5[%add3A_345, %dma_start3A_400] : memref<4096x768xf32, #tpu.memory_space<hbm>> -> memref<64x768xf32, #tpu.memory_space<hbm>>
        %dma_start3A_402 = arith.constant 0 : i32
        %dma_start3A_403 = tpu.memref_slice %arg5[%add3A_345, %dma_start3A_402] : memref<4096x768xf32, #tpu.memory_space<hbm>> -> memref<64x768xf32, #tpu.memory_space<hbm>>
        tpu.enqueue_dma source(%arg18 : memref<64x768xf32, #tpu.memory_space<vmem>>) target(%dma_start3A_403 : memref<64x768xf32, #tpu.memory_space<hbm>>) target_semaphore(%run_scoped3A : memref<!tpu.dma_semaphore, #tpu.memory_space<semaphore_mem>>)
        %dma_wait3A_404 = arith.constant 0 : i32
        %dma_wait3A_405 = tpu.memref_slice %arg5[%add3A_345, %dma_wait3A_404] : memref<4096x768xf32, #tpu.memory_space<hbm>> -> memref<64x768xf32, #tpu.memory_space<hbm>>
        %dma_wait3A_406 = arith.constant 0 : i32
        %dma_wait3A_407 = tpu.memref_slice %arg5[%add3A_345, %dma_wait3A_406] : memref<4096x768xf32, #tpu.memory_space<hbm>> -> memref<64x768xf32, #tpu.memory_space<hbm>>
        tpu.wait_dma2 semaphore(%run_scoped3A : memref<!tpu.dma_semaphore, #tpu.memory_space<semaphore_mem>>) src(%arg18 : memref<64x768xf32, #tpu.memory_space<vmem>>) dst(%dma_wait3A_407 : memref<64x768xf32, #tpu.memory_space<hbm>>)
        tpu.yield
      }) : () -> ()
      %dma_start3A_346 = arith.constant 1 : i32
      %dma_start3A_347 = arith.constant 0 : i32
      %dma_start3A_348 = tpu.memref_slice %arg17[%dma_start3A_346, %dma_start3A_347] : memref<4x64xi32, #tpu.memory_space<vmem>> -> memref<1x64xi32, #tpu.memory_space<vmem>>
      %dma_start3A_349 = tpu.memref_squeeze %dma_start3A_348 : memref<1x64xi32, #tpu.memory_space<vmem>> -> memref<64xi32, #tpu.memory_space<vmem>>
      %dma_start3A_350 = arith.constant 0 : i32
      %dma_start3A_351 = arith.constant 0 : i32
      %dma_start3A_352 = tpu.memref_slice %arg4[%dma_start3A_350, %dma_start3A_351] : memref<2048x768xf32, #tpu.memory_space<hbm>> -> memref<2048x768xf32, #tpu.memory_space<hbm>>
      tpu.enqueue_indirect_dma source(%dma_start3A_352 : memref<2048x768xf32, #tpu.memory_space<hbm>>) target(%arg18 : memref<64x768xf32, #tpu.memory_space<vmem>>) offsets(%dma_start3A_349 : memref<64xi32, #tpu.memory_space<vmem>>) semaphore(%arg19 : memref<!tpu.dma_semaphore, #tpu.memory_space<semaphore_mem>>)
      %dma_wait3A_353 = arith.constant 1 : i32
      %dma_wait3A_354 = arith.constant 0 : i32
      %dma_wait3A_355 = tpu.memref_slice %arg17[%dma_wait3A_353, %dma_wait3A_354] : memref<4x64xi32, #tpu.memory_space<vmem>> -> memref<1x64xi32, #tpu.memory_space<vmem>>
      %dma_wait3A_356 = tpu.memref_squeeze %dma_wait3A_355 : memref<1x64xi32, #tpu.memory_space<vmem>> -> memref<64xi32, #tpu.memory_space<vmem>>
      %dma_wait3A_357 = arith.constant 0 : i32
      %dma_wait3A_358 = arith.constant 0 : i32
      %dma_wait3A_359 = tpu.memref_slice %arg4[%dma_wait3A_357, %dma_wait3A_358] : memref<2048x768xf32, #tpu.memory_space<hbm>> -> memref<2048x768xf32, #tpu.memory_space<hbm>>
      tpu.wait_indirect_dma semaphore(%arg19 : memref<!tpu.dma_semaphore, #tpu.memory_space<semaphore_mem>>) src(%dma_wait3A_359 : memref<2048x768xf32, #tpu.memory_space<hbm>>) dst(%arg18 : memref<64x768xf32, #tpu.memory_space<vmem>>)
      %mul3A_360 = arith.constant 256 : i32
      %mul3A_361 = arith.muli %arg1, %mul3A_360 : i32
      %add3A_362 = arith.constant 64 : i32
      %add3A_363 = arith.addi %mul3A_361, %add3A_362 : i32
      "tpu.region"() ({
        %run_scoped3A = tpu.sem_alloc : memref<!tpu.dma_semaphore, #tpu.memory_space<semaphore_mem>>
        %dma_start3A_400 = arith.constant 0 : i32
        %dma_start3A_401 = tpu.memref_slice %arg5[%add3A_363, %dma_start3A_400] : memref<4096x768xf32, #tpu.memory_space<hbm>> -> memref<64x768xf32, #tpu.memory_space<hbm>>
        %dma_start3A_402 = arith.constant 0 : i32
        %dma_start3A_403 = tpu.memref_slice %arg5[%add3A_363, %dma_start3A_402] : memref<4096x768xf32, #tpu.memory_space<hbm>> -> memref<64x768xf32, #tpu.memory_space<hbm>>
        tpu.enqueue_dma source(%arg18 : memref<64x768xf32, #tpu.memory_space<vmem>>) target(%dma_start3A_403 : memref<64x768xf32, #tpu.memory_space<hbm>>) target_semaphore(%run_scoped3A : memref<!tpu.dma_semaphore, #tpu.memory_space<semaphore_mem>>)
        %dma_wait3A_404 = arith.constant 0 : i32
        %dma_wait3A_405 = tpu.memref_slice %arg5[%add3A_363, %dma_wait3A_404] : memref<4096x768xf32, #tpu.memory_space<hbm>> -> memref<64x768xf32, #tpu.memory_space<hbm>>
        %dma_wait3A_406 = arith.constant 0 : i32
        %dma_wait3A_407 = tpu.memref_slice %arg5[%add3A_363, %dma_wait3A_406] : memref<4096x768xf32, #tpu.memory_space<hbm>> -> memref<64x768xf32, #tpu.memory_space<hbm>>
        tpu.wait_dma2 semaphore(%run_scoped3A : memref<!tpu.dma_semaphore, #tpu.memory_space<semaphore_mem>>) src(%arg18 : memref<64x768xf32, #tpu.memory_space<vmem>>) dst(%dma_wait3A_407 : memref<64x768xf32, #tpu.memory_space<hbm>>)
        tpu.yield
      }) : () -> ()
      %dma_start3A_364 = arith.constant 2 : i32
      %dma_start3A_365 = arith.constant 0 : i32
      %dma_start3A_366 = tpu.memref_slice %arg17[%dma_start3A_364, %dma_start3A_365] : memref<4x64xi32, #tpu.memory_space<vmem>> -> memref<1x64xi32, #tpu.memory_space<vmem>>
      %dma_start3A_367 = tpu.memref_squeeze %dma_start3A_366 : memref<1x64xi32, #tpu.memory_space<vmem>> -> memref<64xi32, #tpu.memory_space<vmem>>
      %dma_start3A_368 = arith.constant 0 : i32
      %dma_start3A_369 = arith.constant 0 : i32
      %dma_start3A_370 = tpu.memref_slice %arg4[%dma_start3A_368, %dma_start3A_369] : memref<2048x768xf32, #tpu.memory_space<hbm>> -> memref<2048x768xf32, #tpu.memory_space<hbm>>
      tpu.enqueue_indirect_dma source(%dma_start3A_370 : memref<2048x768xf32, #tpu.memory_space<hbm>>) target(%arg18 : memref<64x768xf32, #tpu.memory_space<vmem>>) offsets(%dma_start3A_367 : memref<64xi32, #tpu.memory_space<vmem>>) semaphore(%arg19 : memref<!tpu.dma_semaphore, #tpu.memory_space<semaphore_mem>>)
      %dma_wait3A_371 = arith.constant 2 : i32
      %dma_wait3A_372 = arith.constant 0 : i32
      %dma_wait3A_373 = tpu.memref_slice %arg17[%dma_wait3A_371, %dma_wait3A_372] : memref<4x64xi32, #tpu.memory_space<vmem>> -> memref<1x64xi32, #tpu.memory_space<vmem>>
      %dma_wait3A_374 = tpu.memref_squeeze %dma_wait3A_373 : memref<1x64xi32, #tpu.memory_space<vmem>> -> memref<64xi32, #tpu.memory_space<vmem>>
      %dma_wait3A_375 = arith.constant 0 : i32
      %dma_wait3A_376 = arith.constant 0 : i32
      %dma_wait3A_377 = tpu.memref_slice %arg4[%dma_wait3A_375, %dma_wait3A_376] : memref<2048x768xf32, #tpu.memory_space<hbm>> -> memref<2048x768xf32, #tpu.memory_space<hbm>>
      tpu.wait_indirect_dma semaphore(%arg19 : memref<!tpu.dma_semaphore, #tpu.memory_space<semaphore_mem>>) src(%dma_wait3A_377 : memref<2048x768xf32, #tpu.memory_space<hbm>>) dst(%arg18 : memref<64x768xf32, #tpu.memory_space<vmem>>)
      %mul3A_378 = arith.constant 256 : i32
      %mul3A_379 = arith.muli %arg1, %mul3A_378 : i32
      %add3A_380 = arith.constant 128 : i32
      %add3A_381 = arith.addi %mul3A_379, %add3A_380 : i32
      "tpu.region"() ({
        %run_scoped3A = tpu.sem_alloc : memref<!tpu.dma_semaphore, #tpu.memory_space<semaphore_mem>>
        %dma_start3A_400 = arith.constant 0 : i32
        %dma_start3A_401 = tpu.memref_slice %arg5[%add3A_381, %dma_start3A_400] : memref<4096x768xf32, #tpu.memory_space<hbm>> -> memref<64x768xf32, #tpu.memory_space<hbm>>
        %dma_start3A_402 = arith.constant 0 : i32
        %dma_start3A_403 = tpu.memref_slice %arg5[%add3A_381, %dma_start3A_402] : memref<4096x768xf32, #tpu.memory_space<hbm>> -> memref<64x768xf32, #tpu.memory_space<hbm>>
        tpu.enqueue_dma source(%arg18 : memref<64x768xf32, #tpu.memory_space<vmem>>) target(%dma_start3A_403 : memref<64x768xf32, #tpu.memory_space<hbm>>) target_semaphore(%run_scoped3A : memref<!tpu.dma_semaphore, #tpu.memory_space<semaphore_mem>>)
        %dma_wait3A_404 = arith.constant 0 : i32
        %dma_wait3A_405 = tpu.memref_slice %arg5[%add3A_381, %dma_wait3A_404] : memref<4096x768xf32, #tpu.memory_space<hbm>> -> memref<64x768xf32, #tpu.memory_space<hbm>>
        %dma_wait3A_406 = arith.constant 0 : i32
        %dma_wait3A_407 = tpu.memref_slice %arg5[%add3A_381, %dma_wait3A_406] : memref<4096x768xf32, #tpu.memory_space<hbm>> -> memref<64x768xf32, #tpu.memory_space<hbm>>
        tpu.wait_dma2 semaphore(%run_scoped3A : memref<!tpu.dma_semaphore, #tpu.memory_space<semaphore_mem>>) src(%arg18 : memref<64x768xf32, #tpu.memory_space<vmem>>) dst(%dma_wait3A_407 : memref<64x768xf32, #tpu.memory_space<hbm>>)
        tpu.yield
      }) : () -> ()
      %dma_start3A_382 = arith.constant 3 : i32
      %dma_start3A_383 = arith.constant 0 : i32
      %dma_start3A_384 = tpu.memref_slice %arg17[%dma_start3A_382, %dma_start3A_383] : memref<4x64xi32, #tpu.memory_space<vmem>> -> memref<1x64xi32, #tpu.memory_space<vmem>>
      %dma_start3A_385 = tpu.memref_squeeze %dma_start3A_384 : memref<1x64xi32, #tpu.memory_space<vmem>> -> memref<64xi32, #tpu.memory_space<vmem>>
      %dma_start3A_386 = arith.constant 0 : i32
      %dma_start3A_387 = arith.constant 0 : i32
      %dma_start3A_388 = tpu.memref_slice %arg4[%dma_start3A_386, %dma_start3A_387] : memref<2048x768xf32, #tpu.memory_space<hbm>> -> memref<2048x768xf32, #tpu.memory_space<hbm>>
      tpu.enqueue_indirect_dma source(%dma_start3A_388 : memref<2048x768xf32, #tpu.memory_space<hbm>>) target(%arg18 : memref<64x768xf32, #tpu.memory_space<vmem>>) offsets(%dma_start3A_385 : memref<64xi32, #tpu.memory_space<vmem>>) semaphore(%arg19 : memref<!tpu.dma_semaphore, #tpu.memory_space<semaphore_mem>>)
      %dma_wait3A_389 = arith.constant 3 : i32
      %dma_wait3A_390 = arith.constant 0 : i32
      %dma_wait3A_391 = tpu.memref_slice %arg17[%dma_wait3A_389, %dma_wait3A_390] : memref<4x64xi32, #tpu.memory_space<vmem>> -> memref<1x64xi32, #tpu.memory_space<vmem>>
      %dma_wait3A_392 = tpu.memref_squeeze %dma_wait3A_391 : memref<1x64xi32, #tpu.memory_space<vmem>> -> memref<64xi32, #tpu.memory_space<vmem>>
      %dma_wait3A_393 = arith.constant 0 : i32
      %dma_wait3A_394 = arith.constant 0 : i32
      %dma_wait3A_395 = tpu.memref_slice %arg4[%dma_wait3A_393, %dma_wait3A_394] : memref<2048x768xf32, #tpu.memory_space<hbm>> -> memref<2048x768xf32, #tpu.memory_space<hbm>>
      tpu.wait_indirect_dma semaphore(%arg19 : memref<!tpu.dma_semaphore, #tpu.memory_space<semaphore_mem>>) src(%dma_wait3A_395 : memref<2048x768xf32, #tpu.memory_space<hbm>>) dst(%arg18 : memref<64x768xf32, #tpu.memory_space<vmem>>)
      %mul3A_396 = arith.constant 256 : i32
      %mul3A_397 = arith.muli %arg1, %mul3A_396 : i32
      %add3A_398 = arith.constant 192 : i32
      %add3A_399 = arith.addi %mul3A_397, %add3A_398 : i32
      "tpu.region"() ({
        %run_scoped3A = tpu.sem_alloc : memref<!tpu.dma_semaphore, #tpu.memory_space<semaphore_mem>>
        %dma_start3A_400 = arith.constant 0 : i32
        %dma_start3A_401 = tpu.memref_slice %arg5[%add3A_399, %dma_start3A_400] : memref<4096x768xf32, #tpu.memory_space<hbm>> -> memref<64x768xf32, #tpu.memory_space<hbm>>
        %dma_start3A_402 = arith.constant 0 : i32
        %dma_start3A_403 = tpu.memref_slice %arg5[%add3A_399, %dma_start3A_402] : memref<4096x768xf32, #tpu.memory_space<hbm>> -> memref<64x768xf32, #tpu.memory_space<hbm>>
        tpu.enqueue_dma source(%arg18 : memref<64x768xf32, #tpu.memory_space<vmem>>) target(%dma_start3A_403 : memref<64x768xf32, #tpu.memory_space<hbm>>) target_semaphore(%run_scoped3A : memref<!tpu.dma_semaphore, #tpu.memory_space<semaphore_mem>>)
        %dma_wait3A_404 = arith.constant 0 : i32
        %dma_wait3A_405 = tpu.memref_slice %arg5[%add3A_399, %dma_wait3A_404] : memref<4096x768xf32, #tpu.memory_space<hbm>> -> memref<64x768xf32, #tpu.memory_space<hbm>>
        %dma_wait3A_406 = arith.constant 0 : i32
        %dma_wait3A_407 = tpu.memref_slice %arg5[%add3A_399, %dma_wait3A_406] : memref<4096x768xf32, #tpu.memory_space<hbm>> -> memref<64x768xf32, #tpu.memory_space<hbm>>
        tpu.wait_dma2 semaphore(%run_scoped3A : memref<!tpu.dma_semaphore, #tpu.memory_space<semaphore_mem>>) src(%arg18 : memref<64x768xf32, #tpu.memory_space<vmem>>) dst(%dma_wait3A_407 : memref<64x768xf32, #tpu.memory_space<hbm>>)
        tpu.yield
      }) : () -> ()
    } else {
    }
    return
  }
}

module attributes {stable_mosaic.version = 14 : i64} {
  func.func @_gating_body(%arg0: i32, %arg1: memref<2048x768xf32, #tpu.memory_space<vmem>>, %arg2: memref<8x768xf32, #tpu.memory_space<vmem>>, %arg3: memref<2048x1xi32, #tpu.memory_space<vmem>>, %arg4: memref<2048x1xi32, #tpu.memory_space<vmem>>, %arg5: memref<2048x1xf32, #tpu.memory_space<vmem>>, %arg6: memref<2048x1xf32, #tpu.memory_space<vmem>>) attributes {dimension_semantics = [#tpu.dimension_semantics<arbitrary>], iteration_bounds = array<i64: 1>, scalar_prefetch = 0 : i64, scratch_operands = 0 : i64, tpu.core_type = #tpu.core_type<tc>, window_params = [{pipeline_mode = #tpu.pipeline_mode<synchronous>, transform_indices = @transform_0, window_bounds = array<i64: 2048, 768>}, {pipeline_mode = #tpu.pipeline_mode<synchronous>, transform_indices = @transform_1, window_bounds = array<i64: 8, 768>}, {pipeline_mode = #tpu.pipeline_mode<synchronous>, transform_indices = @transform_2, window_bounds = array<i64: 2048, 1>}, {pipeline_mode = #tpu.pipeline_mode<synchronous>, transform_indices = @transform_3, window_bounds = array<i64: 2048, 1>}, {pipeline_mode = #tpu.pipeline_mode<synchronous>, transform_indices = @transform_4, window_bounds = array<i64: 2048, 1>}, {pipeline_mode = #tpu.pipeline_mode<synchronous>, transform_indices = @transform_5, window_bounds = array<i64: 2048, 1>}]} {
    %get3A = arith.constant 0 : index
    %get3A_0 = arith.constant 0 : index
    %get3A_1 = vector.load %arg1[%get3A, %get3A_0] : memref<2048x768xf32, #tpu.memory_space<vmem>>, vector<2048x768xf32>
    %get3A_2 = arith.constant 0 : index
    %get3A_3 = arith.constant 0 : index
    %get3A_4 = vector.load %arg2[%get3A_2, %get3A_3] : memref<8x768xf32, #tpu.memory_space<vmem>>, vector<8x768xf32>
    %dot_general3A = arith.constant dense<0.000000e+00> : vector<2048x8xf32>
    %dot_general3A_5 = tpu.matmul %get3A_1, %get3A_4, %dot_general3A {dimension_numbers = #tpu.dot_dimension_numbers<[1], [1], [0], [0], [0, 0, 1, 0], [], []>, transpose_lhs_hint = false} : vector<2048x768xf32>, vector<8x768xf32>, vector<2048x8xf32> -> vector<2048x8xf32>
    %reduce_max3A = arith.constant dense<0xFF800000> : vector<2048xf32>
    %reduce_max3A_6 = vector.multi_reduction <maximumf>, %dot_general3A_5, %reduce_max3A [1] : vector<2048x8xf32> to vector<2048xf32>
    %broadcast_in_dim3A = vector.shape_cast %reduce_max3A_6 : vector<2048xf32> to vector<2048x1xf32>
    %sub3A = vector.broadcast %broadcast_in_dim3A : vector<2048x1xf32> to vector<2048x8xf32>
    %sub3A_7 = arith.subf %dot_general3A_5, %sub3A : vector<2048x8xf32>
    %exp3A = math.exp %sub3A_7 : vector<2048x8xf32>
    %reduce_sum3A = arith.constant dense<0.000000e+00> : vector<2048xf32>
    %reduce_sum3A_8 = vector.multi_reduction <add>, %exp3A, %reduce_sum3A [1] : vector<2048x8xf32> to vector<2048xf32>
    %broadcast_in_dim3A_9 = vector.shape_cast %reduce_sum3A_8 : vector<2048xf32> to vector<2048x1xf32>
    %div3A = vector.broadcast %broadcast_in_dim3A_9 : vector<2048x1xf32> to vector<2048x8xf32>
    %div3A_10 = arith.divf %exp3A, %div3A : vector<2048x8xf32>
    %iota3A = tpu.iota {dimensions = array<i32: 1>} : vector<2048x8xi32>
    %reduce_max3A_11 = arith.constant dense<0xFF800000> : vector<2048xf32>
    %reduce_max3A_12 = vector.multi_reduction <maximumf>, %div3A_10, %reduce_max3A_11 [1] : vector<2048x8xf32> to vector<2048xf32>
    %broadcast_in_dim3A_13 = vector.shape_cast %reduce_max3A_12 : vector<2048xf32> to vector<2048x1xf32>
    %eq3A = vector.broadcast %broadcast_in_dim3A_13 : vector<2048x1xf32> to vector<2048x8xf32>
    %eq3A_14 = arith.cmpf oeq, %div3A_10, %eq3A : vector<2048x8xf32>
    %jit3A = arith.constant 8 : i32
    %broadcast_in_dim3A_15 = vector.broadcast %jit3A : i32 to vector<2048x8xi32>
    %select_n3A = arith.select %eq3A_14, %iota3A, %broadcast_in_dim3A_15 : vector<2048x8xi1>, vector<2048x8xi32>
    %reduce_min3A = arith.constant dense<2147483647> : vector<2048xi32>
    %reduce_min3A_16 = vector.multi_reduction <minsi>, %select_n3A, %reduce_min3A [1] : vector<2048x8xi32> to vector<2048xi32>
    %broadcast_in_dim3A_17 = vector.shape_cast %reduce_min3A_16 : vector<2048xi32> to vector<2048x1xi32>
    %eq3A_18 = vector.broadcast %broadcast_in_dim3A_17 : vector<2048x1xi32> to vector<2048x8xi32>
    %eq3A_19 = arith.cmpi eq, %iota3A, %eq3A_18 : vector<2048x8xi32>
    %jit3A_20 = arith.constant 0xFF800000 : f32
    %broadcast_in_dim3A_21 = vector.broadcast %jit3A_20 : f32 to vector<2048x8xf32>
    %select_n3A_22 = arith.select %eq3A_19, %broadcast_in_dim3A_21, %div3A_10 : vector<2048x8xi1>, vector<2048x8xf32>
    %reduce_max3A_23 = arith.constant dense<0xFF800000> : vector<2048xf32>
    %reduce_max3A_24 = vector.multi_reduction <maximumf>, %select_n3A_22, %reduce_max3A_23 [1] : vector<2048x8xf32> to vector<2048xf32>
    %broadcast_in_dim3A_25 = vector.shape_cast %reduce_max3A_24 : vector<2048xf32> to vector<2048x1xf32>
    %eq3A_26 = vector.broadcast %broadcast_in_dim3A_25 : vector<2048x1xf32> to vector<2048x8xf32>
    %eq3A_27 = arith.cmpf oeq, %select_n3A_22, %eq3A_26 : vector<2048x8xf32>
    %jit3A_28 = arith.constant 8 : i32
    %broadcast_in_dim3A_29 = vector.broadcast %jit3A_28 : i32 to vector<2048x8xi32>
    %select_n3A_30 = arith.select %eq3A_27, %iota3A, %broadcast_in_dim3A_29 : vector<2048x8xi1>, vector<2048x8xi32>
    %reduce_min3A_31 = arith.constant dense<2147483647> : vector<2048xi32>
    %reduce_min3A_32 = vector.multi_reduction <minsi>, %select_n3A_30, %reduce_min3A_31 [1] : vector<2048x8xi32> to vector<2048xi32>
    %broadcast_in_dim3A_33 = vector.shape_cast %reduce_min3A_32 : vector<2048xi32> to vector<2048x1xi32>
    %add3A = arith.addf %broadcast_in_dim3A_13, %broadcast_in_dim3A_25 : vector<2048x1xf32>
    %swap3A = arith.constant 0 : index
    %swap3A_34 = arith.constant 0 : index
    %swap3A_35 = vector.load %arg3[%swap3A, %swap3A_34] : memref<2048x1xi32, #tpu.memory_space<vmem>>, vector<2048x1xi32>
    tpu.vector_store %arg3[%swap3A, %swap3A_34], %broadcast_in_dim3A_17 {strides = array<i32>} : memref<2048x1xi32, #tpu.memory_space<vmem>>, vector<2048x1xi32>,
    %swap3A_36 = arith.constant 0 : index
    %swap3A_37 = arith.constant 0 : index
    %swap3A_38 = vector.load %arg4[%swap3A_36, %swap3A_37] : memref<2048x1xi32, #tpu.memory_space<vmem>>, vector<2048x1xi32>
    tpu.vector_store %arg4[%swap3A_36, %swap3A_37], %broadcast_in_dim3A_33 {strides = array<i32>} : memref<2048x1xi32, #tpu.memory_space<vmem>>, vector<2048x1xi32>,
    %div3A_39 = arith.divf %broadcast_in_dim3A_13, %add3A : vector<2048x1xf32>
    %swap3A_40 = arith.constant 0 : index
    %swap3A_41 = arith.constant 0 : index
    %swap3A_42 = vector.load %arg5[%swap3A_40, %swap3A_41] : memref<2048x1xf32, #tpu.memory_space<vmem>>, vector<2048x1xf32>
    tpu.vector_store %arg5[%swap3A_40, %swap3A_41], %div3A_39 {strides = array<i32>} : memref<2048x1xf32, #tpu.memory_space<vmem>>, vector<2048x1xf32>,
    %div3A_43 = arith.divf %broadcast_in_dim3A_25, %add3A : vector<2048x1xf32>
    %swap3A_44 = arith.constant 0 : index
    %swap3A_45 = arith.constant 0 : index
    %swap3A_46 = vector.load %arg6[%swap3A_44, %swap3A_45] : memref<2048x1xf32, #tpu.memory_space<vmem>>, vector<2048x1xf32>
    tpu.vector_store %arg6[%swap3A_44, %swap3A_45], %div3A_43 {strides = array<i32>} : memref<2048x1xf32, #tpu.memory_space<vmem>>, vector<2048x1xf32>,
    return
  }
  func.func @transform_0(%arg0: i32) -> (i32, i32) {
    %c0_i32 = arith.constant 0 : i32
    %c0_i32_0 = arith.constant 0 : i32
    %c0_i32_1 = arith.constant 0 : i32
    return %c0_i32, %c0_i32_0 : i32, i32
  }
  func.func @transform_1(%arg0: i32) -> (i32, i32) {
    %c0_i32 = arith.constant 0 : i32
    %c0_i32_0 = arith.constant 0 : i32
    %c0_i32_1 = arith.constant 0 : i32
    return %c0_i32, %c0_i32_0 : i32, i32
  }
  func.func @transform_2(%arg0: i32) -> (i32, i32) {
    %c0_i32 = arith.constant 0 : i32
    %c0_i32_0 = arith.constant 0 : i32
    %c0_i32_1 = arith.constant 0 : i32
    return %c0_i32, %c0_i32_0 : i32, i32
  }
  func.func @transform_3(%arg0: i32) -> (i32, i32) {
    %c0_i32 = arith.constant 0 : i32
    %c0_i32_0 = arith.constant 0 : i32
    %c0_i32_1 = arith.constant 0 : i32
    return %c0_i32, %c0_i32_0 : i32, i32
  }
  func.func @transform_4(%arg0: i32) -> (i32, i32) {
    %c0_i32 = arith.constant 0 : i32
    %c0_i32_0 = arith.constant 0 : i32
    %c0_i32_1 = arith.constant 0 : i32
    return %c0_i32, %c0_i32_0 : i32, i32
  }
  func.func @transform_5(%arg0: i32) -> (i32, i32) {
    %c0_i32 = arith.constant 0 : i32
    %c0_i32_0 = arith.constant 0 : i32
    %c0_i32_1 = arith.constant 0 : i32
    return %c0_i32, %c0_i32_0 : i32, i32
  }
}

module attributes {stable_mosaic.version = 14 : i64} {
  func.func @_gmm_body(%arg0: i32, %arg1: memref<15xi32, #tpu.memory_space<smem>>, %arg2: memref<15xi32, #tpu.memory_space<smem>>, %arg3: memref<9xi32, #tpu.memory_space<smem>>, %arg4: memref<512x768xf32, #tpu.memory_space<vmem>>, %arg5: memref<1x3072x768xbf16, #tpu.memory_space<vmem>>, %arg6: memref<1x1x3072xf32, #tpu.memory_space<vmem>>, %arg7: memref<1x768x3072xbf16, #tpu.memory_space<vmem>>, %arg8: memref<1x1x768xf32, #tpu.memory_space<vmem>>, %arg9: memref<512x768xf32, #tpu.memory_space<vmem>>) attributes {dimension_semantics = [#tpu.dimension_semantics<arbitrary>], iteration_bounds = array<i64: 15>, scalar_prefetch = 3 : i64, scratch_operands = 0 : i64, tpu.core_type = #tpu.core_type<tc>, window_params = [{transform_indices = @transform_0, window_bounds = array<i64: 512, 768>}, {transform_indices = @transform_1, window_bounds = array<i64: 1, 3072, 768>}, {transform_indices = @transform_2, window_bounds = array<i64: 1, 1, 3072>}, {transform_indices = @transform_3, window_bounds = array<i64: 1, 768, 3072>}, {transform_indices = @transform_4, window_bounds = array<i64: 1, 1, 768>}, {transform_indices = @transform_5, window_bounds = array<i64: 512, 768>}]} {
    %get3A = arith.index_cast %arg0 : i32 to index
    %get3A_0 = memref.load %arg1[%get3A] : memref<15xi32, #tpu.memory_space<smem>>
    %get3A_1 = arith.index_cast %arg0 : i32 to index
    %get3A_2 = memref.load %arg2[%get3A_1] : memref<15xi32, #tpu.memory_space<smem>>
    %get3A_3 = arith.constant 0 : index
    %get3A_4 = arith.constant 0 : index
    %get3A_5 = vector.load %arg4[%get3A_3, %get3A_4] : memref<512x768xf32, #tpu.memory_space<vmem>>, vector<512x768xf32>
    %convert_element_type3A = arith.truncf %get3A_5 : vector<512x768xf32> to vector<512x768xbf16>
    %get3A_6 = arith.constant 0 : index
    %get3A_7 = arith.constant 0 : index
    %get3A_8 = arith.constant 0 : index
    %get3A_9 = vector.load %arg5[%get3A_6, %get3A_7, %get3A_8] : memref<1x3072x768xbf16, #tpu.memory_space<vmem>>, vector<1x3072x768xbf16>
    %get3A_10 = vector.shape_cast %get3A_9 : vector<1x3072x768xbf16> to vector<3072x768xbf16>
    %dot_general3A = arith.constant dense<0.000000e+00> : vector<512x3072xf32>
    %dot_general3A_11 = tpu.matmul %convert_element_type3A, %get3A_10, %dot_general3A {dimension_numbers = #tpu.dot_dimension_numbers<[1], [1], [0], [0], [0, 0, 1, 0], [], []>, transpose_lhs_hint = false} : vector<512x768xbf16>, vector<3072x768xbf16>, vector<512x3072xf32> -> vector<512x3072xf32>
    %get3A_12 = arith.constant 0 : index
    %get3A_13 = arith.constant 0 : index
    %get3A_14 = arith.constant 0 : index
    %get3A_15 = vector.load %arg6[%get3A_12, %get3A_13, %get3A_14] : memref<1x1x3072xf32, #tpu.memory_space<vmem>>, vector<1x1x3072xf32>
    %get3A_16 = vector.shape_cast %get3A_15 : vector<1x1x3072xf32> to vector<1x3072xf32>
    %add3A = vector.broadcast %get3A_16 : vector<1x3072xf32> to vector<512x3072xf32>
    %add3A_17 = arith.addf %dot_general3A_11, %add3A : vector<512x3072xf32>
    %max3A = arith.constant 0.000000e+00 : f32
    %max3A_18 = vector.broadcast %max3A : f32 to vector<512x3072xf32>
    %max3A_19 = arith.maximumf %add3A_17, %max3A_18 : vector<512x3072xf32>
    %get3A_20 = arith.constant 0 : index
    %get3A_21 = arith.constant 0 : index
    %get3A_22 = arith.constant 0 : index
    %get3A_23 = vector.load %arg7[%get3A_20, %get3A_21, %get3A_22] : memref<1x768x3072xbf16, #tpu.memory_space<vmem>>, vector<1x768x3072xbf16>
    %get3A_24 = vector.shape_cast %get3A_23 : vector<1x768x3072xbf16> to vector<768x3072xbf16>
    %convert_element_type3A_25 = arith.truncf %max3A_19 : vector<512x3072xf32> to vector<512x3072xbf16>
    %dot_general3A_26 = arith.constant dense<0.000000e+00> : vector<512x768xf32>
    %dot_general3A_27 = tpu.matmul %convert_element_type3A_25, %get3A_24, %dot_general3A_26 {dimension_numbers = #tpu.dot_dimension_numbers<[1], [1], [0], [0], [0, 0, 1, 0], [], []>, transpose_lhs_hint = false} : vector<512x3072xbf16>, vector<768x3072xbf16>, vector<512x768xf32> -> vector<512x768xf32>
    %mul3A = arith.constant 512 : i32
    %mul3A_28 = arith.muli %get3A_2, %mul3A : i32
    %iota3A = tpu.iota {dimensions = array<i32: 0>} : vector<512x1xi32>
    %add3A_29 = vector.broadcast %mul3A_28 : i32 to vector<512x1xi32>
    %add3A_30 = arith.addi %add3A_29, %iota3A : vector<512x1xi32>
    %get3A_31 = arith.index_cast %get3A_0 : i32 to index
    %get3A_32 = memref.load %arg3[%get3A_31] : memref<9xi32, #tpu.memory_space<smem>>
    %ge3A = vector.broadcast %get3A_32 : i32 to vector<512x1xi32>
    %ge3A_33 = arith.cmpi sge, %add3A_30, %ge3A : vector<512x1xi32>
    %add3A_34 = arith.constant 1 : i32
    %add3A_35 = arith.addi %get3A_0, %add3A_34 : i32
    %get3A_36 = arith.index_cast %add3A_35 : i32 to index
    %get3A_37 = memref.load %arg3[%get3A_36] : memref<9xi32, #tpu.memory_space<smem>>
    %lt3A = vector.broadcast %get3A_37 : i32 to vector<512x1xi32>
    %lt3A_38 = arith.cmpi slt, %add3A_30, %lt3A : vector<512x1xi32>
    %and3A = arith.andi %ge3A_33, %lt3A_38 : vector<512x1xi1>
    %get3A_39 = arith.constant 0 : index
    %get3A_40 = arith.constant 0 : index
    %get3A_41 = arith.constant 0 : index
    %get3A_42 = vector.load %arg8[%get3A_39, %get3A_40, %get3A_41] : memref<1x1x768xf32, #tpu.memory_space<vmem>>, vector<1x1x768xf32>
    %get3A_43 = vector.shape_cast %get3A_42 : vector<1x1x768xf32> to vector<1x768xf32>
    %add3A_44 = vector.broadcast %get3A_43 : vector<1x768xf32> to vector<512x768xf32>
    %add3A_45 = arith.addf %dot_general3A_27, %add3A_44 : vector<512x768xf32>
    %get3A_46 = arith.constant 0 : index
    %get3A_47 = arith.constant 0 : index
    %get3A_48 = vector.load %arg9[%get3A_46, %get3A_47] : memref<512x768xf32, #tpu.memory_space<vmem>>, vector<512x768xf32>
    %broadcast_in_dim3A = vector.shape_cast %and3A : vector<512x1xi1> to vector<512x1xi1>
    %broadcast_in_dim3A_49 = vector.broadcast %broadcast_in_dim3A : vector<512x1xi1> to vector<512x768xi1>
    %select_n3A = arith.select %broadcast_in_dim3A_49, %add3A_45, %get3A_48 : vector<512x768xi1>, vector<512x768xf32>
    %swap3A = arith.constant 0 : index
    %swap3A_50 = arith.constant 0 : index
    %swap3A_51 = vector.load %arg9[%swap3A, %swap3A_50] : memref<512x768xf32, #tpu.memory_space<vmem>>, vector<512x768xf32>
    tpu.vector_store %arg9[%swap3A, %swap3A_50], %select_n3A {strides = array<i32>} : memref<512x768xf32, #tpu.memory_space<vmem>>, vector<512x768xf32>,
    return
  }
  func.func @transform_0(%arg0: i32, %arg1: memref<15xi32, #tpu.memory_space<smem>>, %arg2: memref<15xi32, #tpu.memory_space<smem>>, %arg3: memref<9xi32, #tpu.memory_space<smem>>) -> (i32, i32) {
    %get3A = arith.index_cast %arg0 : i32 to index
    %get3A_0 = memref.load %arg2[%get3A] : memref<15xi32, #tpu.memory_space<smem>>
    %c0_i32 = arith.constant 0 : i32
    %c0_i32_1 = arith.constant 0 : i32
    return %get3A_0, %c0_i32 : i32, i32
  }
  func.func @transform_1(%arg0: i32, %arg1: memref<15xi32, #tpu.memory_space<smem>>, %arg2: memref<15xi32, #tpu.memory_space<smem>>, %arg3: memref<9xi32, #tpu.memory_space<smem>>) -> (i32, i32, i32) {
    %get3A = arith.index_cast %arg0 : i32 to index
    %get3A_0 = memref.load %arg1[%get3A] : memref<15xi32, #tpu.memory_space<smem>>
    %c0_i32 = arith.constant 0 : i32
    %c0_i32_1 = arith.constant 0 : i32
    %c0_i32_2 = arith.constant 0 : i32
    return %get3A_0, %c0_i32, %c0_i32_1 : i32, i32, i32
  }
  func.func @transform_2(%arg0: i32, %arg1: memref<15xi32, #tpu.memory_space<smem>>, %arg2: memref<15xi32, #tpu.memory_space<smem>>, %arg3: memref<9xi32, #tpu.memory_space<smem>>) -> (i32, i32, i32) {
    %get3A = arith.index_cast %arg0 : i32 to index
    %get3A_0 = memref.load %arg1[%get3A] : memref<15xi32, #tpu.memory_space<smem>>
    %c0_i32 = arith.constant 0 : i32
    %c0_i32_1 = arith.constant 0 : i32
    %c0_i32_2 = arith.constant 0 : i32
    return %get3A_0, %c0_i32, %c0_i32_1 : i32, i32, i32
  }
  func.func @transform_3(%arg0: i32, %arg1: memref<15xi32, #tpu.memory_space<smem>>, %arg2: memref<15xi32, #tpu.memory_space<smem>>, %arg3: memref<9xi32, #tpu.memory_space<smem>>) -> (i32, i32, i32) {
    %get3A = arith.index_cast %arg0 : i32 to index
    %get3A_0 = memref.load %arg1[%get3A] : memref<15xi32, #tpu.memory_space<smem>>
    %c0_i32 = arith.constant 0 : i32
    %c0_i32_1 = arith.constant 0 : i32
    %c0_i32_2 = arith.constant 0 : i32
    return %get3A_0, %c0_i32, %c0_i32_1 : i32, i32, i32
  }
  func.func @transform_4(%arg0: i32, %arg1: memref<15xi32, #tpu.memory_space<smem>>, %arg2: memref<15xi32, #tpu.memory_space<smem>>, %arg3: memref<9xi32, #tpu.memory_space<smem>>) -> (i32, i32, i32) {
    %get3A = arith.index_cast %arg0 : i32 to index
    %get3A_0 = memref.load %arg1[%get3A] : memref<15xi32, #tpu.memory_space<smem>>
    %c0_i32 = arith.constant 0 : i32
    %c0_i32_1 = arith.constant 0 : i32
    %c0_i32_2 = arith.constant 0 : i32
    return %get3A_0, %c0_i32, %c0_i32_1 : i32, i32, i32
  }
  func.func @transform_5(%arg0: i32, %arg1: memref<15xi32, #tpu.memory_space<smem>>, %arg2: memref<15xi32, #tpu.memory_space<smem>>, %arg3: memref<9xi32, #tpu.memory_space<smem>>) -> (i32, i32) {
    %get3A = arith.index_cast %arg0 : i32 to index
    %get3A_0 = memref.load %arg2[%get3A] : memref<15xi32, #tpu.memory_space<smem>>
    %c0_i32 = arith.constant 0 : i32
    %c0_i32_1 = arith.constant 0 : i32
    return %get3A_0, %c0_i32 : i32, i32
  }
}

</mosaic_0001>

<sc_bundles>
// kernel: kernel.6.cloned.1.call-start
scs
__scs_entry_jumppad:
0x0: {  	(pc) =	sbr.rel $0x88, $3  }
0x1: {  	(tag) =	ssettag $0x0;
	lr =	simm.s32 $0x1  }
0x2: {  	[smem:$0x3F9B] =	sst lr;
	_ =	strace $0xD0000000  }
0x3: {  	_ = 	snop  }
0x4: {  	_ = 	snop  }
0x5: {  	_ = 	snop  }
0x6: {  	_ = 	snop  }
0x7: {  	_ = 	snop  }
__scs_overlays_trampoline_lowered:
0x8: {  	[smem:$0x3FAA] =	sst s0  }
0x9: {  	[smem:$0x3FAB] =	sst s1  }
0xa: {  	[smem:$0x3FAC] =	sst s2  }
0xb: {  	[smem:$0x3FAD] =	sst s3  }
0xc: {  	[smem:$0x3FAE] =	sst s4  }
0xd: {  	[smem:$0x3FAF] =	sst s5  }
0xe: {  	[smem:$0x3FB0] =	sst s6  }
0xf: {  	[smem:$0x3FB1] =	sst s7  }
0x10: {  	[smem:$0x3FB2] =	sst s8  }
0x11: {  	[smem:$0x3FB3] =	sst s9;
	s0 =	simm.s32 @!p0 $0x0  }
0x12: {  	s1 =	sld [smem:$0x3F99];
	s0 =	simm.s32 @p0 $0x1  }
0x13: {  	[smem:$0x3FB4] =	sst s0;
	s0 =	simm.s32 @!p1 $0x0  }
0x14: {  	s2 =	sld [smem:$0x3F98];
	s0 =	simm.s32 @p1 $0x1  }
0x15: {  	[smem:$0x3FB5] =	sst s0;
	s0 =	simm.s32 @!p2 $0x0  }
0x16: {  	s3 =	sld [smem:$0x3FDB];
	s0 =	simm.s32 @p2 $0x1  }
0x17: {  	s4 =	simm.s32 $0x1BF5;
	[smem:$0x3FB7] =	sst s0  }
0x18: {  	s0 =	sld [smem:$0x3F9A];
	_ =	swait.ge [sflag:s4], $0x0  }
0x19: {  	s7 =	sld [smem:$0x3F9B]  }
0x1a: {  	s8 =	sadd.s32 $0xFFFFE003, lr  }
0x1b: {  	s9 =	sadd.s32 $0xFFFFFEF7, lr;
	s5 =	simm.s32 $0xFFFFFFFF;
	p2 =	slt.u32 s8, $0xFFFFF086  }
0x1c: {  	p1 =	slt.u32 s9, $0xF7A;
	s5 =	simm.s32 @!p2 $0x0  }
0x1d: {  	s5 =	simm.s32 @p1 $0x1;
	p0 =	seq.s32 s7, s2  }
0x1e: {  	s7 =	smul.u32 @!p0 $0xF7A, s2;
	p2 =	seq.s32 @!p0 s5, $0x0  }
0x1f: {  	s9 =	smul.u32 $0xF7A, s1;
	s8 =	simm.s32 @!p0 $0x1BF5;
	p2 =	por !p2, p0  }
0x20: {  	[sflag:s8] =	ssyncset.s32 @!p0 $0xFFFFF086;
	s6 =	sadd.s32 @!p0 s3, s7;
	s7 =	simm.s32 @!p0 $0x108  }
0x21: {  	s3 =	sadd.s32 s3, s9;
	s6 =	sadd.s32 @!p0 $0x88, s6;
	s7 =	simm.s32 @p2 $0x1082  }
0x22: {  	[simem:s7], [sflag:s8] =	dma.local @!p0 [hbm:s6], $0xF7A  }
0x23: {  	s9 =	sor.u32 $0xD0000000, s2;
	s6 =	simm.s32 $0x108;
	_ =	swait.ge @!p0 [sflag:s8], $0x0  }
0x24: {  	s3 =	sadd.s32 $0x88, s3;
	s6 =	simm.s32 @!p1 $0x1082;
	[sflag:s4] =	ssyncset.s32 $0xFFFFF086  }
0x25: {  	[simem:s6], [sflag:s4] =	dma.local [hbm:s3], $0xF7A  }
0x26: {  	[smem:$0x3F9B] =	sst s1;
	(tag) =	ssettag s2;
	_ =	strace s9  }
0x27: {  	s1 =	sld [smem:$0x3FAB]  }
0x28: {  	s2 =	sld [smem:$0x3FAC]  }
0x29: {  	s4 =	sld [smem:$0x3FAE]  }
0x2a: {  	p0 =	seq.s32 s5, $0x0;
	s5 =	sld [smem:$0x3FAF]  }
0x2b: {  	s6 =	sld [smem:$0x3FB0]  }
0x2c: {  	s7 =	sld [smem:$0x3FB1]  }
0x2d: {  	s3 =	simm.s32 $0x108;
	s8 =	sld [smem:$0x3FB2]  }
0x2e: {  	s3 =	simm.s32 @!p0 $0x1082;
	s9 =	sld [smem:$0x3FB3]  }
0x2f: {  	lr =	sadd.s32 s0, s3;
	s0 =	sld [smem:$0x3FAA]  }
0x30: {  	s3 =	sld [smem:$0x3FAD]  }
0x31: {  	[smem:$0x3FB6] =	sst s10  }
0x32: {  	s10 =	sld [smem:$0x3FB4];
	_ =	sdelay $0x3  }
0x33: {  	p0 =	seq.s32 s10, $0x1;
	s10 =	sld [smem:$0x3FB6];
	_ =	sdelay $0x3  }
0x34: {  	[smem:$0x3FB6] =	sst s10  }
0x35: {  	s10 =	sld [smem:$0x3FB5];
	_ =	sdelay $0x3  }
0x36: {  	p1 =	seq.s32 s10, $0x1;
	s10 =	sld [smem:$0x3FB6];
	_ =	sdelay $0x3  }
0x37: {  	[smem:$0x3FB6] =	sst s10  }
0x38: {  	s10 =	sld [smem:$0x3FB7]  }
0x39: {  	_ = 	snop;
	(pc) =	sbr.ind lr, $3  }
0x3a: {  	_ = 	snop  }
0x3b: {  	_ = 	snop  }
0x3c: {  	p2 =	seq.s32 s10, $0x1;
	s10 =	sld [smem:$0x3FB6]  }
0x3d: {  	_ =	shalt  }
0x3e: {  	_ =	shalt  }
0x3f: {  	_ =	shalt  }
0x40: {  	_ =	shalt  }
0x41: {  	_ =	shalt  }
0x42: {  	_ =	shalt  }
0x43: {  	_ =	shalt  }
0x44: {  	_ =	shalt  }
0x45: {  	_ =	shalt  }
0x46: {  	_ =	shalt  }
0x47: {  	_ =	shalt  }
0x48: {  	_ =	shalt  }
0x49: {  	_ =	shalt  }
0x4a: {  	_ =	shalt  }
0x4b: {  	_ =	shalt  }
0x4c: {  	_ =	shalt  }
0x4d: {  	_ =	shalt  }
0x4e: {  	_ =	shalt  }
0x4f: {  	_ =	shalt  }
0x50: {  	_ =	shalt  }
0x51: {  	_ =	shalt  }
0x52: {  	_ =	shalt  }
0x53: {  	_ =	shalt  }
0x54: {  	_ =	shalt  }
0x55: {  	_ =	shalt  }
0x56: {  	_ =	shalt  }
0x57: {  	_ =	shalt  }
0x58: {  	_ =	shalt  }
0x59: {  	_ =	shalt  }
0x5a: {  	_ =	shalt  }
0x5b: {  	_ =	shalt  }
0x5c: {  	_ =	shalt  }
0x5d: {  	_ =	shalt  }
0x5e: {  	_ =	shalt  }
0x5f: {  	_ =	shalt  }
0x60: {  	_ =	shalt  }
0x61: {  	_ =	shalt  }
0x62: {  	_ =	shalt  }
0x63: {  	_ =	shalt  }
0x64: {  	_ =	shalt  }
0x65: {  	_ =	shalt  }
0x66: {  	_ =	shalt  }
0x67: {  	_ =	shalt  }
0x68: {  	_ =	shalt  }
0x69: {  	_ =	shalt  }
0x6a: {  	_ =	shalt  }
0x6b: {  	_ =	shalt  }
0x6c: {  	_ =	shalt  }
0x6d: {  	_ =	shalt  }
0x6e: {  	_ =	shalt  }
0x6f: {  	_ =	shalt  }
0x70: {  	_ =	shalt  }
0x71: {  	_ =	shalt  }
0x72: {  	_ =	shalt  }
0x73: {  	_ =	shalt  }
0x74: {  	_ =	shalt  }
0x75: {  	_ =	shalt  }
0x76: {  	_ =	shalt  }
0x77: {  	_ =	shalt  }
0x78: {  	_ =	shalt  }
0x79: {  	_ =	shalt  }
0x7a: {  	_ =	shalt  }
0x7b: {  	_ =	shalt  }
0x7c: {  	_ =	shalt  }
0x7d: {  	_ =	shalt  }
0x7e: {  	_ =	shalt  }
0x7f: {  	_ =	shalt  }
0x80: {  	_ =	shalt  }
0x81: {  	_ =	shalt  }
0x82: {  	_ =	shalt  }
0x83: {  	_ =	shalt  }
0x84: {  	_ =	shalt  }
0x85: {  	_ =	shalt  }
0x86: {  	_ =	shalt  }
0x87: {  	_ =	shalt  }
.Lfunc_end0:
.L_simem_size_0:
called_computation_lowered:
.L_overlay_start_0:
0x88: {  	s2 =	sld [smem:$0x3FD9]  }
0x89: {  	s3 =	sld [smem:$0x3FFE];
	_ =	sdelay $0x1  }
0x8a: {  	s1 =	srdreg.scid  }
0x8b: {  	s0 =	sand.u32 $0x1, s1  }
0x8c: {  	s17 =	sshll.u32 s0, $0xA;
	s2 =	sadd.s32 s3, s2  }
0x8d: {  	s2 =	sadd.s32 s2, s17  }
0x8e: {  	[smem:$0x3FC2] =	sst s2  }
0x8f: {  	_ = 	snop  }
0x90: {  	s2 =	sld [smem:$0x3FC9]  }
0x91: {  	s18 =	sld [smem:$0x3FD0];
	(tm) =	ssettm $0x1  }
0x92: {  	s4 =	sld [smem:$0x3FFB];
	_ =	sdelay $0x3  }
0x93: {  	_ =	strace s4  }
0x94: {  	s4 =	sld [smem:$0x3FFC];
	_ =	sdelay $0x3  }
0x95: {  	_ =	strace s4  }
0x96: {  	s4 =	sld [smem:$0x3FFD];
	_ =	sdelay $0x3  }
0x97: {  	_ =	strace s4  }
0x98: {  	_ =	strace $0x8FFFFFFF  }
0x99: {  	s19 =	sld [smem:$0x3FDB];
	_ =	sdelay $0x1  }
0x9a: {  	s5 =	simm.s32 $_scs_section_size  }
0x9b: {  	s6 =	simm.s32 $_size__tile_overlayer_lowered;
	s7 =	simm.s32 $_tile_overlayer_lowered  }
0x9c: {  	s22 =	simm.s32 $0x1BFF;
	s21 =	sshll.u32 s7, $0x1;
	s4 =	sadd.s32 s5, s19  }
0x9d: {  	s8 =	simm.s32 $0x0;
	s20 =	sshll.u32 s6, $0x1;
	s6 =	sadd.s32 s21, s4  }
0x9e: {  	[timem:s8], [sflag:s22] =	dma.local [hbm:s6], s20  }
0x9f: {  	_ =	swait.ge [sflag:s22], s20  }
0xa0: {  	s5 =	ssub.s32 $0x0, s20;
	[sflag:s22] =	ssyncset.done $0x0  }
0xa1: {  	[sflag:s22] =	ssyncadd.s32 s5;
	_ =	sdelay $0x1  }
0xa2: {  	s23 =	simm.s32 $0x1B8B  }
0xa3: {  	_ =	swait.ge [sflag:s23], $0x1  }
0xa4: {  	[sflag:s23] =	ssyncset.done $0x0  }
0xa5: {  	s25 =	simm.s32 $0x1B8E;
	s24 =	sld [smem:$0x3FFE];
	[sflag:s23] =	ssyncadd.s32 $0xFFFFFFFF  }
0xa6: {  	s26 =	simm.s32 $execute0_lowered;
	[smem:$0x3FD2] =	sst s25  }
0xa7: {  	s6 =	sshll.u32 s26, $0x1;
	_ =	strace $0x80000046;
	[dreg:$0x1] =	wrdreg $0xFFFFFFFF  }
0xa8: {  	s28 =	simm.s32 $_size_execute0_lowered;
	s4 =	sadd.s32 s4, s6;
	[dreg:$0x0] =	wrdreg $0x0  }
0xa9: {  	s6 =	sshll.u32 s28, $0x1;
	[dreg:$0x2] =	wrdreg s4  }
0xaa: {  	[dreg:$0x3] =	wrdreg s6  }
0xab: {  	[dreg:$0x4] =	wrdreg $0xC0  }
0xac: {  	_ =	task [dreg:s8], $0x5FFFF  }
0xad: {  	[dreg:$0x1] =	wrdreg $0xFFFFFFFF  }
0xae: {  	[dreg:$0x0] =	wrdreg $0x60  }
0xaf: {  	[dreg:$0x2] =	wrdreg s24  }
0xb0: {  	[dreg:$0x3] =	wrdreg s2  }
0xb1: {  	[dreg:$0x4] =	wrdreg s18  }
0xb2: {  	[dreg:$0x5] =	wrdreg $0x9800  }
0xb3: {  	[dreg:$0x6] =	wrdreg $0x9900  }
0xb4: {  	[dreg:$0x7] =	wrdreg $0x9  }
0xb5: {  	_ =	task.clear_ibuf [dreg:s8], $0x8FFFF;
	_ =	strace $0x90000046  }
0xb6: {  	s29 =	simm.s32 $0x9;
	_ =	strace $0x80000048  }
0xb7: {  	_ =	swait.ge [sflag:s29], $0x1  }
0xb8: {  	[sflag:s29] =	ssyncadd.s32 $0xFFFFFFFF  }
0xb9: {  	_ =	strace $0x90000048  }
0xba: {  	_ =	sfence  }
0xbb: {  	s30 =	sld [smem:$0x0];
	_ =	sdelay $0x2  }
0xbc: {  	s31 =	sshll.u32 s1, $0xD;
	s1 =	sshrl.u32 s1, $0x2  }
0xbd: {  	s3 =	sand.u32 $0x4000, s31;
	s1 =	sadd.s32 s1, s30  }
0xbe: {  	s0 =	sor.u32 s3, s0;
	s1 =	sshll.u32 s1, $0x11  }
0xbf: {  	s0 =	sor.u32 s1, s0  }
0xc0: {  	s0 =	sadd.s32 $0x8F2B, s0  }
0xc1: {  	[sflag:s0] =	ssyncadd.remote.s32 $0x1  }
0xc2: {  	_ =	sfence.sel $0xFFFF  }
0xc3: {  	[dreg:$0x0] =	wrdreg $0xFFFFFFFF;
	(pc) =	sbr.abs _section_cstart, $3  }
0xc4: {  	[dreg:$0x1] =	wrdreg $0xFFFFFFFF  }
0xc5: {  	_ =	task.clear_ibuf [dreg:s8], $0x2FFFF;
	_ =	strace $0x9FFFFFFF  }
0xc6: {  	(tm) =	ssettm $0x7FFFFFFF  }
0xc7: {  	_ =	shalt  }
tec
execute0_lowered:
.L_overlay_start_1:
0x0: {  	(tag) =	ssettag $0x1  }
0x1: {  	s0 =	srdreg.scid  }
0x2: {  	s3 =	rddreg [dreg:$0x0];
	s5 =	sand.u32 $0x1, s0  }
0x3: {  	s1 =	rddreg [dreg:$0x1];
	p1 =	seq.s32 s5, $0x1  }
.Ltmp0:
0x4: {  	s2 =	rddreg [dreg:$0x2];
	(pc) =	sbr.rel @p1 .LBB2_8-.Ltmp0, $4  }
0x5: {  	s12 =	rddreg [dreg:$0x3]  }
0x6: {  	s8 =	rddreg [dreg:$0x4];
	s4 =	simm.s32 $0x0  }
0x7: {  	[smem:$0x7FF] =	sst s4;
	s0 =	stileid.u32  }
0x8: {  	s6 =	rddreg [dreg:$0x5];
	_ =	strace $0x80000047;
	p0 =	sne.s32 s0, $0x0  }
0x9: {  	s5 =	sshll.u32 s0, $0x8  }
0xa: {  	s7 =	sadd.s32 $0x200, s3;
	s9 =	sshll.u32 s0, $0x5;
	p1 =	slt.u32 s0, $0x8  }
0xb: {  	s23 =	simm.s32 $0x2;
	s24 =	simm.s32 $0x0;
	s6 =	sadd.s32 $0xFFFFF800, s5  }
0xc: {  	s25 =	sadd.s32 $0x600, s3;
	s11 =	sadd.s32 $0x400, s3;
	s6 =	sshrl.u32 s6, $0x3  }
0xd: {  	s26 =	sshll.u32 s0, $0x7;
	s9 =	sadd.s32 s3, s9;
	s6 =	sadd.s32 s7, s6  }
0xe: {  	s28 =	smul.u32 $0x30000, s0;
	s6 =	smov.u32 @p1 s9;
	p1 =	sgt.u32 s0, $0x7  }
0xf: {  	[tilespmem:s4], [sflag:$0x2] =	stream.linear.gather [hbm4b:s6+s4], $0x100, $0x38;
	[tilespmem:$0x15590] =	vst v63  }
0x10: {  	s29 =	simm.s32 $0x10;
	s30 =	sshll.u32 s0, $0xB;
	s6 =	simm.s32 @!p1 $0x0  }
0x11: {  	s14 =	smul.u32 $0x6000, s0;
	s6 =	simm.s32 @p1 $0x1;
	p1 =	sgt.u32 s0, $0x1  }
0x12: {  	p6 =	sgt.u32 s0, $0x9;
	p4 =	sgt.u32 s0, $0xA;
	s3 =	simm.s32 @!p1 $0x0  }
0x13: {  	_ =	swait.ge [sflag:s23], $0x100;
	s3 =	simm.s32 @p1 $0x1;
	p1 =	sgt.u32 s0, $0x2  }
0x14: {  	[sflag:s23] =	ssyncset.done $0x0;
	[smem:$0x7F6] =	sst s3;
	s3 =	simm.s32 @!p1 $0x0  }
0x15: {  	[sflag:s23] =	ssyncadd.s32 $0xFFFFFF00;
	s3 =	simm.s32 @p1 $0x1;
	p1 =	sgt.u32 s0, $0x3  }
0x16: {  	p2 =	sgt.u32 s0, $0xC;
	v3 =	vld [tilespmem:s24+$0x0];
	[smem:$0x7F7] =	sst s3;
	s3 =	simm.s32 @!p1 $0x0  }
0x17: {  	p5 =	seq.s32 s0, $0xF;
	s3 =	simm.s32 @p1 $0x1;
	p1 =	sgt.u32 s0, $0x4  }
0x18: {  	s13 =	sadd.s32 s26, s12;
	[smem:$0x7F8] =	sst s3;
	s3 =	simm.s32 @!p1 $0x0  }
0x19: {  	v1 =	vimm.s32 $0x0;
	s10 =	sadd.s32 s2, s5;
	s3 =	simm.s32 @p1 $0x1;
	p1 =	sgt.u32 s0, $0x5  }
0x1a: {  	vm0 =	vmmov $0x1;
	vm1 =	vcmask $0x30C;
	vm2 =	vcmask $0xF0C;
	s2 =	sadd.s32 $0x100, s1;
	[smem:$0x7F9] =	sst s3;
	s3 =	simm.s32 @!p1 $0x0  }
0x1b: {  	vm3 =	vcmask $0x714;
	v0 =	vmov s5;
	s9 =	sadd.s32 s30, s8;
	vm4 =	veq.s32 v3, $0x0;
	s3 =	simm.s32 @p1 $0x1;
	p1 =	sgt.u32 s0, $0x6  }
0x1c: {  	vm2 =	vmor vm3, vm2;
	vm5 =	veq.s32 v3, $0x1;
	v2 =	vsel vm4, $0x1, v1;
	[smem:$0x7FA] =	sst s3;
	s7 =	simm.s32 @!p1 $0x0;
	s3 =	sshrl.u32 s28, $0x3  }
0x1d: {  	vm3 =	vcmask $0xB14;
	[smem:$0x7F5] =	sst s6;
	vm6 =	veq.s32 v3, $0x2;
	v4 =	vsel vm5, $0x1, v1;
	(xrf0) =	vadd.scan.msk.s32 $0xffff, v2;
	s7 =	simm.s32 @p1 $0x1;
	s4 =	sadd.s32 s25, s3  }
0x1e: {  	vm7 =	veq.s32 v3, $0x3;
	vm8 =	veq.s32 v3, $0x4;
	v5 =	vsel vm6, $0x1, v1;
	v2 =	vld [tilespmem:s29+$0x0];
	(xrf0) =	vadd.scan.msk.s32 $0xffff, v4;
	s3 =	sadd.s32 $0x200, s1;
	p1 =	sgt.u32 s0, $0x8;
	[smem:$0x7FB] =	sst s7  }
0x1f: {  	vm10 =	veq.s32 v3, $0x7;
	vm4 =	vcmask $0xF18;
	v4 =	vsel vm7, $0x1, v1;
	(xrf0) =	vadd.scan.msk.s32 $0xffff, v5;
	s7 =	sadd.s32 s25, s14;
	s31 =	sadd.s32 $0x3000, s4;
	s5 =	simm.s32 @!p1 $0x0  }
0x20: {  	vm5 =	vcmask $0x131C;
	v5 =	vsel vm8, $0x1, v1;
	vm8 =	veq.s32 v3, $0x5;
	(xrf0) =	vadd.scan.msk.s32 $0xffff, v4;
	[dreg:$0x7] =	wrdreg s31;
	s5 =	simm.s32 @p1 $0x1;
	p1 =	sgt.u32 s0, $0xB  }
0x21: {  	vm6 =	vcmask $0x1720;
	s4 =	sadd.s32 $0x4800, s4;
	v4 =	vsel vm8, $0x1, v1;
	vm8 =	veq.s32 v3, $0x6;
	(xrf0) =	vadd.scan.msk.s32 $0xffff, v5;
	[smem:$0x7FC] =	sst s5;
	s5 =	simm.s32 @!p1 $0x0  }
0x22: {  	vm7 =	vcmask $0x1B20;
	v3 =	vimm.s32 $0x0;
	s6 =	sadd.s32 $0x1800, s7;
	[dreg:$0x6] =	wrdreg s4;
	v6 =	vsel vm8, $0x1, v1;
	(xrf0) =	vadd.scan.msk.s32 $0xffff, v4;
	s5 =	simm.s32 @p1 $0x1  }
0x23: {  	s4 =	simm.s32 $0x80;
	vm9 =	veq.s32 v2, $0x3;
	vm8 =	veq.s32 v2, $0x4;
	v4 =	vsel vm10, $0x1, v1;
	v5, _, _ =	vpop (xrf0);
	(xrf0) =	vadd.scan.msk.s32 $0xffff, v6;
	p1 =	sgt.u32 s0, $0xD;
	[smem:$0x7FD] =	sst s5  }
.LBB2_2:
0x24: {  	p3 =	sne.s32 s4, $0x3C0;
	vm11 =	veq.s32 v2, $0x1;
	vm10 =	veq.s32 v2, $0x2;
	v5 =	vbroadcast v5, $0xF;
	v6, _, _ =	vpop (xrf0);
	(xrf0) =	vadd.scan.msk.s32 $0xffff, v4  }
0x25: {  	vm12 =	veq.s32 v2, $0x0;
	v4 =	vsel vm11, $0x1, v1;
	v6 =	vbroadcast v6, $0xF;
	v7, _, _ =	vpop (xrf0)  }
0x26: {  	v8 =	vsel vm12, $0x1, v1;
	v5 =	vadd.s32 v3, v5;
	v11 =	vbroadcast v7, $0xF;
	v9, _, _ =	vpop (xrf0)  }
0x27: {  	v5 =	vsel vm0, v5, v3;
	v6 =	vadd.s32 v6, v3;
	v12 =	vbroadcast v9, $0xF;
	v10, _, _ =	vpop (xrf0)  }
0x28: {  	v5 =	vsel vm1, v5, v6;
	v3 =	vadd.s32 v11, v3;
	v6 =	vbroadcast v10, $0xF;
	v7, _, _ =	vpop (xrf0)  }
0x29: {  	v3 =	vsel vm2, v5, v3;
	v11 =	vadd.s32 v12, v5;
	v7 =	vbroadcast v7, $0xF;
	v10, _, _ =	vpop (xrf0)  }
0x2a: {  	v3 =	vsel vm3, v3, v11;
	v5 =	vadd.s32 v6, v5;
	v6 =	vbroadcast v10, $0xF;
	v9, _, _ =	vpop (xrf0)  }
0x2b: {  	s0 =	sshra.s32 s4, $0x2;
	(xrf0) =	vadd.scan.msk.s32 $0xffff, v8;
	v5 =	vsel vm4, v3, v5;
	v3 =	vadd.s32 v7, v3;
	v7 =	vbroadcast v9, $0xF;
	v8 =	vmovc v2  }
0x2c: {  	v9 =	vsel vm10, $0x1, v1;
	v2 =	vld [tilespmem:s0+$0x0];
	(xrf0) =	vadd.scan.msk.s32 $0xffff, v4;
	v3 =	vsel vm5, v5, v3;
	v4 =	vadd.s32 v6, v5  }
.Ltmp1:
0x2d: {  	v5 =	vsel vm9, $0x1, v1;
	(xrf0) =	vadd.scan.msk.s32 $0xffff, v9;
	v4 =	vsel vm6, v3, v4;
	v3 =	vadd.s32 v7, v3;
	(pc) =	sbr.rel @p3 .LBB2_2-.Ltmp1, $4  }
0x2e: {  	v6 =	vsel vm8, $0x1, v1;
	vm8 =	veq.s32 v8, $0x5;
	(xrf0) =	vadd.scan.msk.s32 $0xffff, v5;
	v3 =	vsel vm7, v4, v3  }
0x2f: {  	v4 =	vsel vm8, $0x1, v1;
	vm8 =	veq.s32 v8, $0x6;
	(xrf0) =	vadd.scan.msk.s32 $0xffff, v6  }
0x30: {  	vm10 =	veq.s32 v8, $0x7;
	v6 =	vsel vm8, $0x1, v1;
	(xrf0) =	vadd.scan.msk.s32 $0xffff, v4  }
0x31: {  	s4 =	sadd.s32 $0x40, s4;
	v4 =	vsel vm10, $0x1, v1;
	vm9 =	veq.s32 v2, $0x3;
	vm8 =	veq.s32 v2, $0x4;
	v5, _, _ =	vpop (xrf0);
	(xrf0) =	vadd.scan.msk.s32 $0xffff, v6  }
0x32: {  	vm10 =	veq.s32 v2, $0x1;
	v5 =	vbroadcast v5, $0xF;
	v6, _, _ =	vpop (xrf0)  }
0x33: {  	vm11 =	veq.s32 v2, $0x2;
	vm12 =	veq.s32 v2, $0x0;
	v6 =	vbroadcast v6, $0xF;
	v7, _, _ =	vpop (xrf0)  }
0x34: {  	v51 =	vsel vm12, $0x1, v1;
	v5 =	vadd.s32 v3, v5;
	v7 =	vbroadcast v7, $0xF;
	v9, _, _ =	vpop (xrf0)  }
0x35: {  	(xrf0) =	vadd.scan.msk.s32 $0xffff, v4;
	v4 =	vsel vm0, v5, v3;
	v5 =	vadd.s32 v6, v3;
	v6 =	vbroadcast v9, $0xF;
	v10, _, _ =	vpop (xrf0)  }
0x36: {  	v4 =	vsel vm1, v4, v5;
	v3 =	vadd.s32 v7, v3;
	v5 =	vbroadcast v10, $0xF  }
0x37: {  	v8 =	vsel vm10, $0x1, v1;
	(xrf0) =	vadd.scan.msk.s32 $0xffff, v51;
	v3 =	vsel vm2, v4, v3;
	v6 =	vadd.s32 v6, v4  }
0x38: {  	(xrf0) =	vadd.scan.msk.s32 $0xffff, v8;
	v8 =	vsel vm9, $0x1, v1;
	v7, _, _ =	vpop (xrf0);
	v3 =	vsel vm3, v3, v6;
	v4 =	vadd.s32 v5, v4  }
0x39: {  	v6 =	vsel vm11, $0x1, v1;
	v7 =	vbroadcast v7, $0xF;
	v52, _, _ =	vpop (xrf0);
	v4 =	vsel vm4, v3, v4  }
0x3a: {  	(xrf0) =	vadd.scan.msk.s32 $0xffff, v6;
	v6 =	vsel vm8, $0x1, v1;
	vm8 =	veq.s32 v2, $0x5;
	v5 =	vbroadcast v52, $0xF  }
0x3b: {  	(xrf0) =	vadd.scan.msk.s32 $0xffff, v8;
	v8, _, _ =	vpop (xrf0);
	v3 =	vadd.s32 v7, v3;
	v7 =	vsel vm8, $0x1, v1;
	vm8 =	veq.s32 v2, $0x6  }
0x3c: {  	(xrf0) =	vadd.scan.msk.s32 $0xffff, v6;
	v6 =	vbroadcast v8, $0xF;
	v8 =	vsel vm8, $0x1, v1  }
0x3d: {  	vm8 =	veq.s32 v2, $0x7;
	v2 =	vsel vm5, v4, v3;
	v3 =	vadd.s32 v5, v4  }
0x3e: {  	v3 =	vsel vm6, v2, v3  }
0x3f: {  	(xrf0) =	vadd.scan.msk.s32 $0xffff, v7;
	v4, _, _ =	vpop (xrf0)  }
0x40: {  	v1 =	vsel vm8, $0x1, v1;
	(xrf0) =	vadd.scan.msk.s32 $0xffff, v8;
	v2 =	vadd.s32 v6, v2;
	v4 =	vbroadcast v4, $0xF;
	v5, _, _ =	vpop (xrf0)  }
0x41: {  	(xrf0) =	vadd.scan.msk.s32 $0xffff, v1;
	v1 =	vsel vm7, v3, v2;
	v2 =	vbroadcast v5, $0xF;
	v3, _, _ =	vpop (xrf0)  }
0x42: {  	v4 =	vadd.s32 v1, v4;
	v5, _, _ =	vpop (xrf0)  }
0x43: {  	v4 =	vsel vm0, v4, v1;
	v2 =	vadd.s32 v2, v1;
	v5 =	vbroadcast v5, $0xF  }
0x44: {  	v3 =	vbroadcast v3, $0xF;
	v2 =	vsel vm1, v4, v2  }
0x45: {  	v6, _, _ =	vpop (xrf0);
	v5 =	vadd.s32 v5, v2  }
0x46: {  	v1 =	vadd.s32 v3, v1;
	v3 =	vbroadcast v6, $0xF;
	v4, _, _ =	vpop (xrf0)  }
0x47: {  	v1 =	vsel vm2, v2, v1;
	v4 =	vbroadcast v4, $0xF;
	v6, _, _ =	vpop (xrf0)  }
0x48: {  	v1 =	vsel vm3, v1, v5;
	v2 =	vadd.s32 v3, v2;
	v3 =	vbroadcast v6, $0xF;
	v5, _, _ =	vpop (xrf0)  }
0x49: {  	v2 =	vsel vm4, v1, v2;
	v1 =	vadd.s32 v4, v1;
	v4 =	vbroadcast v5, $0xF  }
0x4a: {  	v1 =	vsel vm5, v2, v1;
	v2 =	vadd.s32 v3, v2  }
0x4b: {  	v2 =	vsel vm6, v1, v2;
	v1 =	vadd.s32 v4, v1  }
0x4c: {  	v1 =	vsel vm7, v2, v1  }
0x4d: {  	s0 =	simm.s32 $0x900;
	s20 =	simm.s32 $0x2;
	[tilespmem:$0x900] =	vst v1  }
0x4e: {  	[spmem:s13] =	stream.linear.scatter [tilespmem:s0], [sflag:$0x2], $0x80, $0x38;
	[tilespmem:$0x15590] =	vst v63  }
0x4f: {  	_ =	swait.ge [sflag:s20], $0x80  }
0x50: {  	[sflag:s20] =	ssyncset.done $0x0  }
0x51: {  	[sflag:s20] =	ssyncadd.s32 $0xFFFFFF80  }
0x52: {  	s4 =	simm.s32 $0xA90;
	[bflag:$0x0] =	sbarrier.arrive $0xFFFF  }
0x53: {  	[tilespmem:s4], [sflag:$0x2] =	stream.linear.gather [spmem:s12], $0x800, $0x38;
	[tilespmem:$0x15590] =	vst v63  }
0x54: {  	_ =	swait.ge [sflag:s20], $0x800  }
0x55: {  	[sflag:s20] =	ssyncset.done $0x0  }
0x56: {  	[sflag:s20] =	ssyncadd.s32 $0xFFFFF800  }
0x57: {  	v1 =	vld [tilespmem:$0xA90]  }
0x58: {  	v2 =	vld [tilespmem:$0xB10]  }
0x59: {  	v3 =	vld [tilespmem:$0xB90]  }
0x5a: {  	v4 =	vld [tilespmem:$0xC10]  }
0x5b: {  	v5 =	vld [tilespmem:$0xC90]  }
0x5c: {  	v6 =	vld [tilespmem:$0xD10]  }
0x5d: {  	v8 =	vld [tilespmem:$0xD90];
	v7 =	vadd.s32 v1, v2  }
0x5e: {  	v53 =	vld [tilespmem:$0xE10];
	v7 =	vadd.s32 v3, v7  }
0x5f: {  	s21 =	sld [smem:$0x7F6];
	v54 =	vld [tilespmem:$0xE90];
	v7 =	vadd.s32 v4, v7  }
0x60: {  	s22 =	sld [smem:$0x7F7];
	v11 =	vld [tilespmem:$0xF10];
	v7 =	vadd.s32 v5, v7  }
0x61: {  	s23 =	sld [smem:$0x7F8];
	v12 =	vld [tilespmem:$0xF90];
	v7 =	vadd.s32 v6, v7  }
0x62: {  	s24 =	sld [smem:$0x7F9];
	v13 =	vld [tilespmem:$0x1010];
	p3 =	seq.s32 s21, $0x1;
	v7 =	vadd.s32 v8, v7  }
0x63: {  	s25 =	sld [smem:$0x7FA];
	v14 =	vld [tilespmem:$0x1090];
	v2 =	vpsel !p3, $0x0, v2;
	v1 =	vpsel !p0, $0x0, v1;
	p3 =	seq.s32 s22, $0x1;
	v7 =	vadd.s32 v53, v7  }
0x64: {  	s26 =	sld [smem:$0x7FB];
	v15 =	vld [tilespmem:$0x1110];
	v3 =	vpsel !p3, $0x0, v3;
	v1 =	vadd.s32 v1, v2;
	p3 =	seq.s32 s23, $0x1;
	v7 =	vadd.s32 v54, v7  }
0x65: {  	s28 =	sld [smem:$0x7F5];
	v2 =	vpsel !p3, $0x0, v4;
	v1 =	vadd.s32 v3, v1;
	p3 =	seq.s32 s24, $0x1;
	v4 =	vadd.s32 v11, v7;
	v7 =	vld [tilespmem:$0x1190]  }
0x66: {  	s29 =	sld [smem:$0x7FC];
	v3 =	vpsel !p3, $0x0, v5;
	v5 =	vld [tilespmem:$0x1210];
	v1 =	vadd.s32 v2, v1;
	p3 =	seq.s32 s25, $0x1;
	v4 =	vadd.s32 v12, v4  }
0x67: {  	v2 =	vpsel !p3, $0x0, v6;
	v1 =	vadd.s32 v3, v1;
	p3 =	seq.s32 s26, $0x1;
	v4 =	vadd.s32 v13, v4  }
0x68: {  	v3 =	vpsel !p3, $0x0, v8;
	v1 =	vadd.s32 v2, v1;
	p3 =	seq.s32 s28, $0x1;
	v4 =	vadd.s32 v14, v4  }
0x69: {  	s30 =	sld [smem:$0x7FD];
	v2 =	vpsel !p3, $0x0, v53;
	v1 =	vadd.s32 v3, v1;
	p3 =	seq.s32 s29, $0x1;
	v4 =	vadd.s32 v15, v4  }
0x6a: {  	v3 =	vpsel !p3, $0x0, v54;
	v1 =	vadd.s32 v2, v1;
	v4 =	vadd.s32 v7, v4  }
0x6b: {  	v2 =	vpsel !p6, $0x0, v11;
	v1 =	vadd.s32 v3, v1;
	v4 =	vadd.s32 v5, v4  }
0x6c: {  	p6 =	seq.s32 s30, $0x1;
	v3 =	vpsel !p4, $0x0, v12;
	v1 =	vadd.s32 v2, v1;
	(xrf0) =	vadd.scan.msk.s32 $0xffff, v4  }
0x6d: {  	v2 =	vpsel !p6, $0x0, v13;
	v1 =	vadd.s32 v3, v1  }
0x6e: {  	v3 =	vpsel !p2, $0x0, v14;
	v1 =	vadd.s32 v2, v1  }
0x6f: {  	v2 =	vpsel !p1, $0x0, v15;
	v1 =	vadd.s32 v3, v1  }
0x70: {  	v3 =	vpsel !p5, $0x0, v7;
	v1 =	vadd.s32 v2, v1  }
0x71: {  	v1 =	vadd.s32 v3, v1  }
0x72: {  	v1 =	vsub.s32 v1, v4;
	v2, _, _ =	vpop (xrf0)  }
0x73: {  	[tilespmem:$0x1310] =	vst @!p0 v4;
	v1 =	vadd.s32 v2, v1  }
0x74: {  	s0 =	simm.s32 @!p0 $0x0;
	s4 =	simm.s32 @!p0 $0x1310;
	[tilespmem:$0x1290] =	vst v1  }
0x75: {  	[hbm4b:s11+s0] =	stream.linear.scatter @!p0 [tilespmem:s4], [sflag:$0x2], $0x80, $0x38;
	[tilespmem:$0x15590] =	vst v63  }
0x76: {  	s0 =	simm.s32 @!p0 $0x2  }
0x77: {  	_ =	swait.ge @!p0 [sflag:s0], $0x80  }
0x78: {  	[sflag:s0] =	ssyncset.done @!p0 $0x0  }
0x79: {  	s31 =	simm.s32 $0x0;
	[sflag:s0] =	ssyncadd.s32 @!p0 $0xFFFFFF80  }
0x7a: {  	v4 =	vld [tilespmem:s31+$0x0];
	_ =	sdelay $0x4  }
0x7b: {  	v1 =	vimm.s32 $0x0;
	vm15 =	veq.s32 v4, $0x0  }
0x7c: {  	vm14 =	veq.s32 v4, $0x1;
	v2 =	vsel vm15, $0x1, v1  }
0x7d: {  	vm11 =	veq.s32 v4, $0x2;
	v3 =	vsel vm14, $0x1, v1;
	(xrf0) =	vadd.scan.msk.s32 $0xffff, v2  }
0x7e: {  	vm13 =	veq.s32 v4, $0x3;
	v2 =	vsel vm11, $0x1, v1;
	(xrf0) =	vadd.scan.msk.s32 $0xffff, v3  }
0x7f: {  	vm8 =	veq.s32 v4, $0x7;
	v3 =	vsel vm13, $0x1, v1;
	(xrf0) =	vadd.scan.msk.s32 $0xffff, v2  }
0x80: {  	vm12 =	veq.s32 v4, $0x4;
	(xrf0) =	vadd.scan.msk.s32 $0xffff, v3;
	v3 =	vsel vm8, $0x1, v1  }
0x81: {  	v5 =	vld [tilespmem:$0x1290];
	v2 =	vsel vm12, $0x1, v1  }
0x82: {  	vm9 =	veq.s32 v4, $0x6;
	(xrf0) =	vadd.scan.msk.s32 $0xffff, v2  }
0x83: {  	vm10 =	veq.s32 v4, $0x5;
	v7 =	vsel vm9, $0x1, v1;
	(xrf0) =	vadd.scan.msk.s32 $0xffff, v3;
	v3, _, _ =	vpop (xrf0)  }
0x84: {  	v2 =	vsel vm10, $0x1, v1;
	v6 =	vadd.s32 $0xFFFFFFFF, v3;
	v3 =	vbroadcast v3, $0xF;
	v8, _, _ =	vpop (xrf0)  }
0x85: {  	(xrf0) =	vadd.scan.msk.s32 $0xffff, v2;
	v2 =	vnsel vm15, $0x0, v6;
	v6 =	vadd.s32 $0xFFFFFFFF, v8;
	v8 =	vbroadcast v8, $0xF;
	v55, _, _ =	vpop (xrf0)  }
0x86: {  	(xrf0) =	vadd.scan.msk.s32 $0xffff, v7;
	v3 =	vadd.s32 v5, v3;
	v6 =	vsel vm14, v6, v2;
	v2 =	vbroadcast v55, $0xF;
	v7, _, _ =	vpop (xrf0)  }
0x87: {  	v3 =	vsel vm0, v3, v5;
	v8 =	vadd.s32 v8, v5;
	v56 =	vadd.s32 $0xFFFFFFFF, v7  }
0x88: {  	v57, _, _ =	vpop (xrf0);
	v7 =	vbroadcast v7, $0xF;
	v8 =	vsel vm1, v3, v8;
	v3 =	vadd.s32 $0xFFFFFFFF, v55  }
0x89: {  	v5 =	vadd.s32 v2, v5;
	v58 =	vbroadcast v57, $0xF;
	v59 =	vadd.s32 $0xFFFFFFFF, v57  }
0x8a: {  	v6 =	vsel vm11, v3, v6;
	v5 =	vsel vm2, v8, v5;
	v7 =	vadd.s32 v7, v8;
	v2, _, _ =	vpop (xrf0)  }
0x8b: {  	v6 =	vsel vm13, v56, v6;
	v9 =	vadd.s32 v58, v8;
	v5 =	vsel vm3, v5, v7;
	v60, _, _ =	vpop (xrf0)  }
0x8c: {  	v3 =	vbroadcast v2, $0xF;
	v6 =	vsel vm12, v59, v6;
	v62, _, _ =	vpop (xrf0);
	v8 =	vbroadcast v60, $0xF  }
0x8d: {  	s0 =	simm.s32 $0x1290;
	v9 =	vsel vm4, v5, v9;
	v61 =	vadd.s32 $0xFFFFFFFF, v60;
	v63 =	vbroadcast v62, $0xF  }
0x8e: {  	v4 =	vld.idx.msk [tilespmem:v4+s0+$0x0], $0xffff;
	v7 =	vadd.s32 $0xFFFFFFFF, v62;
	v10 =	vsel vm10, v61, v6;
	v5 =	vadd.s32 v8, v5  }
0x8f: {  	s5 =	simm.s32 $0x100;
	s11 =	simm.s32 $0x40;
	s4 =	simm.s32 $0x100;
	v6 =	vsel vm5, v9, v5;
	v5 =	vsel vm9, v7, v10;
	v7 =	vadd.s32 v63, v9  }
.LBB2_4:
0x90: {  	p1 =	sne.s32 s11, $0x3C0  }
0x91: {  	v7 =	vsel vm6, v6, v7;
	v2 =	vadd.s32 $0xFFFFFFFF, v2;
	v3 =	vadd.s32 v3, v6;
	s5 =	sadd.s32 $0x80, s5;
	s12 =	smov.u32 s11;
	s11 =	sadd.s32 $0x40, s11  }
0x92: {  	v2 =	vsel vm8, v2, v5;
	v3 =	vsel vm7, v7, v3  }
0x93: {  	[tilespmem:$0x1290] =	vst v3;
	v2 =	vadd.s32 v4, v2  }
0x94: {  	[tilespmem:s4+$0x0] =	vst v2;
	s4 =	smov.u32 s5  }
0x95: {  	s12 =	sshra.s32 s12, $0x2  }
0x96: {  	v4 =	vld [tilespmem:s12+$0x0];
	_ =	sdelay $0x4  }
0x97: {  	vm15 =	veq.s32 v4, $0x0;
	vm14 =	veq.s32 v4, $0x1;
	vm11 =	veq.s32 v4, $0x2  }
0x98: {  	vm8 =	veq.s32 v4, $0x7;
	v2 =	vsel vm15, $0x1, v1;
	v3 =	vsel vm14, $0x1, v1  }
0x99: {  	v5 =	vsel vm8, $0x1, v1;
	(xrf0) =	vadd.scan.msk.s32 $0xffff, v2  }
0x9a: {  	vm13 =	veq.s32 v4, $0x3;
	v2 =	vsel vm11, $0x1, v1;
	(xrf0) =	vadd.scan.msk.s32 $0xffff, v3  }
0x9b: {  	vm12 =	veq.s32 v4, $0x4;
	v3 =	vsel vm13, $0x1, v1;
	(xrf0) =	vadd.scan.msk.s32 $0xffff, v2  }
0x9c: {  	v2 =	vsel vm12, $0x1, v1;
	(xrf0) =	vadd.scan.msk.s32 $0xffff, v3  }
0x9d: {  	v3 =	vld [tilespmem:$0x1290];
	(xrf0) =	vadd.scan.msk.s32 $0xffff, v2  }
0x9e: {  	vm9 =	veq.s32 v4, $0x5;
	(xrf0) =	vadd.scan.msk.s32 $0xffff, v5  }
0x9f: {  	vm10 =	veq.s32 v4, $0x6;
	v2 =	vsel vm9, $0x1, v1;
	v5, _, _ =	vpop (xrf0)  }
0xa0: {  	v10 =	vsel vm10, $0x1, v1;
	v6 =	vadd.s32 $0xFFFFFFFF, v5;
	v5 =	vbroadcast v5, $0xF;
	v8, _, _ =	vpop (xrf0);
	(xrf0) =	vadd.scan.msk.s32 $0xffff, v2  }
0xa1: {  	v2 =	vnsel vm15, $0x0, v6;
	v6 =	vadd.s32 $0xFFFFFFFF, v8;
	v8 =	vbroadcast v8, $0xF;
	v9, _, _ =	vpop (xrf0);
	(xrf0) =	vadd.scan.msk.s32 $0xffff, v10  }
0xa2: {  	v5 =	vadd.s32 v3, v5;
	v6 =	vsel vm14, v6, v2;
	v12 =	vbroadcast v9, $0xF;
	v7, _, _ =	vpop (xrf0)  }
0xa3: {  	v5 =	vsel vm0, v5, v3;
	v8 =	vadd.s32 v8, v3;
	v10 =	vadd.s32 $0xFFFFFFFF, v7;
	v11, _, _ =	vpop (xrf0)  }
0xa4: {  	v5 =	vsel vm1, v5, v8;
	v8 =	vadd.s32 $0xFFFFFFFF, v9;
	v9 =	vadd.s32 v12, v3;
	v2, _, _ =	vpop (xrf0)  }
0xa5: {  	v6 =	vsel vm11, v8, v6;
	v8 =	vbroadcast v11, $0xF;
	v3 =	vbroadcast v2, $0xF  }
0xa6: {  	v7 =	vbroadcast v7, $0xF;
	v6 =	vsel vm13, v10, v6;
	v10 =	vadd.s32 $0xFFFFFFFF, v11;
	v11, _, _ =	vpop (xrf0)  }
.Ltmp2:
0xa7: {  	v6 =	vsel vm12, v10, v6;
	v8 =	vadd.s32 v8, v5;
	v10 =	vadd.s32 $0xFFFFFFFF, v11;
	v12, _, _ =	vpop (xrf0);
	(pc) =	sbr.rel @p1 .LBB2_4-.Ltmp2, $4  }
0xa8: {  	v9 =	vsel vm2, v5, v9;
	v5 =	vadd.s32 v7, v5;
	v7 =	vbroadcast v11, $0xF;
	v4 =	vld.idx.msk [tilespmem:v4+s0+$0x0], $0xffff  }
0xa9: {  	v5 =	vsel vm3, v9, v5;
	v9 =	vadd.s32 $0xFFFFFFFF, v12;
	v11 =	vbroadcast v12, $0xF  }
0xaa: {  	v10 =	vsel vm9, v10, v6;
	v8 =	vsel vm4, v5, v8;
	v5 =	vadd.s32 v7, v5  }
0xab: {  	v6 =	vsel vm5, v8, v5;
	v5 =	vsel vm10, v9, v10;
	v7 =	vadd.s32 v11, v8  }
0xac: {  	v1 =	vsel vm6, v6, v7;
	v2 =	vadd.s32 $0xFFFFFFFF, v2;
	v3 =	vadd.s32 v3, v6  }
0xad: {  	v2 =	vsel vm8, v2, v5;
	v1 =	vsel vm7, v1, v3  }
0xae: {  	[tilespmem:$0x1290] =	vst v1;
	v1 =	vadd.s32 v4, v2  }
0xaf: {  	s0 =	simm.s32 $0x0;
	s26 =	simm.s32 $0x100;
	s5 =	simm.s32 $0x2;
	[tilespmem:s4+$0x0] =	vst v1  }
0xb0: {  	[hbm4b:s10+s0] =	stream.linear.scatter [tilespmem:s26], [sflag:$0x2], $0x800, $0x38;
	[tilespmem:$0x15590] =	vst v63  }
0xb1: {  	_ =	swait.ge [sflag:s5], $0x800  }
0xb2: {  	[sflag:s5] =	ssyncset.done $0x0  }
0xb3: {  	[sflag:s5] =	ssyncadd.s32 $0xFFFFF800  }
0xb4: {  	[spmem:s9] =	stream.linear.scatter [tilespmem:s26], [sflag:$0x2], $0x800, $0x38;
	[tilespmem:$0x15590] =	vst v63  }
0xb5: {  	_ =	swait.ge [sflag:s5], $0x800  }
0xb6: {  	[sflag:s5] =	ssyncset.done $0x0  }
0xb7: {  	v1 =	vimm.s32 $0x0;
	[sflag:s5] =	ssyncadd.s32 $0xFFFFF800  }
0xb8: {  	[tilespmem:$0x9390] =	vst v1  }
0xb9: {  	[tilespmem:$0x93A0] =	vst v1  }
0xba: {  	[tilespmem:$0x93B0] =	vst v1  }
0xbb: {  	[tilespmem:$0x93C0] =	vst v1  }
0xbc: {  	[tilespmem:$0x9410] =	vst v1  }
0xbd: {  	[tilespmem:$0x9420] =	vst v1  }
0xbe: {  	[tilespmem:$0x9430] =	vst v1  }
0xbf: {  	[tilespmem:$0x9440] =	vst v1  }
0xc0: {  	[tilespmem:$0x9490] =	vst v1  }
0xc1: {  	[tilespmem:$0x94A0] =	vst v1  }
0xc2: {  	[tilespmem:$0x94B0] =	vst v1  }
0xc3: {  	[tilespmem:$0x94C0] =	vst v1  }
0xc4: {  	[tilespmem:$0x9510] =	vst v1  }
0xc5: {  	[tilespmem:$0x9520] =	vst v1  }
0xc6: {  	[tilespmem:$0x9530] =	vst v1  }
0xc7: {  	[tilespmem:$0x9540] =	vst v1  }
0xc8: {  	s28 =	simm.s32 $0x1390;
	[bflag:$0x0] =	sbarrier.arrive $0xFFFF  }
0xc9: {  	[tilespmem:s28], [sflag:$0x2] =	stream.linear.gather [spmem:s8], $0x8000, $0x38;
	[tilespmem:$0x15590] =	vst v63  }
0xca: {  	s29 =	sand.u32 $0x1E000, s0;
	_ =	swait.ge [sflag:s5], $0x8000  }
0xcb: {  	s30 =	sand.u32 $0x780, s0;
	s4 =	sshrl.u32 s29, $0x2;
	[sflag:s5] =	ssyncset.done $0x0  }
0xcc: {  	s4 =	sor.u32 s30, s4;
	[sflag:s5] =	ssyncadd.s32 $0xFFFF8000  }
0xcd: {  	v1 =	vld [tilespmem:s4+$0x1390];
	_ =	sdelay $0x4  }
0xce: {  	v3 =	vsub.s32 v1, v0  }
0xcf: {  	vm0 =	vgt.s32 v3, $0x0  }
0xd0: {  	v5 =	vmov s0;
	v2 =	vnsel vm0, $0x0, v3  }
0xd1: {  	vm0 =	vlt.u32 v5, $0x800;
	v4 =	vmin.u32 v2, $0xFF  }
0xd2: {  	v2 =	vimm.s32 $0xFFFFF800;
	v6 =	vshll.u32 v4, $0x1;
	v4 =	vand.u32 $0x3F, v4  }
0xd3: {  	v5 =	vand.u32 $0x180, v6;
	v6 =	vsel vm0, $0x0, v2;
	vm0 =	vlt.u32 v3, $0x100  }
0xd4: {  	v3 =	vor.u32 v4, v5  }
0xd5: {  	s31 =	simm.s32 $0x200  }
0xd6: {  	s9 =	sand.u32 $0x1E000, s31  }
0xd7: {  	s8 =	simm.s32 $0x80;
	s5 =	simm.s32 $0x400;
	s4 =	simm.s32 $0x9390;
	v1 =	vlaneseq.u32;
	v4 =	vadd.s32 s0, v6  }
.LBB2_6:
0xd8: {  	p1 =	sne.s32 s5, $0x1FE00;
	s10 =	sand.u32 $0x780, s8;
	s9 =	sshrl.u32 s9, $0x2;
	v4 =	vadd.s32 v1, v4  }
0xd9: {  	s9 =	sor.u32 s10, s9;
	[tilespmem:v3+s4+$0x0] =	vst.idx.msk vm0, v4  }
0xda: {  	v3 =	vld [tilespmem:s9+$0x1390];
	_ =	sdelay $0x4  }
0xdb: {  	v3 =	vsub.s32 v3, v0  }
0xdc: {  	vm0 =	vgt.s32 v3, $0x0  }
0xdd: {  	v4 =	vnsel vm0, $0x0, v3  }
0xde: {  	v4 =	vmin.u32 v4, $0xFF  }
0xdf: {  	v5 =	vshll.u32 v4, $0x1  }
.Ltmp3:
0xe0: {  	s0 =	sadd.s32 $0x10, s0;
	vm0 =	vlt.u32 v3, $0x100;
	v3 =	vand.u32 $0x3F, v4;
	v4 =	vand.u32 $0x180, v5;
	(pc) =	sbr.rel @p1 .LBB2_6-.Ltmp3, $4  }
0xe1: {  	v5 =	vmov s0;
	v3 =	vor.u32 v3, v4  }
0xe2: {  	vm1 =	vlt.u32 v5, $0x800  }
0xe3: {  	v4 =	vsel vm1, $0x0, v2  }
0xe4: {  	s8 =	sadd.s32 $0x80, s8;
	s9 =	sand.u32 $0x1E000, s5;
	s5 =	sadd.s32 $0x200, s5;
	v4 =	vadd.s32 s0, v4  }
0xe5: {  	_ =	sdelay $0x3  }
0xe6: {  	s5 =	sand.u32 $0x780, s8;
	s30 =	sshrl.u32 s9, $0x2;
	v4 =	vadd.s32 v1, v4  }
0xe7: {  	s5 =	sor.u32 s5, s30;
	[tilespmem:v3+s4+$0x0] =	vst.idx.msk vm0, v4  }
0xe8: {  	v3 =	vld [tilespmem:s5+$0x1390];
	_ =	sdelay $0x4  }
0xe9: {  	v0 =	vsub.s32 v3, v0  }
0xea: {  	vm13 =	vgt.s32 v0, $0x0  }
0xeb: {  	v3 =	vnsel vm13, $0x0, v0  }
0xec: {  	v3 =	vmin.u32 v3, $0xFF  }
0xed: {  	v35 =	vshll.u32 v3, $0x1  }
0xee: {  	s0 =	sadd.s32 $0x10, s0;
	vm14 =	vlt.u32 v0, $0x100;
	v36 =	vand.u32 $0x3F, v3;
	v37 =	vand.u32 $0x180, v35  }
0xef: {  	v38 =	vmov s0;
	v0 =	vor.u32 v36, v37  }
0xf0: {  	vm1 =	vlt.u32 v38, $0x800  }
0xf1: {  	v2 =	vsel vm1, $0x0, v2  }
0xf2: {  	v2 =	vadd.s32 s0, v2  }
0xf3: {  	v39 =	vadd.s32 v1, v2  }
0xf4: {  	[tilespmem:v0+s4+$0x0] =	vst.idx.msk vm14, v39  }
0xf5: {  	v0 =	vld [tilespmem:$0x9390];
	_ =	sdelay $0x4  }
0xf6: {  	v40 =	vshrl.u32 v0, $0x3  }
0xf7: {  	v1 =	vmul.u32 $0x30, v40  }
0xf8: {  	v41 =	vlaneseq.u32;
	v0 =	vand.u32 $0x7, v0  }
0xf9: {  	v43 =	vand.u32 $0x7, v41;
	v44 =	vshrl.u32 v41, $0x3;
	v42 =	vor.u32 v0, v1  }
0xfa: {  	v0 =	vmul.u32 $0x8, v44;
	v45 =	vperm.xlane v42, v43;
	_ =	sdelay $0x1  }
0xfb: {  	v4 =	vadd.s32 v0, v45;
	_ =	sdelay $0x2  }
0xfc: {  	v2 =	vor.u32 $0x8, v41  }
0xfd: {  	vm15 =	vmmov $0xffff;
	s8 =	simm.s32 $0x0;
	s9 =	simm.s32 $0x9590;
	v3 =	vperm.xlane v42, v2  }
0xfe: {  	[tilespmem:s9], [sflag:$0x1] =	stream.indirect_vreg.gather [hbm4b:s1+s8], $0x80, v4, vm15, $0xb8;
	[tilespmem:$0x15590] =	vst v63  }
0xff: {  	s10 =	simm.s32 $0x9D90;
	v3 =	vadd.s32 v0, v3  }
0x100: {  	[tilespmem:s10], [sflag:$0x1] =	stream.indirect_vreg.gather [hbm4b:s2+s8], $0x80, v4, vm15, $0xb8;
	[tilespmem:$0x15590] =	vst v63  }
0x101: {  	s11 =	simm.s32 $0xA590  }
0x102: {  	[tilespmem:s11], [sflag:$0x1] =	stream.indirect_vreg.gather [hbm4b:s3+s8], $0x80, v4, vm15, $0xb8;
	[tilespmem:$0x15590] =	vst v63  }
0x103: {  	s12 =	simm.s32 $0xAD90  }
0x104: {  	[tilespmem:s12], [sflag:$0x1] =	stream.indirect_vreg.gather [hbm4b:s1+s8], $0x80, v3, vm15, $0xb8;
	[tilespmem:$0x15590] =	vst v63  }
0x105: {  	s13 =	simm.s32 $0xB590  }
0x106: {  	[tilespmem:s13], [sflag:$0x1] =	stream.indirect_vreg.gather [hbm4b:s2+s8], $0x80, v3, vm15, $0xb8;
	[tilespmem:$0x15590] =	vst v63  }
0x107: {  	s14 =	simm.s32 $0xBD90  }
0x108: {  	[tilespmem:s14], [sflag:$0x1] =	stream.indirect_vreg.gather [hbm4b:s3+s8], $0x80, v3, vm15, $0xb8;
	[tilespmem:$0x15590] =	vst v63  }
0x109: {  	v3 =	vld [tilespmem:$0x93A0];
	_ =	sdelay $0x4  }
0x10a: {  	v46 =	vshrl.u32 v3, $0x3  }
0x10b: {  	v4 =	vmul.u32 $0x30, v46  }
0x10c: {  	v3 =	vand.u32 $0x7, v3  }
0x10d: {  	v3 =	vor.u32 v3, v4  }
0x10e: {  	v4 =	vperm.xlane v3, v43;
	_ =	sdelay $0x1  }
0x10f: {  	v4 =	vadd.s32 v0, v4;
	_ =	sdelay $0x3  }
0x110: {  	s15 =	simm.s32 $0xC590;
	v3 =	vperm.xlane v3, v2  }
0x111: {  	[tilespmem:s15], [sflag:$0x1] =	stream.indirect_vreg.gather [hbm4b:s1+s8], $0x80, v4, vm15, $0xb8;
	[tilespmem:$0x15590] =	vst v63  }
0x112: {  	s16 =	simm.s32 $0xCD90;
	v3 =	vadd.s32 v0, v3  }
0x113: {  	[tilespmem:s16], [sflag:$0x1] =	stream.indirect_vreg.gather [hbm4b:s2+s8], $0x80, v4, vm15, $0xb8;
	[tilespmem:$0x15590] =	vst v63  }
0x114: {  	s17 =	simm.s32 $0xD590  }
0x115: {  	[tilespmem:s17], [sflag:$0x1] =	stream.indirect_vreg.gather [hbm4b:s3+s8], $0x80, v4, vm15, $0xb8;
	[tilespmem:$0x15590] =	vst v63  }
0x116: {  	s18 =	simm.s32 $0xDD90  }
0x117: {  	[tilespmem:s18], [sflag:$0x1] =	stream.indirect_vreg.gather [hbm4b:s1+s8], $0x80, v3, vm15, $0xb8;
	[tilespmem:$0x15590] =	vst v63  }
0x118: {  	s19 =	simm.s32 $0xE590  }
0x119: {  	[tilespmem:s19], [sflag:$0x1] =	stream.indirect_vreg.gather [hbm4b:s2+s8], $0x80, v3, vm15, $0xb8;
	[tilespmem:$0x15590] =	vst v63  }
0x11a: {  	s20 =	simm.s32 $0xED90  }
0x11b: {  	[tilespmem:s20], [sflag:$0x1] =	stream.indirect_vreg.gather [hbm4b:s3+s8], $0x80, v3, vm15, $0xb8;
	[tilespmem:$0x15590] =	vst v63  }
0x11c: {  	v3 =	vld [tilespmem:$0x93B0];
	_ =	sdelay $0x4  }
0x11d: {  	v47 =	vshrl.u32 v3, $0x3  }
0x11e: {  	v4 =	vmul.u32 $0x30, v47  }
0x11f: {  	v3 =	vand.u32 $0x7, v3  }
0x120: {  	v3 =	vor.u32 v3, v4  }
0x121: {  	v4 =	vperm.xlane v3, v43;
	_ =	sdelay $0x1  }
0x122: {  	v4 =	vadd.s32 v0, v4;
	_ =	sdelay $0x3  }
0x123: {  	s21 =	simm.s32 $0xF590;
	v3 =	vperm.xlane v3, v2  }
0x124: {  	[tilespmem:s21], [sflag:$0x1] =	stream.indirect_vreg.gather [hbm4b:s1+s8], $0x80, v4, vm15, $0xb8;
	[tilespmem:$0x15590] =	vst v63  }
0x125: {  	s22 =	simm.s32 $0xFD90;
	v3 =	vadd.s32 v0, v3  }
0x126: {  	[tilespmem:s22], [sflag:$0x1] =	stream.indirect_vreg.gather [hbm4b:s2+s8], $0x80, v4, vm15, $0xb8;
	[tilespmem:$0x15590] =	vst v63  }
0x127: {  	s23 =	simm.s32 $0x10590  }
0x128: {  	[tilespmem:s23], [sflag:$0x1] =	stream.indirect_vreg.gather [hbm4b:s3+s8], $0x80, v4, vm15, $0xb8;
	[tilespmem:$0x15590] =	vst v63  }
0x129: {  	s24 =	simm.s32 $0x10D90  }
0x12a: {  	[tilespmem:s24], [sflag:$0x1] =	stream.indirect_vreg.gather [hbm4b:s1+s8], $0x80, v3, vm15, $0xb8;
	[tilespmem:$0x15590] =	vst v63  }
0x12b: {  	s25 =	simm.s32 $0x11590  }
0x12c: {  	[tilespmem:s25], [sflag:$0x1] =	stream.indirect_vreg.gather [hbm4b:s2+s8], $0x80, v3, vm15, $0xb8;
	[tilespmem:$0x15590] =	vst v63  }
0x12d: {  	s26 =	simm.s32 $0x11D90  }
0x12e: {  	[tilespmem:s26], [sflag:$0x1] =	stream.indirect_vreg.gather [hbm4b:s3+s8], $0x80, v3, vm15, $0xb8;
	[tilespmem:$0x15590] =	vst v63  }
0x12f: {  	v3 =	vld [tilespmem:$0x93C0];
	_ =	sdelay $0x4  }
0x130: {  	v48 =	vshrl.u32 v3, $0x3  }
0x131: {  	v4 =	vmul.u32 $0x30, v48  }
0x132: {  	v3 =	vand.u32 $0x7, v3  }
0x133: {  	v3 =	vor.u32 v3, v4  }
0x134: {  	v4 =	vperm.xlane v3, v43;
	_ =	sdelay $0x1  }
0x135: {  	v4 =	vadd.s32 v0, v4;
	_ =	sdelay $0x3  }
0x136: {  	s28 =	simm.s32 $0x12590;
	v3 =	vperm.xlane v3, v2  }
0x137: {  	[tilespmem:s28], [sflag:$0x1] =	stream.indirect_vreg.gather [hbm4b:s1+s8], $0x80, v4, vm15, $0xb8;
	[tilespmem:$0x15590] =	vst v63  }
0x138: {  	s29 =	simm.s32 $0x12D90;
	v3 =	vadd.s32 v0, v3  }
0x139: {  	[tilespmem:s29], [sflag:$0x1] =	stream.indirect_vreg.gather [hbm4b:s2+s8], $0x80, v4, vm15, $0xb8;
	[tilespmem:$0x15590] =	vst v63  }
0x13a: {  	s30 =	simm.s32 $0x13590  }
0x13b: {  	[tilespmem:s30], [sflag:$0x1] =	stream.indirect_vreg.gather [hbm4b:s3+s8], $0x80, v4, vm15, $0xb8;
	[tilespmem:$0x15590] =	vst v63  }
0x13c: {  	s31 =	simm.s32 $0x13D90  }
0x13d: {  	[tilespmem:s31], [sflag:$0x1] =	stream.indirect_vreg.gather [hbm4b:s1+s8], $0x80, v3, vm15, $0xb8;
	[tilespmem:$0x15590] =	vst v63  }
0x13e: {  	s0 =	simm.s32 $0x14590  }
0x13f: {  	[tilespmem:s0], [sflag:$0x1] =	stream.indirect_vreg.gather [hbm4b:s2+s8], $0x80, v3, vm15, $0xb8;
	[tilespmem:$0x15590] =	vst v63  }
0x140: {  	s5 =	simm.s32 $0x14D90;
	s4 =	simm.s32 $0x1  }
0x141: {  	[tilespmem:s5], [sflag:$0x1] =	stream.indirect_vreg.gather [hbm4b:s3+s8], $0x80, v3, vm15, $0xb8;
	[tilespmem:$0x15590] =	vst v63  }
0x142: {  	_ =	swait.ge [sflag:s4], $0xC000  }
0x143: {  	[sflag:s4] =	ssyncset.done $0x0  }
0x144: {  	[sflag:s4] =	ssyncadd.s32 $0xFFFF4000  }
0x145: {  	[hbm4b:s7+s8] =	stream.linear.scatter [tilespmem:s9], [sflag:$0x2], $0xC000, $0x38;
	[tilespmem:$0x15590] =	vst v63  }
0x146: {  	s7 =	simm.s32 $0x2  }
0x147: {  	_ =	swait.ge [sflag:s7], $0xC000  }
0x148: {  	[sflag:s7] =	ssyncset.done $0x0  }
0x149: {  	[sflag:s7] =	ssyncadd.s32 $0xFFFF4000  }
0x14a: {  	v49 =	vld [tilespmem:$0x9410];
	_ =	sdelay $0x4  }
0x14b: {  	v50 =	vshrl.u32 v49, $0x3  }
0x14c: {  	v4 =	vmul.u32 $0x30, v50  }
0x14d: {  	v3 =	vand.u32 $0x7, v49  }
0x14e: {  	v3 =	vor.u32 v3, v4  }
0x14f: {  	v4 =	vperm.xlane v3, v43;
	_ =	sdelay $0x1  }
0x150: {  	v4 =	vadd.s32 v0, v4;
	_ =	sdelay $0x3  }
0x151: {  	v3 =	vperm.xlane v3, v2  }
0x152: {  	[tilespmem:s9], [sflag:$0x1] =	stream.indirect_vreg.gather [hbm4b:s1+s8], $0x80, v4, vm15, $0xb8;
	[tilespmem:$0x15590] =	vst v63  }
0x153: {  	v3 =	vadd.s32 v0, v3  }
0x154: {  	[tilespmem:s10], [sflag:$0x1] =	stream.indirect_vreg.gather [hbm4b:s2+s8], $0x80, v4, vm15, $0xb8;
	[tilespmem:$0x15590] =	vst v63  }
0x155: {  	_ = 	snop  }
0x156: {  	[tilespmem:s11], [sflag:$0x1] =	stream.indirect_vreg.gather [hbm4b:s3+s8], $0x80, v4, vm15, $0xb8;
	[tilespmem:$0x15590] =	vst v63  }
0x157: {  	_ = 	snop  }
0x158: {  	[tilespmem:s12], [sflag:$0x1] =	stream.indirect_vreg.gather [hbm4b:s1+s8], $0x80, v3, vm15, $0xb8;
	[tilespmem:$0x15590] =	vst v63  }
0x159: {  	_ = 	snop  }
0x15a: {  	[tilespmem:s13], [sflag:$0x1] =	stream.indirect_vreg.gather [hbm4b:s2+s8], $0x80, v3, vm15, $0xb8;
	[tilespmem:$0x15590] =	vst v63  }
0x15b: {  	_ = 	snop  }
0x15c: {  	[tilespmem:s14], [sflag:$0x1] =	stream.indirect_vreg.gather [hbm4b:s3+s8], $0x80, v3, vm15, $0xb8;
	[tilespmem:$0x15590] =	vst v63  }
0x15d: {  	v3 =	vld [tilespmem:$0x9420];
	_ =	sdelay $0x4  }
0x15e: {  	v51 =	vshrl.u32 v3, $0x3  }
0x15f: {  	v4 =	vmul.u32 $0x30, v51  }
0x160: {  	v3 =	vand.u32 $0x7, v3  }
0x161: {  	v3 =	vor.u32 v3, v4  }
0x162: {  	v4 =	vperm.xlane v3, v43;
	_ =	sdelay $0x1  }
0x163: {  	v4 =	vadd.s32 v0, v4;
	_ =	sdelay $0x3  }
0x164: {  	v3 =	vperm.xlane v3, v2  }
0x165: {  	[tilespmem:s15], [sflag:$0x1] =	stream.indirect_vreg.gather [hbm4b:s1+s8], $0x80, v4, vm15, $0xb8;
	[tilespmem:$0x15590] =	vst v63  }
0x166: {  	v3 =	vadd.s32 v0, v3  }
0x167: {  	[tilespmem:s16], [sflag:$0x1] =	stream.indirect_vreg.gather [hbm4b:s2+s8], $0x80, v4, vm15, $0xb8;
	[tilespmem:$0x15590] =	vst v63  }
0x168: {  	_ = 	snop  }
0x169: {  	[tilespmem:s17], [sflag:$0x1] =	stream.indirect_vreg.gather [hbm4b:s3+s8], $0x80, v4, vm15, $0xb8;
	[tilespmem:$0x15590] =	vst v63  }
0x16a: {  	_ = 	snop  }
0x16b: {  	[tilespmem:s18], [sflag:$0x1] =	stream.indirect_vreg.gather [hbm4b:s1+s8], $0x80, v3, vm15, $0xb8;
	[tilespmem:$0x15590] =	vst v63  }
0x16c: {  	_ = 	snop  }
0x16d: {  	[tilespmem:s19], [sflag:$0x1] =	stream.indirect_vreg.gather [hbm4b:s2+s8], $0x80, v3, vm15, $0xb8;
	[tilespmem:$0x15590] =	vst v63  }
0x16e: {  	_ = 	snop  }
0x16f: {  	[tilespmem:s20], [sflag:$0x1] =	stream.indirect_vreg.gather [hbm4b:s3+s8], $0x80, v3, vm15, $0xb8;
	[tilespmem:$0x15590] =	vst v63  }
0x170: {  	v3 =	vld [tilespmem:$0x9430];
	_ =	sdelay $0x4  }
0x171: {  	v52 =	vshrl.u32 v3, $0x3  }
0x172: {  	v4 =	vmul.u32 $0x30, v52  }
0x173: {  	v3 =	vand.u32 $0x7, v3  }
0x174: {  	v3 =	vor.u32 v3, v4  }
0x175: {  	v4 =	vperm.xlane v3, v43;
	_ =	sdelay $0x1  }
0x176: {  	v4 =	vadd.s32 v0, v4;
	_ =	sdelay $0x3  }
0x177: {  	v3 =	vperm.xlane v3, v2  }
0x178: {  	[tilespmem:s21], [sflag:$0x1] =	stream.indirect_vreg.gather [hbm4b:s1+s8], $0x80, v4, vm15, $0xb8;
	[tilespmem:$0x15590] =	vst v63  }
0x179: {  	v3 =	vadd.s32 v0, v3  }
0x17a: {  	[tilespmem:s22], [sflag:$0x1] =	stream.indirect_vreg.gather [hbm4b:s2+s8], $0x80, v4, vm15, $0xb8;
	[tilespmem:$0x15590] =	vst v63  }
0x17b: {  	_ = 	snop  }
0x17c: {  	[tilespmem:s23], [sflag:$0x1] =	stream.indirect_vreg.gather [hbm4b:s3+s8], $0x80, v4, vm15, $0xb8;
	[tilespmem:$0x15590] =	vst v63  }
0x17d: {  	_ = 	snop  }
0x17e: {  	[tilespmem:s24], [sflag:$0x1] =	stream.indirect_vreg.gather [hbm4b:s1+s8], $0x80, v3, vm15, $0xb8;
	[tilespmem:$0x15590] =	vst v63  }
0x17f: {  	_ = 	snop  }
0x180: {  	[tilespmem:s25], [sflag:$0x1] =	stream.indirect_vreg.gather [hbm4b:s2+s8], $0x80, v3, vm15, $0xb8;
	[tilespmem:$0x15590] =	vst v63  }
0x181: {  	_ = 	snop  }
0x182: {  	[tilespmem:s26], [sflag:$0x1] =	stream.indirect_vreg.gather [hbm4b:s3+s8], $0x80, v3, vm15, $0xb8;
	[tilespmem:$0x15590] =	vst v63  }
0x183: {  	v3 =	vld [tilespmem:$0x9440];
	_ =	sdelay $0x4  }
0x184: {  	v53 =	vshrl.u32 v3, $0x3  }
0x185: {  	v4 =	vmul.u32 $0x30, v53  }
0x186: {  	v3 =	vand.u32 $0x7, v3  }
0x187: {  	v3 =	vor.u32 v3, v4  }
0x188: {  	v4 =	vperm.xlane v3, v43;
	_ =	sdelay $0x1  }
0x189: {  	v4 =	vadd.s32 v0, v4;
	_ =	sdelay $0x3  }
0x18a: {  	v3 =	vperm.xlane v3, v2  }
0x18b: {  	[tilespmem:s28], [sflag:$0x1] =	stream.indirect_vreg.gather [hbm4b:s1+s8], $0x80, v4, vm15, $0xb8;
	[tilespmem:$0x15590] =	vst v63  }
0x18c: {  	v3 =	vadd.s32 v0, v3  }
0x18d: {  	[tilespmem:s29], [sflag:$0x1] =	stream.indirect_vreg.gather [hbm4b:s2+s8], $0x80, v4, vm15, $0xb8;
	[tilespmem:$0x15590] =	vst v63  }
0x18e: {  	_ = 	snop  }
0x18f: {  	[tilespmem:s30], [sflag:$0x1] =	stream.indirect_vreg.gather [hbm4b:s3+s8], $0x80, v4, vm15, $0xb8;
	[tilespmem:$0x15590] =	vst v63  }
0x190: {  	_ = 	snop  }
0x191: {  	[tilespmem:s31], [sflag:$0x1] =	stream.indirect_vreg.gather [hbm4b:s1+s8], $0x80, v3, vm15, $0xb8;
	[tilespmem:$0x15590] =	vst v63  }
0x192: {  	_ = 	snop  }
0x193: {  	[tilespmem:s0], [sflag:$0x1] =	stream.indirect_vreg.gather [hbm4b:s2+s8], $0x80, v3, vm15, $0xb8;
	[tilespmem:$0x15590] =	vst v63  }
0x194: {  	_ = 	snop  }
0x195: {  	[tilespmem:s5], [sflag:$0x1] =	stream.indirect_vreg.gather [hbm4b:s3+s8], $0x80, v3, vm15, $0xb8;
	[tilespmem:$0x15590] =	vst v63  }
0x196: {  	_ =	swait.ge [sflag:s4], $0xC000  }
0x197: {  	[sflag:s4] =	ssyncset.done $0x0  }
0x198: {  	[sflag:s4] =	ssyncadd.s32 $0xFFFF4000  }
0x199: {  	[hbm4b:s6+s8] =	stream.linear.scatter [tilespmem:s9], [sflag:$0x2], $0xC000, $0x38;
	[tilespmem:$0x15590] =	vst v63  }
0x19a: {  	_ =	swait.ge [sflag:s7], $0xC000  }
0x19b: {  	[sflag:s7] =	ssyncset.done $0x0  }
0x19c: {  	[sflag:s7] =	ssyncadd.s32 $0xFFFF4000  }
0x19d: {  	v54 =	vld [tilespmem:$0x9490];
	_ =	sdelay $0x4  }
0x19e: {  	v55 =	vshrl.u32 v54, $0x3  }
0x19f: {  	v4 =	vmul.u32 $0x30, v55  }
0x1a0: {  	v3 =	vand.u32 $0x7, v54  }
0x1a1: {  	v3 =	vor.u32 v3, v4  }
0x1a2: {  	v4 =	vperm.xlane v3, v43;
	_ =	sdelay $0x1  }
0x1a3: {  	v4 =	vadd.s32 v0, v4;
	_ =	sdelay $0x3  }
0x1a4: {  	v3 =	vperm.xlane v3, v2  }
0x1a5: {  	[tilespmem:s9], [sflag:$0x1] =	stream.indirect_vreg.gather [hbm4b:s1+s8], $0x80, v4, vm15, $0xb8;
	[tilespmem:$0x15590] =	vst v63  }
0x1a6: {  	v3 =	vadd.s32 v0, v3  }
0x1a7: {  	[tilespmem:s10], [sflag:$0x1] =	stream.indirect_vreg.gather [hbm4b:s2+s8], $0x80, v4, vm15, $0xb8;
	[tilespmem:$0x15590] =	vst v63  }
0x1a8: {  	_ = 	snop  }
0x1a9: {  	[tilespmem:s11], [sflag:$0x1] =	stream.indirect_vreg.gather [hbm4b:s3+s8], $0x80, v4, vm15, $0xb8;
	[tilespmem:$0x15590] =	vst v63  }
0x1aa: {  	_ = 	snop  }
0x1ab: {  	[tilespmem:s12], [sflag:$0x1] =	stream.indirect_vreg.gather [hbm4b:s1+s8], $0x80, v3, vm15, $0xb8;
	[tilespmem:$0x15590] =	vst v63  }
0x1ac: {  	_ = 	snop  }
0x1ad: {  	[tilespmem:s13], [sflag:$0x1] =	stream.indirect_vreg.gather [hbm4b:s2+s8], $0x80, v3, vm15, $0xb8;
	[tilespmem:$0x15590] =	vst v63  }
0x1ae: {  	_ = 	snop  }
0x1af: {  	[tilespmem:s14], [sflag:$0x1] =	stream.indirect_vreg.gather [hbm4b:s3+s8], $0x80, v3, vm15, $0xb8;
	[tilespmem:$0x15590] =	vst v63  }
0x1b0: {  	v3 =	vld [tilespmem:$0x94A0];
	_ =	sdelay $0x4  }
0x1b1: {  	v56 =	vshrl.u32 v3, $0x3  }
0x1b2: {  	v4 =	vmul.u32 $0x30, v56  }
0x1b3: {  	v3 =	vand.u32 $0x7, v3  }
0x1b4: {  	v3 =	vor.u32 v3, v4  }
0x1b5: {  	v4 =	vperm.xlane v3, v43;
	_ =	sdelay $0x1  }
0x1b6: {  	v4 =	vadd.s32 v0, v4;
	_ =	sdelay $0x3  }
0x1b7: {  	v3 =	vperm.xlane v3, v2  }
0x1b8: {  	[tilespmem:s15], [sflag:$0x1] =	stream.indirect_vreg.gather [hbm4b:s1+s8], $0x80, v4, vm15, $0xb8;
	[tilespmem:$0x15590] =	vst v63  }
0x1b9: {  	v3 =	vadd.s32 v0, v3  }
0x1ba: {  	[tilespmem:s16], [sflag:$0x1] =	stream.indirect_vreg.gather [hbm4b:s2+s8], $0x80, v4, vm15, $0xb8;
	[tilespmem:$0x15590] =	vst v63  }
0x1bb: {  	_ = 	snop  }
0x1bc: {  	[tilespmem:s17], [sflag:$0x1] =	stream.indirect_vreg.gather [hbm4b:s3+s8], $0x80, v4, vm15, $0xb8;
	[tilespmem:$0x15590] =	vst v63  }
0x1bd: {  	_ = 	snop  }
0x1be: {  	[tilespmem:s18], [sflag:$0x1] =	stream.indirect_vreg.gather [hbm4b:s1+s8], $0x80, v3, vm15, $0xb8;
	[tilespmem:$0x15590] =	vst v63  }
0x1bf: {  	_ = 	snop  }
0x1c0: {  	[tilespmem:s19], [sflag:$0x1] =	stream.indirect_vreg.gather [hbm4b:s2+s8], $0x80, v3, vm15, $0xb8;
	[tilespmem:$0x15590] =	vst v63  }
0x1c1: {  	_ = 	snop  }
0x1c2: {  	[tilespmem:s20], [sflag:$0x1] =	stream.indirect_vreg.gather [hbm4b:s3+s8], $0x80, v3, vm15, $0xb8;
	[tilespmem:$0x15590] =	vst v63  }
0x1c3: {  	v3 =	vld [tilespmem:$0x94B0];
	_ =	sdelay $0x4  }
0x1c4: {  	v57 =	vshrl.u32 v3, $0x3  }
0x1c5: {  	v4 =	vmul.u32 $0x30, v57  }
0x1c6: {  	v3 =	vand.u32 $0x7, v3  }
0x1c7: {  	v3 =	vor.u32 v3, v4  }
0x1c8: {  	v4 =	vperm.xlane v3, v43;
	_ =	sdelay $0x1  }
0x1c9: {  	v4 =	vadd.s32 v0, v4;
	_ =	sdelay $0x3  }
0x1ca: {  	v3 =	vperm.xlane v3, v2  }
0x1cb: {  	[tilespmem:s21], [sflag:$0x1] =	stream.indirect_vreg.gather [hbm4b:s1+s8], $0x80, v4, vm15, $0xb8;
	[tilespmem:$0x15590] =	vst v63  }
0x1cc: {  	v3 =	vadd.s32 v0, v3  }
0x1cd: {  	[tilespmem:s22], [sflag:$0x1] =	stream.indirect_vreg.gather [hbm4b:s2+s8], $0x80, v4, vm15, $0xb8;
	[tilespmem:$0x15590] =	vst v63  }
0x1ce: {  	_ = 	snop  }
0x1cf: {  	[tilespmem:s23], [sflag:$0x1] =	stream.indirect_vreg.gather [hbm4b:s3+s8], $0x80, v4, vm15, $0xb8;
	[tilespmem:$0x15590] =	vst v63  }
0x1d0: {  	_ = 	snop  }
0x1d1: {  	[tilespmem:s24], [sflag:$0x1] =	stream.indirect_vreg.gather [hbm4b:s1+s8], $0x80, v3, vm15, $0xb8;
	[tilespmem:$0x15590] =	vst v63  }
0x1d2: {  	_ = 	snop  }
0x1d3: {  	[tilespmem:s25], [sflag:$0x1] =	stream.indirect_vreg.gather [hbm4b:s2+s8], $0x80, v3, vm15, $0xb8;
	[tilespmem:$0x15590] =	vst v63  }
0x1d4: {  	_ = 	snop  }
0x1d5: {  	[tilespmem:s26], [sflag:$0x1] =	stream.indirect_vreg.gather [hbm4b:s3+s8], $0x80, v3, vm15, $0xb8;
	[tilespmem:$0x15590] =	vst v63  }
0x1d6: {  	v3 =	vld [tilespmem:$0x94C0];
	_ =	sdelay $0x4  }
0x1d7: {  	v58 =	vshrl.u32 v3, $0x3  }
0x1d8: {  	v4 =	vmul.u32 $0x30, v58  }
0x1d9: {  	v3 =	vand.u32 $0x7, v3  }
0x1da: {  	v3 =	vor.u32 v3, v4  }
0x1db: {  	v4 =	vperm.xlane v3, v43;
	_ =	sdelay $0x1  }
0x1dc: {  	v4 =	vadd.s32 v0, v4;
	_ =	sdelay $0x3  }
0x1dd: {  	v3 =	vperm.xlane v3, v2  }
0x1de: {  	[tilespmem:s28], [sflag:$0x1] =	stream.indirect_vreg.gather [hbm4b:s1+s8], $0x80, v4, vm15, $0xb8;
	[tilespmem:$0x15590] =	vst v63  }
0x1df: {  	v3 =	vadd.s32 v0, v3  }
0x1e0: {  	[tilespmem:s29], [sflag:$0x1] =	stream.indirect_vreg.gather [hbm4b:s2+s8], $0x80, v4, vm15, $0xb8;
	[tilespmem:$0x15590] =	vst v63  }
0x1e1: {  	_ = 	snop  }
0x1e2: {  	[tilespmem:s30], [sflag:$0x1] =	stream.indirect_vreg.gather [hbm4b:s3+s8], $0x80, v4, vm15, $0xb8;
	[tilespmem:$0x15590] =	vst v63  }
0x1e3: {  	_ = 	snop  }
0x1e4: {  	[tilespmem:s31], [sflag:$0x1] =	stream.indirect_vreg.gather [hbm4b:s1+s8], $0x80, v3, vm15, $0xb8;
	[tilespmem:$0x15590] =	vst v63  }
0x1e5: {  	_ = 	snop  }
0x1e6: {  	[tilespmem:s0], [sflag:$0x1] =	stream.indirect_vreg.gather [hbm4b:s2+s8], $0x80, v3, vm15, $0xb8;
	[tilespmem:$0x15590] =	vst v63  }
0x1e7: {  	_ = 	snop  }
0x1e8: {  	[tilespmem:s5], [sflag:$0x1] =	stream.indirect_vreg.gather [hbm4b:s3+s8], $0x80, v3, vm15, $0xb8;
	[tilespmem:$0x15590] =	vst v63  }
0x1e9: {  	_ =	swait.ge [sflag:s4], $0xC000  }
0x1ea: {  	[sflag:s4] =	ssyncset.done $0x0  }
0x1eb: {  	s6 =	rddreg [dreg:$0x7];
	[sflag:s4] =	ssyncadd.s32 $0xFFFF4000  }
0x1ec: {  	[hbm4b:s6+s8] =	stream.linear.scatter [tilespmem:s9], [sflag:$0x2], $0xC000, $0x38;
	[tilespmem:$0x15590] =	vst v63  }
0x1ed: {  	_ =	swait.ge [sflag:s7], $0xC000  }
0x1ee: {  	[sflag:s7] =	ssyncset.done $0x0  }
0x1ef: {  	[sflag:s7] =	ssyncadd.s32 $0xFFFF4000  }
0x1f0: {  	v59 =	vld [tilespmem:$0x9510];
	_ =	sdelay $0x4  }
0x1f1: {  	v60 =	vshrl.u32 v59, $0x3  }
0x1f2: {  	v4 =	vmul.u32 $0x30, v60  }
0x1f3: {  	v3 =	vand.u32 $0x7, v59  }
0x1f4: {  	v3 =	vor.u32 v3, v4  }
0x1f5: {  	v4 =	vperm.xlane v3, v43;
	_ =	sdelay $0x1  }
0x1f6: {  	v4 =	vadd.s32 v0, v4;
	_ =	sdelay $0x3  }
0x1f7: {  	v3 =	vperm.xlane v3, v2  }
0x1f8: {  	[tilespmem:s9], [sflag:$0x1] =	stream.indirect_vreg.gather [hbm4b:s1+s8], $0x80, v4, vm15, $0xb8;
	[tilespmem:$0x15590] =	vst v63  }
0x1f9: {  	v3 =	vadd.s32 v0, v3  }
0x1fa: {  	[tilespmem:s10], [sflag:$0x1] =	stream.indirect_vreg.gather [hbm4b:s2+s8], $0x80, v4, vm15, $0xb8;
	[tilespmem:$0x15590] =	vst v63  }
0x1fb: {  	_ = 	snop  }
0x1fc: {  	[tilespmem:s11], [sflag:$0x1] =	stream.indirect_vreg.gather [hbm4b:s3+s8], $0x80, v4, vm15, $0xb8;
	[tilespmem:$0x15590] =	vst v63  }
0x1fd: {  	_ = 	snop  }
0x1fe: {  	[tilespmem:s12], [sflag:$0x1] =	stream.indirect_vreg.gather [hbm4b:s1+s8], $0x80, v3, vm15, $0xb8;
	[tilespmem:$0x15590] =	vst v63  }
0x1ff: {  	_ = 	snop  }
0x200: {  	[tilespmem:s13], [sflag:$0x1] =	stream.indirect_vreg.gather [hbm4b:s2+s8], $0x80, v3, vm15, $0xb8;
	[tilespmem:$0x15590] =	vst v63  }
0x201: {  	_ = 	snop  }
0x202: {  	[tilespmem:s14], [sflag:$0x1] =	stream.indirect_vreg.gather [hbm4b:s3+s8], $0x80, v3, vm15, $0xb8;
	[tilespmem:$0x15590] =	vst v63  }
0x203: {  	v3 =	vld [tilespmem:$0x9520];
	_ =	sdelay $0x4  }
0x204: {  	v61 =	vshrl.u32 v3, $0x3  }
0x205: {  	v4 =	vmul.u32 $0x30, v61  }
0x206: {  	v3 =	vand.u32 $0x7, v3  }
0x207: {  	v3 =	vor.u32 v3, v4  }
0x208: {  	v4 =	vperm.xlane v3, v43;
	_ =	sdelay $0x1  }
0x209: {  	v4 =	vadd.s32 v0, v4;
	_ =	sdelay $0x3  }
0x20a: {  	v3 =	vperm.xlane v3, v2  }
0x20b: {  	[tilespmem:s15], [sflag:$0x1] =	stream.indirect_vreg.gather [hbm4b:s1+s8], $0x80, v4, vm15, $0xb8;
	[tilespmem:$0x15590] =	vst v63  }
0x20c: {  	v3 =	vadd.s32 v0, v3  }
0x20d: {  	[tilespmem:s16], [sflag:$0x1] =	stream.indirect_vreg.gather [hbm4b:s2+s8], $0x80, v4, vm15, $0xb8;
	[tilespmem:$0x15590] =	vst v63  }
0x20e: {  	_ = 	snop  }
0x20f: {  	[tilespmem:s17], [sflag:$0x1] =	stream.indirect_vreg.gather [hbm4b:s3+s8], $0x80, v4, vm15, $0xb8;
	[tilespmem:$0x15590] =	vst v63  }
0x210: {  	_ = 	snop  }
0x211: {  	[tilespmem:s18], [sflag:$0x1] =	stream.indirect_vreg.gather [hbm4b:s1+s8], $0x80, v3, vm15, $0xb8;
	[tilespmem:$0x15590] =	vst v63  }
0x212: {  	_ = 	snop  }
0x213: {  	[tilespmem:s19], [sflag:$0x1] =	stream.indirect_vreg.gather [hbm4b:s2+s8], $0x80, v3, vm15, $0xb8;
	[tilespmem:$0x15590] =	vst v63  }
0x214: {  	_ = 	snop  }
0x215: {  	[tilespmem:s20], [sflag:$0x1] =	stream.indirect_vreg.gather [hbm4b:s3+s8], $0x80, v3, vm15, $0xb8;
	[tilespmem:$0x15590] =	vst v63  }
0x216: {  	v3 =	vld [tilespmem:$0x9530];
	_ =	sdelay $0x4  }
0x217: {  	v62 =	vshrl.u32 v3, $0x3  }
0x218: {  	v4 =	vmul.u32 $0x30, v62  }
0x219: {  	v3 =	vand.u32 $0x7, v3  }
0x21a: {  	v3 =	vor.u32 v3, v4  }
0x21b: {  	v4 =	vperm.xlane v3, v43;
	_ =	sdelay $0x1  }
0x21c: {  	v4 =	vadd.s32 v0, v4;
	_ =	sdelay $0x3  }
0x21d: {  	v3 =	vperm.xlane v3, v2  }
0x21e: {  	[tilespmem:s21], [sflag:$0x1] =	stream.indirect_vreg.gather [hbm4b:s1+s8], $0x80, v4, vm15, $0xb8;
	[tilespmem:$0x15590] =	vst v63  }
0x21f: {  	v3 =	vadd.s32 v0, v3  }
0x220: {  	[tilespmem:s22], [sflag:$0x1] =	stream.indirect_vreg.gather [hbm4b:s2+s8], $0x80, v4, vm15, $0xb8;
	[tilespmem:$0x15590] =	vst v63  }
0x221: {  	_ = 	snop  }
0x222: {  	[tilespmem:s23], [sflag:$0x1] =	stream.indirect_vreg.gather [hbm4b:s3+s8], $0x80, v4, vm15, $0xb8;
	[tilespmem:$0x15590] =	vst v63  }
0x223: {  	_ = 	snop  }
0x224: {  	[tilespmem:s24], [sflag:$0x1] =	stream.indirect_vreg.gather [hbm4b:s1+s8], $0x80, v3, vm15, $0xb8;
	[tilespmem:$0x15590] =	vst v63  }
0x225: {  	_ = 	snop  }
0x226: {  	[tilespmem:s25], [sflag:$0x1] =	stream.indirect_vreg.gather [hbm4b:s2+s8], $0x80, v3, vm15, $0xb8;
	[tilespmem:$0x15590] =	vst v63  }
0x227: {  	_ = 	snop  }
0x228: {  	[tilespmem:s26], [sflag:$0x1] =	stream.indirect_vreg.gather [hbm4b:s3+s8], $0x80, v3, vm15, $0xb8;
	[tilespmem:$0x15590] =	vst v63  }
0x229: {  	v3 =	vld [tilespmem:$0x9540];
	_ =	sdelay $0x4  }
0x22a: {  	v63 =	vshrl.u32 v3, $0x3  }
0x22b: {  	v4 =	vmul.u32 $0x30, v63  }
0x22c: {  	v3 =	vand.u32 $0x7, v3  }
0x22d: {  	v3 =	vor.u32 v3, v4  }
0x22e: {  	v1 =	vperm.xlane v3, v43;
	_ =	sdelay $0x1  }
0x22f: {  	v1 =	vadd.s32 v0, v1;
	_ =	sdelay $0x3  }
0x230: {  	v2 =	vperm.xlane v3, v2  }
0x231: {  	[tilespmem:s28], [sflag:$0x1] =	stream.indirect_vreg.gather [hbm4b:s1+s8], $0x80, v1, vm15, $0xb8;
	[tilespmem:$0x15590] =	vst v63  }
0x232: {  	v0 =	vadd.s32 v0, v2  }
0x233: {  	[tilespmem:s29], [sflag:$0x1] =	stream.indirect_vreg.gather [hbm4b:s2+s8], $0x80, v1, vm15, $0xb8;
	[tilespmem:$0x15590] =	vst v63  }
0x234: {  	_ = 	snop  }
0x235: {  	[tilespmem:s30], [sflag:$0x1] =	stream.indirect_vreg.gather [hbm4b:s3+s8], $0x80, v1, vm15, $0xb8;
	[tilespmem:$0x15590] =	vst v63  }
0x236: {  	_ = 	snop  }
0x237: {  	[tilespmem:s31], [sflag:$0x1] =	stream.indirect_vreg.gather [hbm4b:s1+s8], $0x80, v0, vm15, $0xb8;
	[tilespmem:$0x15590] =	vst v63  }
0x238: {  	_ = 	snop  }
0x239: {  	[tilespmem:s0], [sflag:$0x1] =	stream.indirect_vreg.gather [hbm4b:s2+s8], $0x80, v0, vm15, $0xb8;
	[tilespmem:$0x15590] =	vst v63  }
0x23a: {  	_ = 	snop  }
0x23b: {  	[tilespmem:s5], [sflag:$0x1] =	stream.indirect_vreg.gather [hbm4b:s3+s8], $0x80, v0, vm15, $0xb8;
	[tilespmem:$0x15590] =	vst v63  }
0x23c: {  	_ =	swait.ge [sflag:s4], $0xC000  }
0x23d: {  	[sflag:s4] =	ssyncset.done $0x0  }
0x23e: {  	s31 =	rddreg [dreg:$0x6];
	[sflag:s4] =	ssyncadd.s32 $0xFFFF4000  }
0x23f: {  	[hbm4b:s31+s8] =	stream.linear.scatter [tilespmem:s9], [sflag:$0x2], $0xC000, $0x38;
	[tilespmem:$0x15590] =	vst v63  }
0x240: {  	_ =	swait.ge [sflag:s7], $0xC000  }
0x241: {  	[sflag:s7] =	ssyncset.done $0x0  }
0x242: {  	[sflag:s7] =	ssyncadd.s32 $0xFFFF4000  }
0x243: {  	s6 =	rddreg [dreg:$0x5]  }
.LBB2_8:
0x244: {  	_ =	sfence.sel $0x180000  }
0x245: {  	[bflag:$0x0] =	sbarrier.arrive $0xFFFF  }
0x246: {  	_ =	strace $0x90000047  }
0x247: {  	s0 =	sadd.s32 @!p0 $0x100000, s6;
	[bflag:$0x2] =	sbarrier.arrive $0xFFFF  }
0x248: {  	[sflag:s0] =	ssyncadd.tile.s32 @!p0 $0x1;
	_ =	shalt  }
.Lfunc_end2:
_tile_overlayer_lowered:
.L_overlay_start_2:
0x249: {  	(tag) =	ssettag $0x2  }
0x24a: {  	s0 =	rddreg [dreg:$0x0];
	s2 =	stileid.u32  }
0x24b: {  	s1 =	rddreg [dreg:$0x1];
	p0 =	sne.s32 s2, $0x0  }
0x24c: {  	s3 =	rddreg [dreg:$0x2];
	[bflag:$0x3] =	sbarrier.arrive $0xFFFF;
	s2 =	simm.s32 @!p0 $0x1C02  }
0x24d: {  	[timem:s3], [sflag:s2] =	dma.local @!p0 [hbm:s0], s1  }
0x24e: {  	s0 =	simm.s32 @!p0 $0x2  }
0x24f: {  	_ =	swait.ge @!p0 [sflag:s0], s1  }
0x250: {  	s1 =	ssub.s32 @!p0 $0x0, s1;
	[sflag:s0] =	ssyncset.done @!p0 $0x0  }
0x251: {  	[sflag:s0] =	ssyncadd.s32 @!p0 s1  }
0x252: {  	[bflag:$0x3] =	sbarrier.arrive $0xFFFF  }
0x253: {  	_ =	shalt  }

// kernel: kernel.9.cloned.1.call-start
scs
__scs_entry_jumppad:
0x0: {  	(pc) =	sbr.rel $0x88, $3  }
0x1: {  	(tag) =	ssettag $0x0;
	lr =	simm.s32 $0x1  }
0x2: {  	[smem:$0x3F9B] =	sst lr;
	_ =	strace $0xD0000000  }
0x3: {  	_ = 	snop  }
0x4: {  	_ = 	snop  }
0x5: {  	_ = 	snop  }
0x6: {  	_ = 	snop  }
0x7: {  	_ = 	snop  }
__scs_overlays_trampoline_lowered:
0x8: {  	[smem:$0x3FAA] =	sst s0  }
0x9: {  	[smem:$0x3FAB] =	sst s1  }
0xa: {  	[smem:$0x3FAC] =	sst s2  }
0xb: {  	[smem:$0x3FAD] =	sst s3  }
0xc: {  	[smem:$0x3FAE] =	sst s4  }
0xd: {  	[smem:$0x3FAF] =	sst s5  }
0xe: {  	[smem:$0x3FB0] =	sst s6  }
0xf: {  	[smem:$0x3FB1] =	sst s7  }
0x10: {  	[smem:$0x3FB2] =	sst s8  }
0x11: {  	[smem:$0x3FB3] =	sst s9;
	s0 =	simm.s32 @!p0 $0x0  }
0x12: {  	s1 =	sld [smem:$0x3F99];
	s0 =	simm.s32 @p0 $0x1  }
0x13: {  	[smem:$0x3FB4] =	sst s0;
	s0 =	simm.s32 @!p1 $0x0  }
0x14: {  	s2 =	sld [smem:$0x3F98];
	s0 =	simm.s32 @p1 $0x1  }
0x15: {  	[smem:$0x3FB5] =	sst s0;
	s0 =	simm.s32 @!p2 $0x0  }
0x16: {  	s3 =	sld [smem:$0x3FDB];
	s0 =	simm.s32 @p2 $0x1  }
0x17: {  	s4 =	simm.s32 $0x1BF5;
	[smem:$0x3FB7] =	sst s0  }
0x18: {  	s0 =	sld [smem:$0x3F9A];
	_ =	swait.ge [sflag:s4], $0x0  }
0x19: {  	s7 =	sld [smem:$0x3F9B]  }
0x1a: {  	s8 =	sadd.s32 $0xFFFFE003, lr  }
0x1b: {  	s9 =	sadd.s32 $0xFFFFFEF7, lr;
	s5 =	simm.s32 $0xFFFFFFFF;
	p2 =	slt.u32 s8, $0xFFFFF086  }
0x1c: {  	p1 =	slt.u32 s9, $0xF7A;
	s5 =	simm.s32 @!p2 $0x0  }
0x1d: {  	s5 =	simm.s32 @p1 $0x1;
	p0 =	seq.s32 s7, s2  }
0x1e: {  	s7 =	smul.u32 @!p0 $0xF7A, s2;
	p2 =	seq.s32 @!p0 s5, $0x0  }
0x1f: {  	s9 =	smul.u32 $0xF7A, s1;
	s8 =	simm.s32 @!p0 $0x1BF5;
	p2 =	por !p2, p0  }
0x20: {  	[sflag:s8] =	ssyncset.s32 @!p0 $0xFFFFF086;
	s6 =	sadd.s32 @!p0 s3, s7;
	s7 =	simm.s32 @!p0 $0x108  }
0x21: {  	s3 =	sadd.s32 s3, s9;
	s6 =	sadd.s32 @!p0 $0x88, s6;
	s7 =	simm.s32 @p2 $0x1082  }
0x22: {  	[simem:s7], [sflag:s8] =	dma.local @!p0 [hbm:s6], $0xF7A  }
0x23: {  	s9 =	sor.u32 $0xD0000000, s2;
	s6 =	simm.s32 $0x108;
	_ =	swait.ge @!p0 [sflag:s8], $0x0  }
0x24: {  	s3 =	sadd.s32 $0x88, s3;
	s6 =	simm.s32 @!p1 $0x1082;
	[sflag:s4] =	ssyncset.s32 $0xFFFFF086  }
0x25: {  	[simem:s6], [sflag:s4] =	dma.local [hbm:s3], $0xF7A  }
0x26: {  	[smem:$0x3F9B] =	sst s1;
	(tag) =	ssettag s2;
	_ =	strace s9  }
0x27: {  	s1 =	sld [smem:$0x3FAB]  }
0x28: {  	s2 =	sld [smem:$0x3FAC]  }
0x29: {  	s4 =	sld [smem:$0x3FAE]  }
0x2a: {  	p0 =	seq.s32 s5, $0x0;
	s5 =	sld [smem:$0x3FAF]  }
0x2b: {  	s6 =	sld [smem:$0x3FB0]  }
0x2c: {  	s7 =	sld [smem:$0x3FB1]  }
0x2d: {  	s3 =	simm.s32 $0x108;
	s8 =	sld [smem:$0x3FB2]  }
0x2e: {  	s3 =	simm.s32 @!p0 $0x1082;
	s9 =	sld [smem:$0x3FB3]  }
0x2f: {  	lr =	sadd.s32 s0, s3;
	s0 =	sld [smem:$0x3FAA]  }
0x30: {  	s3 =	sld [smem:$0x3FAD]  }
0x31: {  	[smem:$0x3FB6] =	sst s10  }
0x32: {  	s10 =	sld [smem:$0x3FB4];
	_ =	sdelay $0x3  }
0x33: {  	p0 =	seq.s32 s10, $0x1;
	s10 =	sld [smem:$0x3FB6];
	_ =	sdelay $0x3  }
0x34: {  	[smem:$0x3FB6] =	sst s10  }
0x35: {  	s10 =	sld [smem:$0x3FB5];
	_ =	sdelay $0x3  }
0x36: {  	p1 =	seq.s32 s10, $0x1;
	s10 =	sld [smem:$0x3FB6];
	_ =	sdelay $0x3  }
0x37: {  	[smem:$0x3FB6] =	sst s10  }
0x38: {  	s10 =	sld [smem:$0x3FB7]  }
0x39: {  	_ = 	snop;
	(pc) =	sbr.ind lr, $3  }
0x3a: {  	_ = 	snop  }
0x3b: {  	_ = 	snop  }
0x3c: {  	p2 =	seq.s32 s10, $0x1;
	s10 =	sld [smem:$0x3FB6]  }
0x3d: {  	_ =	shalt  }
0x3e: {  	_ =	shalt  }
0x3f: {  	_ =	shalt  }
0x40: {  	_ =	shalt  }
0x41: {  	_ =	shalt  }
0x42: {  	_ =	shalt  }
0x43: {  	_ =	shalt  }
0x44: {  	_ =	shalt  }
0x45: {  	_ =	shalt  }
0x46: {  	_ =	shalt  }
0x47: {  	_ =	shalt  }
0x48: {  	_ =	shalt  }
0x49: {  	_ =	shalt  }
0x4a: {  	_ =	shalt  }
0x4b: {  	_ =	shalt  }
0x4c: {  	_ =	shalt  }
0x4d: {  	_ =	shalt  }
0x4e: {  	_ =	shalt  }
0x4f: {  	_ =	shalt  }
0x50: {  	_ =	shalt  }
0x51: {  	_ =	shalt  }
0x52: {  	_ =	shalt  }
0x53: {  	_ =	shalt  }
0x54: {  	_ =	shalt  }
0x55: {  	_ =	shalt  }
0x56: {  	_ =	shalt  }
0x57: {  	_ =	shalt  }
0x58: {  	_ =	shalt  }
0x59: {  	_ =	shalt  }
0x5a: {  	_ =	shalt  }
0x5b: {  	_ =	shalt  }
0x5c: {  	_ =	shalt  }
0x5d: {  	_ =	shalt  }
0x5e: {  	_ =	shalt  }
0x5f: {  	_ =	shalt  }
0x60: {  	_ =	shalt  }
0x61: {  	_ =	shalt  }
0x62: {  	_ =	shalt  }
0x63: {  	_ =	shalt  }
0x64: {  	_ =	shalt  }
0x65: {  	_ =	shalt  }
0x66: {  	_ =	shalt  }
0x67: {  	_ =	shalt  }
0x68: {  	_ =	shalt  }
0x69: {  	_ =	shalt  }
0x6a: {  	_ =	shalt  }
0x6b: {  	_ =	shalt  }
0x6c: {  	_ =	shalt  }
0x6d: {  	_ =	shalt  }
0x6e: {  	_ =	shalt  }
0x6f: {  	_ =	shalt  }
0x70: {  	_ =	shalt  }
0x71: {  	_ =	shalt  }
0x72: {  	_ =	shalt  }
0x73: {  	_ =	shalt  }
0x74: {  	_ =	shalt  }
0x75: {  	_ =	shalt  }
0x76: {  	_ =	shalt  }
0x77: {  	_ =	shalt  }
0x78: {  	_ =	shalt  }
0x79: {  	_ =	shalt  }
0x7a: {  	_ =	shalt  }
0x7b: {  	_ =	shalt  }
0x7c: {  	_ =	shalt  }
0x7d: {  	_ =	shalt  }
0x7e: {  	_ =	shalt  }
0x7f: {  	_ =	shalt  }
0x80: {  	_ =	shalt  }
0x81: {  	_ =	shalt  }
0x82: {  	_ =	shalt  }
0x83: {  	_ =	shalt  }
0x84: {  	_ =	shalt  }
0x85: {  	_ =	shalt  }
0x86: {  	_ =	shalt  }
0x87: {  	_ =	shalt  }
.Lfunc_end0:
.L_simem_size_0:
called_computation.1_lowered:
.L_overlay_start_0:
0x88: {  	s2 =	sld [smem:$0x3FD9]  }
0x89: {  	s3 =	sld [smem:$0x3FFE];
	_ =	sdelay $0x1  }
0x8a: {  	s1 =	srdreg.scid  }
0x8b: {  	s0 =	sand.u32 $0x1, s1  }
0x8c: {  	s17 =	sshll.u32 s0, $0xA;
	s2 =	sadd.s32 s3, s2  }
0x8d: {  	s2 =	sadd.s32 s2, s17  }
0x8e: {  	[smem:$0x3FC2] =	sst s2  }
0x8f: {  	_ = 	snop  }
0x90: {  	s2 =	sld [smem:$0x3FD0];
	(tm) =	ssettm $0x1  }
0x91: {  	s18 =	sld [smem:$0x3FFB];
	_ =	sdelay $0x3  }
0x92: {  	_ =	strace s18  }
0x93: {  	s3 =	sld [smem:$0x3FFC];
	_ =	sdelay $0x3  }
0x94: {  	_ =	strace s3  }
0x95: {  	s3 =	sld [smem:$0x3FFD];
	_ =	sdelay $0x3  }
0x96: {  	_ =	strace s3  }
0x97: {  	_ =	strace $0x8FFFFFFF  }
0x98: {  	s19 =	sld [smem:$0x3FDB];
	_ =	sdelay $0x1  }
0x99: {  	s4 =	simm.s32 $_scs_section_size  }
0x9a: {  	s5 =	simm.s32 $_size__tile_overlayer_lowered;
	s6 =	simm.s32 $_tile_overlayer_lowered  }
0x9b: {  	s22 =	simm.s32 $0x1BFF;
	s21 =	sshll.u32 s6, $0x1;
	s3 =	sadd.s32 s4, s19  }
0x9c: {  	s7 =	simm.s32 $0x0;
	s20 =	sshll.u32 s5, $0x1;
	s5 =	sadd.s32 s21, s3  }
0x9d: {  	[timem:s7], [sflag:s22] =	dma.local [hbm:s5], s20  }
0x9e: {  	_ =	swait.ge [sflag:s22], s20  }
0x9f: {  	s4 =	ssub.s32 $0x0, s20;
	[sflag:s22] =	ssyncset.done $0x0  }
0xa0: {  	[sflag:s22] =	ssyncadd.s32 s4;
	_ =	sdelay $0x1  }
0xa1: {  	s23 =	simm.s32 $0x1B8B  }
0xa2: {  	_ =	swait.ge [sflag:s23], $0x1  }
0xa3: {  	[sflag:s23] =	ssyncset.done $0x0  }
0xa4: {  	s25 =	simm.s32 $0x1B8E;
	s24 =	sld [smem:$0x3FFE];
	[sflag:s23] =	ssyncadd.s32 $0xFFFFFFFF  }
0xa5: {  	s26 =	simm.s32 $execute0_lowered;
	[smem:$0x3FD2] =	sst s25  }
0xa6: {  	s5 =	sshll.u32 s26, $0x1;
	_ =	strace $0x80000049;
	[dreg:$0x1] =	wrdreg $0xFFFFFFFF  }
0xa7: {  	s28 =	simm.s32 $_size_execute0_lowered;
	s3 =	sadd.s32 s3, s5;
	[dreg:$0x0] =	wrdreg $0x0  }
0xa8: {  	s5 =	sshll.u32 s28, $0x1;
	[dreg:$0x2] =	wrdreg s3  }
0xa9: {  	[dreg:$0x3] =	wrdreg s5  }
0xaa: {  	[dreg:$0x4] =	wrdreg $0xC0  }
0xab: {  	_ =	task [dreg:s7], $0x5FFFF  }
0xac: {  	[dreg:$0x1] =	wrdreg $0xFFFFFFFF  }
0xad: {  	[dreg:$0x0] =	wrdreg $0x60  }
0xae: {  	[dreg:$0x2] =	wrdreg s24  }
0xaf: {  	[dreg:$0x3] =	wrdreg s2  }
0xb0: {  	[dreg:$0x4] =	wrdreg $0x9  }
0xb1: {  	_ =	task.clear_ibuf [dreg:s7], $0x5FFFF;
	_ =	strace $0x90000049  }
0xb2: {  	s29 =	simm.s32 $0x9;
	_ =	strace $0x8000004B  }
0xb3: {  	_ =	swait.ge [sflag:s29], $0x1  }
0xb4: {  	[sflag:s29] =	ssyncadd.s32 $0xFFFFFFFF  }
0xb5: {  	_ =	strace $0x9000004B  }
0xb6: {  	_ =	sfence  }
0xb7: {  	s30 =	sld [smem:$0x0];
	_ =	sdelay $0x2  }
0xb8: {  	s31 =	sshll.u32 s1, $0xD;
	s1 =	sshrl.u32 s1, $0x2  }
0xb9: {  	s3 =	sand.u32 $0x4000, s31;
	s1 =	sadd.s32 s1, s30  }
0xba: {  	s0 =	sor.u32 s3, s0;
	s1 =	sshll.u32 s1, $0x11  }
0xbb: {  	s0 =	sor.u32 s1, s0  }
0xbc: {  	s0 =	sadd.s32 $0x8F2B, s0  }
0xbd: {  	[sflag:s0] =	ssyncadd.remote.s32 $0x1  }
0xbe: {  	_ =	sfence.sel $0xFFFF  }
0xbf: {  	[dreg:$0x0] =	wrdreg $0xFFFFFFFF;
	(pc) =	sbr.abs _section_cstart, $3  }
0xc0: {  	[dreg:$0x1] =	wrdreg $0xFFFFFFFF  }
0xc1: {  	_ =	task.clear_ibuf [dreg:s7], $0x2FFFF;
	_ =	strace $0x9FFFFFFF  }
0xc2: {  	(tm) =	ssettm $0x7FFFFFFF  }
0xc3: {  	_ =	shalt  }
tec
execute0_lowered:
.L_overlay_start_1:
0x0: {  	(tag) =	ssettag $0x1  }
0x1: {  	s0 =	rddreg [dreg:$0x0]  }
0x2: {  	s1 =	rddreg [dreg:$0x1];
	s2 =	simm.s32 $0x0;
	s3 =	srdreg.scid  }
0x3: {  	s5 =	stileid.u32;
	s12 =	simm.s32 $0x3;
	s14 =	simm.s32 $0x100  }
0x4: {  	s15 =	simm.s32 $0x180;
	s16 =	simm.s32 $0x200;
	s21 =	simm.s32 $0x13A00  }
0x5: {  	s22 =	simm.s32 $0x14200;
	s23 =	simm.s32 $0x14A00;
	s24 =	simm.s32 $0x15200  }
0x6: {  	s25 =	simm.s32 $0x15A00;
	s26 =	simm.s32 $0x16200;
	s28 =	simm.s32 $0x16A00  }
0x7: {  	s29 =	simm.s32 $0x17200;
	s30 =	simm.s32 $0x17A00;
	s31 =	simm.s32 $0x1  }
0x8: {  	[smem:$0x7FF] =	sst s2;
	s3 =	sand.u32 $0x1, s3;
	s5 =	sshll.u32 s5, $0x4  }
0x9: {  	s8 =	sadd.s32 $0x300, s0;
	s9 =	sadd.s32 $0x400, s0;
	s4 =	ssub.s32 $0x2, s3  }
0xa: {  	s3 =	sshll.u32 s3, $0x3;
	_ =	strace $0x8000004A;
	s6 =	sshrl.u32 s4, $0x1  }
0xb: {  	s7 =	sor.u32 s3, s5;
	s3 =	sadd.s32 $0x200, s0;
	s11 =	ssub.s32 s4, s6  }
0xc: {  	v2 =	vlaneseq.u32;
	s4 =	sadd.s32 s0, s7;
	s10 =	smul.u32 $0x300, s7;
	s0 =	simm.s32 $0x2  }
0xd: {  	vm0 =	vmmov $0xffff;
	v1 =	vshrl.u32 v2, $0x3;
	s5 =	sadd.s32 $0x100, s4;
	s6 =	sadd.s32 $0x60600, s4;
	s7 =	sadd.s32 $0x60800, s4  }
0xe: {  	v0 =	vand.u32 $0x7, v2;
	v2 =	vor.u32 $0x8, v2;
	v1 =	vmul.u32 $0x8, v1;
	s11 =	smax.u32 s11, $0x1;
	s10 =	sadd.s32 s1, s10;
	s1 =	simm.s32 $0x0  }
.LBB2_1:
0xf: {  	[tilespmem:s2], [sflag:$0x3] =	stream.linear.gather [hbm4b:s4+s2], $0x40, $0x38;
	[tilespmem:$0x18200] =	vst v63  }
0x10: {  	_ =	swait.ge [sflag:s12], $0x40  }
0x11: {  	[sflag:s12] =	ssyncset.done $0x0  }
0x12: {  	s13 =	simm.s32 $0x80;
	[sflag:s12] =	ssyncadd.s32 $0xFFFFFFC0  }
0x13: {  	[tilespmem:s13], [sflag:$0x3] =	stream.linear.gather [hbm4b:s5+s2], $0x40, $0x38;
	[tilespmem:$0x18200] =	vst v63  }
0x14: {  	_ =	swait.ge [sflag:s12], $0x40  }
0x15: {  	[sflag:s12] =	ssyncset.done $0x0  }
0x16: {  	[sflag:s12] =	ssyncadd.s32 $0xFFFFFFC0  }
0x17: {  	[tilespmem:s14], [sflag:$0x3] =	stream.linear.gather [hbm4b:s6+s2], $0x40, $0x38;
	[tilespmem:$0x18200] =	vst v63  }
0x18: {  	_ =	swait.ge [sflag:s12], $0x40  }
0x19: {  	[sflag:s12] =	ssyncset.done $0x0  }
0x1a: {  	[sflag:s12] =	ssyncadd.s32 $0xFFFFFFC0  }
0x1b: {  	[tilespmem:s15], [sflag:$0x3] =	stream.linear.gather [hbm4b:s7+s2], $0x40, $0x38;
	[tilespmem:$0x18200] =	vst v63  }
0x1c: {  	_ =	swait.ge [sflag:s12], $0x40  }
0x1d: {  	[sflag:s12] =	ssyncset.done $0x0  }
0x1e: {  	[sflag:s12] =	ssyncadd.s32 $0xFFFFFFC0  }
0x1f: {  	v3 =	vld [tilespmem:$0x0];
	_ =	sdelay $0x4  }
0x20: {  	v3 =	vand.u32 $0xFFF, v3  }
0x21: {  	[tilespmem:$0x0] =	vst v3  }
0x22: {  	v3 =	vld [tilespmem:$0x0];
	_ =	sdelay $0x2  }
0x23: {  	v4 =	vld [tilespmem:$0x80]  }
0x24: {  	v5 =	vld [tilespmem:$0x10]  }
0x25: {  	v6 =	vld [tilespmem:$0x90];
	v7 =	vshrl.u32 v3, $0x3  }
0x26: {  	v8 =	vld [tilespmem:$0x20];
	v7 =	vmul.u32 $0x30, v7  }
0x27: {  	v9 =	vld [tilespmem:$0xA0];
	v3 =	vand.u32 $0x7, v3  }
0x28: {  	v10 =	vld [tilespmem:$0x30];
	v4 =	vand.u32 $0xFFF, v4;
	v3 =	vor.u32 v3, v7  }
0x29: {  	[tilespmem:$0x80] =	vst v4;
	v4 =	vand.u32 $0xFFF, v5;
	v5 =	vld [tilespmem:$0xB0];
	v7 =	vperm.xlane v3, v0  }
0x2a: {  	[tilespmem:$0x10] =	vst v4;
	v4 =	vand.u32 $0xFFF, v6  }
0x2b: {  	[tilespmem:$0x90] =	vst v4;
	v4 =	vand.u32 $0xFFF, v8;
	v6 =	vadd.s32 v1, v7  }
0x2c: {  	[tilespmem:$0x20] =	vst v4;
	v4 =	vand.u32 $0xFFF, v9  }
0x2d: {  	[tilespmem:$0xA0] =	vst v4;
	v4 =	vand.u32 $0xFFF, v10  }
0x2e: {  	[tilespmem:$0x30] =	vst v4;
	v4 =	vand.u32 $0xFFF, v5  }
0x2f: {  	[tilespmem:$0xB0] =	vst v4;
	v3 =	vperm.xlane v3, v2  }
0x30: {  	[tilespmem:s16], [sflag:$0x1] =	stream.indirect_vreg.gather [hbm4b:s3+s2], $0x80, v6, vm0, $0xb8;
	[tilespmem:$0x18200] =	vst v63  }
0x31: {  	s18 =	simm.s32 $0xA00;
	v3 =	vadd.s32 v1, v3  }
0x32: {  	[tilespmem:s18], [sflag:$0x1] =	stream.indirect_vreg.gather [hbm4b:s8+s2], $0x80, v6, vm0, $0xb8;
	[tilespmem:$0x18200] =	vst v63  }
0x33: {  	s19 =	simm.s32 $0x1200  }
0x34: {  	[tilespmem:s19], [sflag:$0x1] =	stream.indirect_vreg.gather [hbm4b:s9+s2], $0x80, v6, vm0, $0xb8;
	[tilespmem:$0x18200] =	vst v63  }
0x35: {  	s20 =	simm.s32 $0x1A00  }
0x36: {  	[tilespmem:s20], [sflag:$0x1] =	stream.indirect_vreg.gather [hbm4b:s3+s2], $0x80, v3, vm0, $0xb8;
	[tilespmem:$0x18200] =	vst v63  }
0x37: {  	s17 =	simm.s32 $0x2200  }
0x38: {  	[tilespmem:s17], [sflag:$0x1] =	stream.indirect_vreg.gather [hbm4b:s8+s2], $0x80, v3, vm0, $0xb8;
	[tilespmem:$0x18200] =	vst v63  }
0x39: {  	s18 =	simm.s32 $0x2A00  }
0x3a: {  	[tilespmem:s18], [sflag:$0x1] =	stream.indirect_vreg.gather [hbm4b:s9+s2], $0x80, v3, vm0, $0xb8;
	[tilespmem:$0x18200] =	vst v63  }
0x3b: {  	v3 =	vld [tilespmem:$0x10];
	_ =	sdelay $0x4  }
0x3c: {  	v4 =	vshrl.u32 v3, $0x3  }
0x3d: {  	v4 =	vmul.u32 $0x30, v4  }
0x3e: {  	v3 =	vand.u32 $0x7, v3  }
0x3f: {  	v3 =	vor.u32 v3, v4  }
0x40: {  	v4 =	vperm.xlane v3, v0;
	_ =	sdelay $0x1  }
0x41: {  	v4 =	vadd.s32 v1, v4;
	_ =	sdelay $0x3  }
0x42: {  	s19 =	simm.s32 $0x3200;
	v3 =	vperm.xlane v3, v2  }
0x43: {  	[tilespmem:s19], [sflag:$0x1] =	stream.indirect_vreg.gather [hbm4b:s3+s2], $0x80, v4, vm0, $0xb8;
	[tilespmem:$0x18200] =	vst v63  }
0x44: {  	s20 =	simm.s32 $0x3A00;
	v3 =	vadd.s32 v1, v3  }
0x45: {  	[tilespmem:s20], [sflag:$0x1] =	stream.indirect_vreg.gather [hbm4b:s8+s2], $0x80, v4, vm0, $0xb8;
	[tilespmem:$0x18200] =	vst v63  }
0x46: {  	s17 =	simm.s32 $0x4200  }
0x47: {  	[tilespmem:s17], [sflag:$0x1] =	stream.indirect_vreg.gather [hbm4b:s9+s2], $0x80, v4, vm0, $0xb8;
	[tilespmem:$0x18200] =	vst v63  }
0x48: {  	s18 =	simm.s32 $0x4A00  }
0x49: {  	[tilespmem:s18], [sflag:$0x1] =	stream.indirect_vreg.gather [hbm4b:s3+s2], $0x80, v3, vm0, $0xb8;
	[tilespmem:$0x18200] =	vst v63  }
0x4a: {  	s19 =	simm.s32 $0x5200  }
0x4b: {  	[tilespmem:s19], [sflag:$0x1] =	stream.indirect_vreg.gather [hbm4b:s8+s2], $0x80, v3, vm0, $0xb8;
	[tilespmem:$0x18200] =	vst v63  }
0x4c: {  	s20 =	simm.s32 $0x5A00  }
0x4d: {  	[tilespmem:s20], [sflag:$0x1] =	stream.indirect_vreg.gather [hbm4b:s9+s2], $0x80, v3, vm0, $0xb8;
	[tilespmem:$0x18200] =	vst v63  }
0x4e: {  	v3 =	vld [tilespmem:$0x20];
	_ =	sdelay $0x4  }
0x4f: {  	v4 =	vshrl.u32 v3, $0x3  }
0x50: {  	v4 =	vmul.u32 $0x30, v4  }
0x51: {  	v3 =	vand.u32 $0x7, v3  }
0x52: {  	v3 =	vor.u32 v3, v4  }
0x53: {  	v4 =	vperm.xlane v3, v0;
	_ =	sdelay $0x1  }
0x54: {  	v4 =	vadd.s32 v1, v4;
	_ =	sdelay $0x3  }
0x55: {  	s17 =	simm.s32 $0x6200;
	v3 =	vperm.xlane v3, v2  }
0x56: {  	[tilespmem:s17], [sflag:$0x1] =	stream.indirect_vreg.gather [hbm4b:s3+s2], $0x80, v4, vm0, $0xb8;
	[tilespmem:$0x18200] =	vst v63  }
0x57: {  	s18 =	simm.s32 $0x6A00;
	v3 =	vadd.s32 v1, v3  }
0x58: {  	[tilespmem:s18], [sflag:$0x1] =	stream.indirect_vreg.gather [hbm4b:s8+s2], $0x80, v4, vm0, $0xb8;
	[tilespmem:$0x18200] =	vst v63  }
0x59: {  	s19 =	simm.s32 $0x7200  }
0x5a: {  	[tilespmem:s19], [sflag:$0x1] =	stream.indirect_vreg.gather [hbm4b:s9+s2], $0x80, v4, vm0, $0xb8;
	[tilespmem:$0x18200] =	vst v63  }
0x5b: {  	s20 =	simm.s32 $0x7A00  }
0x5c: {  	[tilespmem:s20], [sflag:$0x1] =	stream.indirect_vreg.gather [hbm4b:s3+s2], $0x80, v3, vm0, $0xb8;
	[tilespmem:$0x18200] =	vst v63  }
0x5d: {  	s17 =	simm.s32 $0x8200  }
0x5e: {  	[tilespmem:s17], [sflag:$0x1] =	stream.indirect_vreg.gather [hbm4b:s8+s2], $0x80, v3, vm0, $0xb8;
	[tilespmem:$0x18200] =	vst v63  }
0x5f: {  	s18 =	simm.s32 $0x8A00  }
0x60: {  	[tilespmem:s18], [sflag:$0x1] =	stream.indirect_vreg.gather [hbm4b:s9+s2], $0x80, v3, vm0, $0xb8;
	[tilespmem:$0x18200] =	vst v63  }
0x61: {  	v3 =	vld [tilespmem:$0x30];
	_ =	sdelay $0x4  }
0x62: {  	v4 =	vshrl.u32 v3, $0x3  }
0x63: {  	v4 =	vmul.u32 $0x30, v4  }
0x64: {  	v3 =	vand.u32 $0x7, v3  }
0x65: {  	v3 =	vor.u32 v3, v4  }
0x66: {  	v4 =	vperm.xlane v3, v0;
	_ =	sdelay $0x1  }
0x67: {  	v4 =	vadd.s32 v1, v4;
	_ =	sdelay $0x3  }
0x68: {  	s19 =	simm.s32 $0x9200;
	v3 =	vperm.xlane v3, v2  }
0x69: {  	[tilespmem:s19], [sflag:$0x1] =	stream.indirect_vreg.gather [hbm4b:s3+s2], $0x80, v4, vm0, $0xb8;
	[tilespmem:$0x18200] =	vst v63  }
0x6a: {  	s20 =	simm.s32 $0x9A00;
	v3 =	vadd.s32 v1, v3  }
0x6b: {  	[tilespmem:s20], [sflag:$0x1] =	stream.indirect_vreg.gather [hbm4b:s8+s2], $0x80, v4, vm0, $0xb8;
	[tilespmem:$0x18200] =	vst v63  }
0x6c: {  	s17 =	simm.s32 $0xA200  }
0x6d: {  	[tilespmem:s17], [sflag:$0x1] =	stream.indirect_vreg.gather [hbm4b:s9+s2], $0x80, v4, vm0, $0xb8;
	[tilespmem:$0x18200] =	vst v63  }
0x6e: {  	s18 =	simm.s32 $0xAA00  }
0x6f: {  	[tilespmem:s18], [sflag:$0x1] =	stream.indirect_vreg.gather [hbm4b:s3+s2], $0x80, v3, vm0, $0xb8;
	[tilespmem:$0x18200] =	vst v63  }
0x70: {  	s19 =	simm.s32 $0xB200  }
0x71: {  	[tilespmem:s19], [sflag:$0x1] =	stream.indirect_vreg.gather [hbm4b:s8+s2], $0x80, v3, vm0, $0xb8;
	[tilespmem:$0x18200] =	vst v63  }
0x72: {  	s20 =	simm.s32 $0xBA00  }
0x73: {  	[tilespmem:s20], [sflag:$0x1] =	stream.indirect_vreg.gather [hbm4b:s9+s2], $0x80, v3, vm0, $0xb8;
	[tilespmem:$0x18200] =	vst v63  }
0x74: {  	v3 =	vld [tilespmem:$0x80];
	_ =	sdelay $0x4  }
0x75: {  	v4 =	vshrl.u32 v3, $0x3  }
0x76: {  	v4 =	vmul.u32 $0x30, v4  }
0x77: {  	v3 =	vand.u32 $0x7, v3  }
0x78: {  	v3 =	vor.u32 v3, v4  }
0x79: {  	v4 =	vperm.xlane v3, v0;
	_ =	sdelay $0x1  }
0x7a: {  	v4 =	vadd.s32 v1, v4;
	_ =	sdelay $0x3  }
0x7b: {  	s17 =	simm.s32 $0xC200;
	v3 =	vperm.xlane v3, v2  }
0x7c: {  	[tilespmem:s17], [sflag:$0x2] =	stream.indirect_vreg.gather [hbm4b:s3+s2], $0x80, v4, vm0, $0xb8;
	[tilespmem:$0x18200] =	vst v63  }
0x7d: {  	s18 =	simm.s32 $0xCA00;
	v3 =	vadd.s32 v1, v3  }
0x7e: {  	[tilespmem:s18], [sflag:$0x2] =	stream.indirect_vreg.gather [hbm4b:s8+s2], $0x80, v4, vm0, $0xb8;
	[tilespmem:$0x18200] =	vst v63  }
0x7f: {  	s19 =	simm.s32 $0xD200  }
0x80: {  	[tilespmem:s19], [sflag:$0x2] =	stream.indirect_vreg.gather [hbm4b:s9+s2], $0x80, v4, vm0, $0xb8;
	[tilespmem:$0x18200] =	vst v63  }
0x81: {  	s20 =	simm.s32 $0xDA00  }
0x82: {  	[tilespmem:s20], [sflag:$0x2] =	stream.indirect_vreg.gather [hbm4b:s3+s2], $0x80, v3, vm0, $0xb8;
	[tilespmem:$0x18200] =	vst v63  }
0x83: {  	s17 =	simm.s32 $0xE200  }
0x84: {  	[tilespmem:s17], [sflag:$0x2] =	stream.indirect_vreg.gather [hbm4b:s8+s2], $0x80, v3, vm0, $0xb8;
	[tilespmem:$0x18200] =	vst v63  }
0x85: {  	s18 =	simm.s32 $0xEA00  }
0x86: {  	[tilespmem:s18], [sflag:$0x2] =	stream.indirect_vreg.gather [hbm4b:s9+s2], $0x80, v3, vm0, $0xb8;
	[tilespmem:$0x18200] =	vst v63  }
0x87: {  	v3 =	vld [tilespmem:$0x90];
	_ =	sdelay $0x4  }
0x88: {  	v4 =	vshrl.u32 v3, $0x3  }
0x89: {  	v4 =	vmul.u32 $0x30, v4  }
0x8a: {  	v3 =	vand.u32 $0x7, v3  }
0x8b: {  	v3 =	vor.u32 v3, v4  }
0x8c: {  	v4 =	vperm.xlane v3, v0;
	_ =	sdelay $0x1  }
0x8d: {  	v4 =	vadd.s32 v1, v4;
	_ =	sdelay $0x3  }
0x8e: {  	s19 =	simm.s32 $0xF200;
	v3 =	vperm.xlane v3, v2  }
0x8f: {  	[tilespmem:s19], [sflag:$0x2] =	stream.indirect_vreg.gather [hbm4b:s3+s2], $0x80, v4, vm0, $0xb8;
	[tilespmem:$0x18200] =	vst v63  }
0x90: {  	s20 =	simm.s32 $0xFA00;
	v3 =	vadd.s32 v1, v3  }
0x91: {  	[tilespmem:s20], [sflag:$0x2] =	stream.indirect_vreg.gather [hbm4b:s8+s2], $0x80, v4, vm0, $0xb8;
	[tilespmem:$0x18200] =	vst v63  }
0x92: {  	s17 =	simm.s32 $0x10200  }
0x93: {  	[tilespmem:s17], [sflag:$0x2] =	stream.indirect_vreg.gather [hbm4b:s9+s2], $0x80, v4, vm0, $0xb8;
	[tilespmem:$0x18200] =	vst v63  }
0x94: {  	s18 =	simm.s32 $0x10A00  }
0x95: {  	[tilespmem:s18], [sflag:$0x2] =	stream.indirect_vreg.gather [hbm4b:s3+s2], $0x80, v3, vm0, $0xb8;
	[tilespmem:$0x18200] =	vst v63  }
0x96: {  	s19 =	simm.s32 $0x11200  }
0x97: {  	[tilespmem:s19], [sflag:$0x2] =	stream.indirect_vreg.gather [hbm4b:s8+s2], $0x80, v3, vm0, $0xb8;
	[tilespmem:$0x18200] =	vst v63  }
0x98: {  	s20 =	simm.s32 $0x11A00  }
0x99: {  	[tilespmem:s20], [sflag:$0x2] =	stream.indirect_vreg.gather [hbm4b:s9+s2], $0x80, v3, vm0, $0xb8;
	[tilespmem:$0x18200] =	vst v63  }
0x9a: {  	v3 =	vld [tilespmem:$0xA0];
	_ =	sdelay $0x4  }
0x9b: {  	v4 =	vshrl.u32 v3, $0x3  }
0x9c: {  	v4 =	vmul.u32 $0x30, v4  }
0x9d: {  	v3 =	vand.u32 $0x7, v3  }
0x9e: {  	v3 =	vor.u32 v3, v4  }
0x9f: {  	v4 =	vperm.xlane v3, v0;
	_ =	sdelay $0x1  }
0xa0: {  	v4 =	vadd.s32 v1, v4;
	_ =	sdelay $0x3  }
0xa1: {  	s17 =	simm.s32 $0x12200;
	v3 =	vperm.xlane v3, v2  }
0xa2: {  	[tilespmem:s17], [sflag:$0x2] =	stream.indirect_vreg.gather [hbm4b:s3+s2], $0x80, v4, vm0, $0xb8;
	[tilespmem:$0x18200] =	vst v63  }
0xa3: {  	s18 =	simm.s32 $0x12A00;
	v3 =	vadd.s32 v1, v3  }
0xa4: {  	[tilespmem:s18], [sflag:$0x2] =	stream.indirect_vreg.gather [hbm4b:s8+s2], $0x80, v4, vm0, $0xb8;
	[tilespmem:$0x18200] =	vst v63  }
0xa5: {  	s19 =	simm.s32 $0x13200  }
0xa6: {  	[tilespmem:s19], [sflag:$0x2] =	stream.indirect_vreg.gather [hbm4b:s9+s2], $0x80, v4, vm0, $0xb8;
	[tilespmem:$0x18200] =	vst v63  }
0xa7: {  	_ = 	snop  }
0xa8: {  	[tilespmem:s21], [sflag:$0x2] =	stream.indirect_vreg.gather [hbm4b:s3+s2], $0x80, v3, vm0, $0xb8;
	[tilespmem:$0x18200] =	vst v63  }
0xa9: {  	_ = 	snop  }
0xaa: {  	[tilespmem:s22], [sflag:$0x2] =	stream.indirect_vreg.gather [hbm4b:s8+s2], $0x80, v3, vm0, $0xb8;
	[tilespmem:$0x18200] =	vst v63  }
0xab: {  	_ = 	snop  }
0xac: {  	[tilespmem:s23], [sflag:$0x2] =	stream.indirect_vreg.gather [hbm4b:s9+s2], $0x80, v3, vm0, $0xb8;
	[tilespmem:$0x18200] =	vst v63  }
0xad: {  	v3 =	vld [tilespmem:$0xB0];
	_ =	sdelay $0x4  }
0xae: {  	v4 =	vshrl.u32 v3, $0x3  }
0xaf: {  	v4 =	vmul.u32 $0x30, v4  }
0xb0: {  	v3 =	vand.u32 $0x7, v3  }
0xb1: {  	v3 =	vor.u32 v3, v4  }
0xb2: {  	v4 =	vperm.xlane v3, v0;
	_ =	sdelay $0x1  }
0xb3: {  	v4 =	vadd.s32 v1, v4;
	_ =	sdelay $0x3  }
0xb4: {  	v3 =	vperm.xlane v3, v2  }
0xb5: {  	[tilespmem:s24], [sflag:$0x2] =	stream.indirect_vreg.gather [hbm4b:s3+s2], $0x80, v4, vm0, $0xb8;
	[tilespmem:$0x18200] =	vst v63  }
0xb6: {  	v3 =	vadd.s32 v1, v3  }
0xb7: {  	[tilespmem:s25], [sflag:$0x2] =	stream.indirect_vreg.gather [hbm4b:s8+s2], $0x80, v4, vm0, $0xb8;
	[tilespmem:$0x18200] =	vst v63  }
0xb8: {  	_ = 	snop  }
0xb9: {  	[tilespmem:s26], [sflag:$0x2] =	stream.indirect_vreg.gather [hbm4b:s9+s2], $0x80, v4, vm0, $0xb8;
	[tilespmem:$0x18200] =	vst v63  }
0xba: {  	_ = 	snop  }
0xbb: {  	[tilespmem:s28], [sflag:$0x2] =	stream.indirect_vreg.gather [hbm4b:s3+s2], $0x80, v3, vm0, $0xb8;
	[tilespmem:$0x18200] =	vst v63  }
0xbc: {  	_ = 	snop  }
0xbd: {  	[tilespmem:s29], [sflag:$0x2] =	stream.indirect_vreg.gather [hbm4b:s8+s2], $0x80, v3, vm0, $0xb8;
	[tilespmem:$0x18200] =	vst v63  }
0xbe: {  	_ = 	snop  }
0xbf: {  	[tilespmem:s30], [sflag:$0x2] =	stream.indirect_vreg.gather [hbm4b:s9+s2], $0x80, v3, vm0, $0xb8;
	[tilespmem:$0x18200] =	vst v63  }
0xc0: {  	_ =	swait.ge [sflag:s31], $0xC000  }
0xc1: {  	[sflag:s31] =	ssyncset.done $0x0  }
0xc2: {  	s20 =	simm.s32 $0x0;
	[sflag:s31] =	ssyncadd.s32 $0xFFFF4000  }
0xc3: {  	s13 =	smul.u32 $0x1800, s20;
	_ =	swait.ge [sflag:s0], $0xC000  }
0xc4: {  	s17 =	sand.u32 $0x380, s2;
	[sflag:s0] =	ssyncset.done $0x0  }
0xc5: {  	s13 =	sor.u32 s17, s13;
	[sflag:s0] =	ssyncadd.s32 $0xFFFF4000  }
0xc6: {  	v4 =	vld [tilespmem:s13+$0x210]  }
0xc7: {  	v3 =	vld [tilespmem:s13+$0xC210]  }
0xc8: {  	v6 =	vld [tilespmem:s13+$0x220]  }
0xc9: {  	v5 =	vld [tilespmem:s13+$0xC220]  }
0xca: {  	v8 =	vld [tilespmem:s13+$0x230]  }
0xcb: {  	v7 =	vld [tilespmem:s13+$0xC230]  }
0xcc: {  	v10 =	vld [tilespmem:s13+$0x240]  }
0xcd: {  	v9 =	vld [tilespmem:s13+$0xC240]  }
0xce: {  	v12 =	vld [tilespmem:s13+$0x250]  }
0xcf: {  	v11 =	vld [tilespmem:s13+$0xC250]  }
0xd0: {  	v13 =	vld [tilespmem:s13+$0x260]  }
0xd1: {  	v14 =	vld [tilespmem:s13+$0x270]  }
0xd2: {  	v15 =	vld [tilespmem:s13+$0x600]  }
0xd3: {  	v16 =	vld [tilespmem:s13+$0x610]  }
0xd4: {  	v17 =	vld [tilespmem:s13+$0x620]  }
0xd5: {  	v18 =	vld [tilespmem:s13+$0x630]  }
0xd6: {  	v19 =	vld [tilespmem:s13+$0x640]  }
0xd7: {  	v20 =	vld [tilespmem:s13+$0x650]  }
0xd8: {  	v21 =	vld [tilespmem:s13+$0x660]  }
0xd9: {  	v22 =	vld [tilespmem:s13+$0x670]  }
0xda: {  	v23 =	vld [tilespmem:s13+$0xA00]  }
0xdb: {  	v24 =	vld [tilespmem:s13+$0xA10]  }
0xdc: {  	v25 =	vld [tilespmem:s13+$0xA20]  }
0xdd: {  	v26 =	vld [tilespmem:s13+$0xA30]  }
0xde: {  	v27 =	vld [tilespmem:s13+$0xA40]  }
0xdf: {  	v28 =	vld [tilespmem:s13+$0xA50]  }
0xe0: {  	v29 =	vld [tilespmem:s13+$0xA60]  }
0xe1: {  	v30 =	vld [tilespmem:s13+$0xA70]  }
0xe2: {  	v32 =	vld [tilespmem:s13+$0xE00]  }
0xe3: {  	v34 =	vld [tilespmem:s13+$0xE10]  }
0xe4: {  	v35 =	vld [tilespmem:s13+$0xE20]  }
0xe5: {  	v36 =	vld [tilespmem:s13+$0xE30]  }
0xe6: {  	v37 =	vld [tilespmem:s13+$0xE40]  }
0xe7: {  	v38 =	vld [tilespmem:s13+$0xE50]  }
0xe8: {  	v39 =	vld [tilespmem:s13+$0xE60]  }
0xe9: {  	v40 =	vld [tilespmem:s13+$0xE70]  }
0xea: {  	v41 =	vld [tilespmem:s13+$0x1200]  }
0xeb: {  	v42 =	vld [tilespmem:s13+$0x1210]  }
0xec: {  	v43 =	vld [tilespmem:s13+$0x1220]  }
0xed: {  	v44 =	vld [tilespmem:s13+$0x1230]  }
0xee: {  	v45 =	vld [tilespmem:s13+$0x1240]  }
0xef: {  	v46 =	vld [tilespmem:s13+$0x1250]  }
0xf0: {  	v47 =	vld [tilespmem:s13+$0x1260]  }
0xf1: {  	v50 =	vmov s2;
	v48 =	vld [tilespmem:s13+$0x1600]  }
0xf2: {  	s17 =	simm.s32 $0x1;
	s18 =	simm.s32 $0x0;
	v49 =	vld [tilespmem:s13+$0x1610]  }
.LBB2_2:
0xf3: {  	p0 =	sne.s32 s17, $0x3F;
	v51 =	vld [tilespmem:s13+$0xD610]  }
0xf4: {  	v52 =	vld [tilespmem:s13+$0xD630]  }
0xf5: {  	v53 =	vld [tilespmem:s13+$0x1620]  }
0xf6: {  	v33 =	vld.idx.msk [tilespmem:v50+s14+$0x0], $0xffff  }
0xf7: {  	v31 =	vld.idx.msk [tilespmem:v50+s15+$0x0], $0xffff  }
0xf8: {  	v50 =	vld [tilespmem:s13+$0x1630]  }
0xf9: {  	v54 =	vld [tilespmem:s13+$0xD620]  }
0xfa: {  	v55 =	vld [tilespmem:s13+$0xD600]  }
0xfb: {  	v56 =	vld [tilespmem:s13+$0x1270]  }
0xfc: {  	v49 =	vmul.f32 v49, v33;
	v53 =	vmul.f32 v53, v33;
	v57 =	vld [tilespmem:s13+$0xD270]  }
0xfd: {  	v52 =	vmul.f32 v52, v31;
	v58 =	vld [tilespmem:s13+$0xD260];
	v50 =	vmul.f32 v50, v33  }
0xfe: {  	v51 =	vmul.f32 v51, v31;
	v59 =	vld [tilespmem:s13+$0xD250];
	v54 =	vmul.f32 v54, v31  }
0xff: {  	v48 =	vmul.f32 v48, v33;
	v60 =	vld [tilespmem:s13+$0xD240];
	v55 =	vmul.f32 v55, v31;
	v50 =	vadd.f32 v52, v50  }
0x100: {  	v49 =	vadd.f32 v51, v49;
	v52 =	vld [tilespmem:s13+$0xD230];
	v56 =	vmul.f32 v56, v33;
	v51 =	vadd.f32 v54, v53  }
0x101: {  	v47 =	vmul.f32 v47, v33;
	v53 =	vld [tilespmem:s13+$0xD220];
	v54 =	vmul.f32 v57, v31;
	v48 =	vadd.f32 v55, v48;
	[tilespmem:s13+$0x1630] =	vst v50  }
0x102: {  	v46 =	vmul.f32 v46, v33;
	v50 =	vld [tilespmem:s13+$0xD210];
	v55 =	vmul.f32 v58, v31;
	[tilespmem:s13+$0x1620] =	vst v51  }
0x103: {  	v45 =	vmul.f32 v45, v33;
	v51 =	vld [tilespmem:s13+$0xD200];
	v57 =	vmul.f32 v59, v31;
	v54 =	vadd.f32 v54, v56;
	[tilespmem:s13+$0x1610] =	vst v49  }
0x104: {  	v44 =	vmul.f32 v44, v33;
	v49 =	vld [tilespmem:s13+$0xCE70];
	v56 =	vmul.f32 v60, v31;
	v47 =	vadd.f32 v55, v47;
	[tilespmem:s13+$0x1600] =	vst v48  }
0x105: {  	v43 =	vmul.f32 v43, v33;
	v48 =	vld [tilespmem:s13+$0xCE60];
	v52 =	vmul.f32 v52, v31;
	v46 =	vadd.f32 v57, v46;
	[tilespmem:s13+$0x1270] =	vst v54  }
0x106: {  	v42 =	vmul.f32 v42, v33;
	v54 =	vld [tilespmem:s13+$0xCE50];
	v53 =	vmul.f32 v53, v31;
	v45 =	vadd.f32 v56, v45;
	[tilespmem:s13+$0x1260] =	vst v47  }
0x107: {  	v41 =	vmul.f32 v41, v33;
	v47 =	vld [tilespmem:s13+$0xCE40];
	v50 =	vmul.f32 v50, v31;
	v44 =	vadd.f32 v52, v44;
	[tilespmem:s13+$0x1250] =	vst v46  }
0x108: {  	v40 =	vmul.f32 v40, v33;
	v46 =	vld [tilespmem:s13+$0xCE30];
	v51 =	vmul.f32 v51, v31;
	v43 =	vadd.f32 v53, v43;
	[tilespmem:s13+$0x1240] =	vst v45  }
0x109: {  	v39 =	vmul.f32 v39, v33;
	v45 =	vld [tilespmem:s13+$0xCE20];
	v49 =	vmul.f32 v49, v31;
	v42 =	vadd.f32 v50, v42;
	[tilespmem:s13+$0x1230] =	vst v44  }
0x10a: {  	v38 =	vmul.f32 v38, v33;
	v44 =	vld [tilespmem:s13+$0xCE10];
	v48 =	vmul.f32 v48, v31;
	v41 =	vadd.f32 v51, v41;
	[tilespmem:s13+$0x1220] =	vst v43  }
0x10b: {  	v37 =	vmul.f32 v37, v33;
	v43 =	vld [tilespmem:s13+$0xCE00];
	v50 =	vmul.f32 v54, v31;
	v40 =	vadd.f32 v49, v40;
	[tilespmem:s13+$0x1210] =	vst v42  }
0x10c: {  	v36 =	vmul.f32 v36, v33;
	v42 =	vld [tilespmem:s13+$0xCA70];
	v47 =	vmul.f32 v47, v31;
	v39 =	vadd.f32 v48, v39;
	[tilespmem:s13+$0x1200] =	vst v41  }
0x10d: {  	v35 =	vmul.f32 v35, v33;
	v41 =	vld [tilespmem:s13+$0xCA60];
	v46 =	vmul.f32 v46, v31;
	v38 =	vadd.f32 v50, v38;
	[tilespmem:s13+$0xE70] =	vst v40  }
0x10e: {  	v34 =	vmul.f32 v34, v33;
	v40 =	vld [tilespmem:s13+$0xCA50];
	v45 =	vmul.f32 v45, v31;
	v37 =	vadd.f32 v47, v37;
	[tilespmem:s13+$0xE60] =	vst v39  }
0x10f: {  	v32 =	vmul.f32 v32, v33;
	v39 =	vld [tilespmem:s13+$0xCA40];
	v44 =	vmul.f32 v44, v31;
	v36 =	vadd.f32 v46, v36;
	[tilespmem:s13+$0xE50] =	vst v38  }
0x110: {  	v30 =	vmul.f32 v30, v33;
	v38 =	vld [tilespmem:s13+$0xCA30];
	v43 =	vmul.f32 v43, v31;
	v35 =	vadd.f32 v45, v35;
	[tilespmem:s13+$0xE40] =	vst v37  }
0x111: {  	v29 =	vmul.f32 v29, v33;
	v37 =	vld [tilespmem:s13+$0xCA20];
	v42 =	vmul.f32 v42, v31;
	v34 =	vadd.f32 v44, v34;
	[tilespmem:s13+$0xE30] =	vst v36  }
0x112: {  	v28 =	vmul.f32 v28, v33;
	v36 =	vld [tilespmem:s13+$0xCA10];
	v41 =	vmul.f32 v41, v31;
	v32 =	vadd.f32 v43, v32;
	[tilespmem:s13+$0xE20] =	vst v35  }
0x113: {  	v27 =	vmul.f32 v27, v33;
	v35 =	vld [tilespmem:s13+$0xCA00];
	v40 =	vmul.f32 v40, v31;
	v30 =	vadd.f32 v42, v30;
	[tilespmem:s13+$0xE10] =	vst v34  }
0x114: {  	v26 =	vmul.f32 v26, v33;
	v34 =	vld [tilespmem:s13+$0xC670];
	v39 =	vmul.f32 v39, v31;
	v29 =	vadd.f32 v41, v29;
	[tilespmem:s13+$0xE00] =	vst v32  }
0x115: {  	v25 =	vmul.f32 v25, v33;
	v32 =	vld [tilespmem:s13+$0xC660];
	v38 =	vmul.f32 v38, v31;
	v28 =	vadd.f32 v40, v28;
	[tilespmem:s13+$0xA70] =	vst v30  }
0x116: {  	v24 =	vmul.f32 v24, v33;
	v30 =	vld [tilespmem:s13+$0xC650];
	v37 =	vmul.f32 v37, v31;
	v27 =	vadd.f32 v39, v27;
	[tilespmem:s13+$0xA60] =	vst v29  }
0x117: {  	v23 =	vmul.f32 v23, v33;
	v29 =	vld [tilespmem:s13+$0xC640];
	v36 =	vmul.f32 v36, v31;
	v26 =	vadd.f32 v38, v26;
	[tilespmem:s13+$0xA50] =	vst v28  }
0x118: {  	v22 =	vmul.f32 v22, v33;
	v28 =	vld [tilespmem:s13+$0xC630];
	v35 =	vmul.f32 v35, v31;
	v25 =	vadd.f32 v37, v25;
	[tilespmem:s13+$0xA40] =	vst v27  }
0x119: {  	v21 =	vmul.f32 v21, v33;
	v27 =	vld [tilespmem:s13+$0xC620];
	v34 =	vmul.f32 v34, v31;
	v24 =	vadd.f32 v36, v24;
	[tilespmem:s13+$0xA30] =	vst v26  }
0x11a: {  	v20 =	vmul.f32 v20, v33;
	v26 =	vld [tilespmem:s13+$0xC610];
	v32 =	vmul.f32 v32, v31;
	v23 =	vadd.f32 v35, v23;
	[tilespmem:s13+$0xA20] =	vst v25  }
0x11b: {  	v19 =	vmul.f32 v19, v33;
	v25 =	vld [tilespmem:s13+$0xC600];
	v30 =	vmul.f32 v30, v31;
	v22 =	vadd.f32 v34, v22;
	[tilespmem:s13+$0xA10] =	vst v24  }
0x11c: {  	v18 =	vmul.f32 v18, v33;
	v24 =	vld [tilespmem:s13+$0xC270];
	v29 =	vmul.f32 v29, v31;
	v21 =	vadd.f32 v32, v21;
	[tilespmem:s13+$0xA00] =	vst v23  }
0x11d: {  	v17 =	vmul.f32 v17, v33;
	v23 =	vld [tilespmem:s13+$0xC260];
	v28 =	vmul.f32 v28, v31;
	v20 =	vadd.f32 v30, v20;
	[tilespmem:s13+$0x670] =	vst v22  }
0x11e: {  	v16 =	vmul.f32 v16, v33;
	v22 =	vmul.f32 v27, v31;
	v19 =	vadd.f32 v29, v19;
	[tilespmem:s13+$0x660] =	vst v21;
	v21 =	vld [tilespmem:s13+$0xD640]  }
0x11f: {  	v15 =	vmul.f32 v15, v33;
	v26 =	vmul.f32 v26, v31;
	v18 =	vadd.f32 v28, v18;
	[tilespmem:s13+$0x650] =	vst v20;
	v20 =	vld [tilespmem:s13+$0xD650]  }
0x120: {  	v14 =	vmul.f32 v14, v33;
	v25 =	vmul.f32 v25, v31;
	v17 =	vadd.f32 v22, v17;
	[tilespmem:s13+$0x640] =	vst v19;
	v19 =	vld [tilespmem:s13+$0xD660]  }
0x121: {  	v13 =	vmul.f32 v13, v33;
	v22 =	vmul.f32 v24, v31;
	v16 =	vadd.f32 v26, v16;
	[tilespmem:s13+$0x630] =	vst v18;
	v18 =	vld [tilespmem:s13+$0xD670]  }
0x122: {  	v12 =	vmul.f32 v12, v33;
	v23 =	vmul.f32 v23, v31;
	v15 =	vadd.f32 v25, v15;
	[tilespmem:s13+$0x620] =	vst v17;
	v17 =	vld [tilespmem:s13+$0x1640]  }
0x123: {  	v10 =	vmul.f32 v10, v33;
	v11 =	vmul.f32 v11, v31;
	v14 =	vadd.f32 v22, v14;
	[tilespmem:s13+$0x610] =	vst v16;
	v16 =	vld [tilespmem:s13+$0x1650]  }
0x124: {  	v8 =	vmul.f32 v8, v33;
	v9 =	vmul.f32 v9, v31;
	v13 =	vadd.f32 v23, v13;
	[tilespmem:s13+$0x600] =	vst v15;
	v15 =	vld [tilespmem:s13+$0x1660]  }
0x125: {  	v6 =	vmul.f32 v6, v33;
	v7 =	vmul.f32 v7, v31;
	v11 =	vadd.f32 v11, v12;
	[tilespmem:s13+$0x270] =	vst v14;
	v12 =	vld [tilespmem:s13+$0x1670]  }
0x126: {  	v4 =	vmul.f32 v4, v33;
	v5 =	vmul.f32 v5, v31;
	v9 =	vadd.f32 v9, v10;
	v14 =	vld [tilespmem:s13+$0x200];
	[tilespmem:s13+$0x260] =	vst v13  }
0x127: {  	v3 =	vmul.f32 v3, v31;
	v7 =	vadd.f32 v7, v8;
	v10 =	vld [tilespmem:s13+$0xC200];
	[tilespmem:s13+$0x250] =	vst v11;
	v8 =	vmul.f32 v17, v33  }
0x128: {  	s19 =	sshrl.u32 s17, $0x3;
	v5 =	vadd.f32 v5, v6;
	v6 =	vmul.f32 v21, v31;
	[tilespmem:s13+$0x240] =	vst v9;
	v9 =	vmul.f32 v16, v33  }
0x129: {  	s18 =	sadd.s32 $0x80, s18;
	s19 =	smul.u32 $0x1800, s19;
	v3 =	vadd.f32 v3, v4;
	v4 =	vmul.f32 v20, v31;
	[tilespmem:s13+$0x230] =	vst v7;
	v7 =	vmul.f32 v15, v33  }
0x12a: {  	s20 =	sand.u32 $0x380, s18;
	[tilespmem:s13+$0x220] =	vst v5;
	v5 =	vadd.f32 v6, v8;
	v6 =	vmul.f32 v19, v31;
	v8 =	vmul.f32 v12, v33  }
0x12b: {  	s19 =	sor.u32 s20, s19;
	v9 =	vadd.f32 v4, v9;
	v12 =	vmul.f32 v18, v31;
	v11 =	vmul.f32 v14, v33;
	[tilespmem:s13+$0x210] =	vst v3  }
0x12c: {  	v4 =	vld [tilespmem:s19+$0x210];
	v10 =	vmul.f32 v10, v31;
	[tilespmem:s13+$0x1640] =	vst v5;
	v5 =	vadd.f32 v6, v7  }
0x12d: {  	v7 =	vadd.f32 v12, v8;
	v3 =	vld [tilespmem:s19+$0xC210];
	[tilespmem:s13+$0x1650] =	vst v9  }
0x12e: {  	v6 =	vld [tilespmem:s19+$0x220];
	v9 =	vadd.f32 v10, v11;
	[tilespmem:s13+$0x1660] =	vst v5  }
0x12f: {  	v5 =	vld [tilespmem:s19+$0xC220];
	[tilespmem:s13+$0x1670] =	vst v7  }
0x130: {  	v8 =	vld [tilespmem:s19+$0x230];
	[tilespmem:s13+$0x200] =	vst v9;
	s13 =	smov.u32 s19  }
0x131: {  	v7 =	vld [tilespmem:s13+$0xC230]  }
0x132: {  	v10 =	vld [tilespmem:s13+$0x240]  }
0x133: {  	v9 =	vld [tilespmem:s13+$0xC240]  }
0x134: {  	v12 =	vld [tilespmem:s13+$0x250]  }
0x135: {  	v11 =	vld [tilespmem:s13+$0xC250]  }
0x136: {  	v13 =	vld [tilespmem:s13+$0x260]  }
0x137: {  	v14 =	vld [tilespmem:s13+$0x270]  }
0x138: {  	v15 =	vld [tilespmem:s13+$0x600]  }
0x139: {  	v16 =	vld [tilespmem:s13+$0x610]  }
0x13a: {  	v17 =	vld [tilespmem:s13+$0x620]  }
0x13b: {  	v18 =	vld [tilespmem:s13+$0x630]  }
0x13c: {  	v19 =	vld [tilespmem:s13+$0x640]  }
0x13d: {  	v20 =	vld [tilespmem:s13+$0x650]  }
0x13e: {  	v21 =	vld [tilespmem:s13+$0x660]  }
0x13f: {  	v22 =	vld [tilespmem:s13+$0x670]  }
0x140: {  	v23 =	vld [tilespmem:s13+$0xA00]  }
0x141: {  	v24 =	vld [tilespmem:s13+$0xA10]  }
0x142: {  	v25 =	vld [tilespmem:s13+$0xA20]  }
0x143: {  	v26 =	vld [tilespmem:s13+$0xA30]  }
0x144: {  	v27 =	vld [tilespmem:s13+$0xA40]  }
0x145: {  	v28 =	vld [tilespmem:s13+$0xA50]  }
0x146: {  	v29 =	vld [tilespmem:s13+$0xA60]  }
0x147: {  	v30 =	vld [tilespmem:s13+$0xA70]  }
0x148: {  	v32 =	vld [tilespmem:s13+$0xE00]  }
0x149: {  	v34 =	vld [tilespmem:s13+$0xE10]  }
0x14a: {  	v35 =	vld [tilespmem:s13+$0xE20]  }
0x14b: {  	v36 =	vld [tilespmem:s13+$0xE30]  }
0x14c: {  	v37 =	vld [tilespmem:s13+$0xE40]  }
0x14d: {  	v38 =	vld [tilespmem:s13+$0xE50]  }
0x14e: {  	v39 =	vld [tilespmem:s13+$0xE60]  }
0x14f: {  	v40 =	vld [tilespmem:s13+$0xE70]  }
0x150: {  	v41 =	vld [tilespmem:s13+$0x1200]  }
0x151: {  	v42 =	vld [tilespmem:s13+$0x1210]  }
0x152: {  	v43 =	vld [tilespmem:s13+$0x1220]  }
0x153: {  	v44 =	vld [tilespmem:s13+$0x1230]  }
.Ltmp0:
0x154: {  	v45 =	vld [tilespmem:s13+$0x1240];
	(pc) =	sbr.rel @p0 .LBB2_2-.Ltmp0, $4  }
0x155: {  	v46 =	vld [tilespmem:s13+$0x1250]  }
0x156: {  	v47 =	vld [tilespmem:s13+$0x1260]  }
0x157: {  	v50 =	vmov s17;
	v48 =	vld [tilespmem:s13+$0x1600]  }
0x158: {  	s17 =	sadd.s32 $0x1, s17;
	v49 =	vld [tilespmem:s13+$0x1610]  }
0x159: {  	_ =	sdelay $0x1  }
0x15a: {  	v52 =	vld [tilespmem:s13+$0xD630]  }
0x15b: {  	v53 =	vld [tilespmem:s13+$0x1620]  }
0x15c: {  	v31 =	vld.idx.msk [tilespmem:v50+s14+$0x0], $0xffff  }
0x15d: {  	v33 =	vld.idx.msk [tilespmem:v50+s15+$0x0], $0xffff  }
0x15e: {  	v61 =	vld [tilespmem:s13+$0x1630]  }
0x15f: {  	v54 =	vld [tilespmem:s13+$0xD620]  }
0x160: {  	v51 =	vld [tilespmem:s13+$0xD610]  }
0x161: {  	v55 =	vld [tilespmem:s13+$0xD600]  }
0x162: {  	v56 =	vld [tilespmem:s13+$0x1270]  }
0x163: {  	v58 =	vld [tilespmem:s13+$0xD260];
	v50 =	vmul.f32 v61, v31;
	v52 =	vmul.f32 v52, v33  }
0x164: {  	v57 =	vld [tilespmem:s13+$0xD270];
	v53 =	vmul.f32 v53, v31;
	v54 =	vmul.f32 v54, v33  }
0x165: {  	v59 =	vld [tilespmem:s13+$0xD250];
	v49 =	vmul.f32 v49, v31;
	v51 =	vmul.f32 v51, v33  }
0x166: {  	v60 =	vld [tilespmem:s13+$0xD240];
	v48 =	vmul.f32 v48, v31;
	v62 =	vmul.f32 v55, v33;
	v50 =	vadd.f32 v52, v50  }
0x167: {  	v61 =	vld [tilespmem:s13+$0xD220];
	v63 =	vmul.f32 v56, v31;
	v47 =	vmul.f32 v47, v31;
	v53 =	vadd.f32 v54, v53  }
0x168: {  	v58 =	vmul.f32 v58, v33;
	v55 =	vld [tilespmem:s13+$0xC660];
	v12 =	vmul.f32 v12, v31;
	v49 =	vadd.f32 v51, v49;
	[tilespmem:s13+$0x1630] =	vst v50  }
0x169: {  	v56 =	vld [tilespmem:s13+$0xC650];
	v11 =	vmul.f32 v11, v33;
	v10 =	vmul.f32 v10, v31;
	v48 =	vadd.f32 v62, v48;
	[tilespmem:s13+$0x1620] =	vst v53  }
0x16a: {  	v9 =	vmul.f32 v9, v33;
	v8 =	vmul.f32 v8, v31;
	v52 =	vld [tilespmem:s13+$0xD230];
	v47 =	vadd.f32 v58, v47;
	[tilespmem:s13+$0x1610] =	vst v49  }
0x16b: {  	v7 =	vmul.f32 v7, v33;
	v6 =	vmul.f32 v6, v31;
	v51 =	vld [tilespmem:s13+$0xD200];
	v11 =	vadd.f32 v11, v12;
	[tilespmem:s13+$0x1600] =	vst v48  }
0x16c: {  	v5 =	vmul.f32 v5, v33;
	v4 =	vmul.f32 v4, v31;
	v58 =	vld [tilespmem:s13+$0xCE20];
	v9 =	vadd.f32 v9, v10;
	[tilespmem:s13+$0x1260] =	vst v47  }
0x16d: {  	v3 =	vmul.f32 v3, v33;
	v62 =	vmul.f32 v59, v33;
	v59 =	vld [tilespmem:s13+$0xCE10];
	v7 =	vadd.f32 v7, v8;
	[tilespmem:s13+$0x250] =	vst v11  }
0x16e: {  	v57 =	vmul.f32 v57, v33;
	v54 =	vld [tilespmem:s13+$0xC670];
	v5 =	vadd.f32 v5, v6;
	[tilespmem:s13+$0x240] =	vst v9  }
0x16f: {  	v46 =	vmul.f32 v46, v31;
	v3 =	vadd.f32 v3, v4;
	v50 =	vld [tilespmem:s13+$0xD210];
	[tilespmem:s13+$0x230] =	vst v7  }
0x170: {  	v45 =	vmul.f32 v45, v31;
	v49 =	vld [tilespmem:s13+$0xCE70];
	v53 =	vadd.f32 v57, v63;
	v63 =	vmul.f32 v60, v33;
	[tilespmem:s13+$0x220] =	vst v5  }
0x171: {  	v43 =	vmul.f32 v43, v31;
	v48 =	vld [tilespmem:s13+$0xCE60];
	v46 =	vadd.f32 v62, v46;
	[tilespmem:s13+$0x210] =	vst v3;
	v57 =	vmul.f32 v61, v33  }
0x172: {  	v44 =	vmul.f32 v44, v31;
	v47 =	vld [tilespmem:s13+$0xCE40];
	[tilespmem:s13+$0x1270] =	vst v53;
	v45 =	vadd.f32 v63, v45;
	v52 =	vmul.f32 v52, v33  }
0x173: {  	v41 =	vmul.f32 v41, v31;
	v60 =	vld [tilespmem:s13+$0xCE00];
	[tilespmem:s13+$0x1250] =	vst v46;
	v43 =	vadd.f32 v57, v43;
	v51 =	vmul.f32 v51, v33  }
0x174: {  	v35 =	vmul.f32 v35, v31;
	v62 =	vld [tilespmem:s13+$0xCA60];
	[tilespmem:s13+$0x1240] =	vst v45;
	v45 =	vmul.f32 v58, v33;
	v44 =	vadd.f32 v52, v44  }
0x175: {  	v42 =	vmul.f32 v42, v31;
	v53 =	vld [tilespmem:s13+$0xCE50];
	v50 =	vmul.f32 v50, v33;
	[tilespmem:s13+$0x1220] =	vst v43;
	v41 =	vadd.f32 v51, v41  }
0x176: {  	v40 =	vmul.f32 v40, v31;
	v46 =	vld [tilespmem:s13+$0xCE30];
	v49 =	vmul.f32 v49, v33;
	v35 =	vadd.f32 v45, v35;
	[tilespmem:s13+$0x1230] =	vst v44  }
0x177: {  	v39 =	vmul.f32 v39, v31;
	v61 =	vld [tilespmem:s13+$0xCA70];
	v48 =	vmul.f32 v48, v33;
	v42 =	vadd.f32 v50, v42;
	[tilespmem:s13+$0x1200] =	vst v41  }
0x178: {  	v37 =	vmul.f32 v37, v31;
	v57 =	vld [tilespmem:s13+$0xC640];
	v47 =	vmul.f32 v47, v33;
	v40 =	vadd.f32 v49, v40;
	[tilespmem:s13+$0xE20] =	vst v35  }
0x179: {  	v32 =	vmul.f32 v32, v31;
	v58 =	vld [tilespmem:s13+$0xC630];
	v43 =	vmul.f32 v60, v33;
	v39 =	vadd.f32 v48, v39;
	[tilespmem:s13+$0x1210] =	vst v42  }
0x17a: {  	v38 =	vmul.f32 v38, v31;
	v51 =	vld [tilespmem:s13+$0xCA20];
	v63 =	vmul.f32 v53, v33;
	v37 =	vadd.f32 v47, v37;
	[tilespmem:s13+$0xE70] =	vst v40  }
0x17b: {  	v36 =	vmul.f32 v36, v31;
	v52 =	vld [tilespmem:s13+$0xCA10];
	v46 =	vmul.f32 v46, v33;
	v32 =	vadd.f32 v43, v32;
	[tilespmem:s13+$0xE60] =	vst v39  }
0x17c: {  	v34 =	vmul.f32 v34, v31;
	v60 =	vld [tilespmem:s13+$0xC610];
	v44 =	vmul.f32 v59, v33;
	v38 =	vadd.f32 v63, v38;
	[tilespmem:s13+$0xE40] =	vst v37  }
0x17d: {  	v29 =	vmul.f32 v29, v31;
	v45 =	vld [tilespmem:s13+$0x1640];
	v41 =	vmul.f32 v62, v33;
	v36 =	vadd.f32 v46, v36;
	[tilespmem:s13+$0xE00] =	vst v32  }
0x17e: {  	v21 =	vmul.f32 v21, v31;
	v48 =	vld [tilespmem:s13+$0xCA50];
	v62 =	vmul.f32 v55, v33;
	v34 =	vadd.f32 v44, v34;
	[tilespmem:s13+$0xE50] =	vst v38  }
0x17f: {  	v30 =	vmul.f32 v30, v31;
	v49 =	vld [tilespmem:s13+$0xCA40];
	v42 =	vmul.f32 v61, v33;
	v29 =	vadd.f32 v41, v29;
	[tilespmem:s13+$0xE30] =	vst v36  }
0x180: {  	v25 =	vmul.f32 v25, v31;
	v50 =	vld [tilespmem:s13+$0xCA30];
	v21 =	vadd.f32 v62, v21;
	v37 =	vmul.f32 v51, v33;
	[tilespmem:s13+$0xE10] =	vst v34  }
0x181: {  	v16 =	vmul.f32 v16, v31;
	v53 =	vld [tilespmem:s13+$0xCA00];
	v41 =	vmul.f32 v60, v33;
	v30 =	vadd.f32 v42, v30;
	[tilespmem:s13+$0xA60] =	vst v29  }
0x182: {  	v24 =	vmul.f32 v24, v31;
	v59 =	vld [tilespmem:s13+$0xC620];
	v36 =	vmul.f32 v52, v33;
	[tilespmem:s13+$0x660] =	vst v21;
	v25 =	vadd.f32 v37, v25  }
0x183: {  	v22 =	vmul.f32 v22, v31;
	v43 =	vld [tilespmem:s13+$0xD670];
	v34 =	vmul.f32 v54, v33;
	v16 =	vadd.f32 v41, v16;
	[tilespmem:s13+$0xA70] =	vst v30  }
0x184: {  	v28 =	vmul.f32 v28, v31;
	v61 =	vld [tilespmem:s13+$0xC600];
	v40 =	vmul.f32 v48, v33;
	v24 =	vadd.f32 v36, v24;
	[tilespmem:s13+$0xA20] =	vst v25  }
0x185: {  	v27 =	vmul.f32 v27, v31;
	v63 =	vld [tilespmem:s13+$0xC270];
	v39 =	vmul.f32 v49, v33;
	v22 =	vadd.f32 v34, v22;
	[tilespmem:s13+$0x610] =	vst v16  }
0x186: {  	v26 =	vmul.f32 v26, v31;
	v46 =	vld [tilespmem:s13+$0x1650];
	v38 =	vmul.f32 v50, v33;
	v28 =	vadd.f32 v40, v28;
	[tilespmem:s13+$0xA10] =	vst v24  }
0x187: {  	v23 =	vmul.f32 v23, v31;
	v51 =	vld [tilespmem:s13+$0x200];
	v35 =	vmul.f32 v53, v33;
	v27 =	vadd.f32 v39, v27;
	[tilespmem:s13+$0x670] =	vst v22  }
0x188: {  	v18 =	vmul.f32 v18, v31;
	v37 =	vmul.f32 v58, v33;
	v48 =	vld [tilespmem:s13+$0x1660];
	v26 =	vadd.f32 v38, v26;
	[tilespmem:s13+$0xA50] =	vst v28  }
0x189: {  	v20 =	vmul.f32 v20, v31;
	v50 =	vld [tilespmem:s13+$0xC200];
	v30 =	vmul.f32 v56, v33;
	v23 =	vadd.f32 v35, v23;
	[tilespmem:s13+$0xA40] =	vst v27  }
0x18a: {  	v19 =	vmul.f32 v19, v31;
	v34 =	vld [tilespmem:s13+$0xC260];
	v35 =	vmul.f32 v57, v33;
	v18 =	vadd.f32 v37, v18;
	[tilespmem:s13+$0xA30] =	vst v26  }
0x18b: {  	v17 =	vmul.f32 v17, v31;
	v36 =	vld [tilespmem:s13+$0xD640];
	v39 =	vmul.f32 v59, v33;
	v20 =	vadd.f32 v30, v20;
	[tilespmem:s13+$0xA00] =	vst v23  }
0x18c: {  	v15 =	vmul.f32 v15, v31;
	v38 =	vld [tilespmem:s13+$0xD650];
	v42 =	vmul.f32 v61, v33;
	v19 =	vadd.f32 v35, v19;
	[tilespmem:s13+$0x630] =	vst v18  }
0x18d: {  	v14 =	vmul.f32 v14, v31;
	v40 =	vld [tilespmem:s13+$0xD660];
	v44 =	vmul.f32 v63, v33;
	v17 =	vadd.f32 v39, v17;
	[tilespmem:s13+$0x650] =	vst v20  }
0x18e: {  	v49 =	vld [tilespmem:s13+$0x1670];
	v61 =	vmul.f32 v51, v31;
	v15 =	vadd.f32 v42, v15;
	v10 =	vmul.f32 v50, v33;
	[tilespmem:s13+$0x640] =	vst v19  }
0x18f: {  	v13 =	vmul.f32 v13, v31;
	v14 =	vadd.f32 v44, v14;
	[tilespmem:s13+$0x620] =	vst v17;
	v47 =	vmul.f32 v34, v33  }
0x190: {  	v52 =	vmul.f32 v45, v31;
	[tilespmem:s13+$0x600] =	vst v15;
	v53 =	vmul.f32 v36, v33;
	v63 =	vadd.f32 v10, v61  }
0x191: {  	v54 =	vmul.f32 v46, v31;
	[tilespmem:s13+$0x270] =	vst v14;
	v55 =	vmul.f32 v38, v33;
	v13 =	vadd.f32 v47, v13  }
0x192: {  	v56 =	vmul.f32 v48, v31;
	v58 =	vmul.f32 v40, v33;
	v57 =	vadd.f32 v53, v52;
	[tilespmem:s13+$0x200] =	vst v63  }
0x193: {  	v60 =	vmul.f32 v43, v33;
	v59 =	vmul.f32 v49, v31;
	v3 =	vadd.f32 v55, v54;
	[tilespmem:s13+$0x260] =	vst v13  }
0x194: {  	v62 =	vadd.f32 v58, v56;
	[tilespmem:s13+$0x1640] =	vst v57  }
0x195: {  	s1 =	sadd.s32 $0x1, s1;
	[tilespmem:s13+$0x1650] =	vst v3;
	v3 =	vadd.f32 v60, v59  }
0x196: {  	p0 =	sne.s32 s1, s11;
	[tilespmem:s13+$0x1660] =	vst v62  }
.Ltmp1:
0x197: {  	[tilespmem:s13+$0x1670] =	vst v3;
	(pc) =	sbr.rel @p0 .LBB2_1-.Ltmp1, $4  }
0x198: {  	[hbm4b:s10+s2] =	stream.linear.scatter [tilespmem:s16], [sflag:$0x3], $0xC000, $0x38;
	[tilespmem:$0x18200] =	vst v63  }
0x199: {  	_ =	swait.ge [sflag:s12], $0xC000  }
0x19a: {  	[sflag:s12] =	ssyncset.done $0x0  }
0x19b: {  	[sflag:s12] =	ssyncadd.s32 $0xFFFF4000  }
0x19c: {  	_ =	sfence.sel $0x180000  }
0x19d: {  	[bflag:$0x0] =	sbarrier.arrive $0xFFFF  }
0x19e: {  	_ =	strace $0x9000004A  }
0x19f: {  	s0 =	stileid.u32;
	[bflag:$0x2] =	sbarrier.arrive $0xFFFF  }
0x1a0: {  	p0 =	sne.s32 s0, $0x0;
	s0 =	rddreg [dreg:$0x2]  }
0x1a1: {  	s0 =	sadd.s32 @!p0 $0x100000, s0  }
0x1a2: {  	[sflag:s0] =	ssyncadd.tile.s32 @!p0 $0x1;
	_ =	shalt  }
.Lfunc_end2:
_tile_overlayer_lowered:
.L_overlay_start_2:
0x1a3: {  	(tag) =	ssettag $0x2  }
0x1a4: {  	s0 =	rddreg [dreg:$0x0];
	s2 =	stileid.u32  }
0x1a5: {  	s1 =	rddreg [dreg:$0x1];
	p0 =	sne.s32 s2, $0x0  }
0x1a6: {  	s3 =	rddreg [dreg:$0x2];
	[bflag:$0x3] =	sbarrier.arrive $0xFFFF;
	s2 =	simm.s32 @!p0 $0x1C03  }
0x1a7: {  	[timem:s3], [sflag:s2] =	dma.local @!p0 [hbm:s0], s1  }
0x1a8: {  	s0 =	simm.s32 @!p0 $0x3  }
0x1a9: {  	_ =	swait.ge @!p0 [sflag:s0], s1  }
0x1aa: {  	s1 =	ssub.s32 @!p0 $0x0, s1;
	[sflag:s0] =	ssyncset.done @!p0 $0x0  }
0x1ab: {  	[sflag:s0] =	ssyncadd.s32 @!p0 s1  }
0x1ac: {  	[bflag:$0x3] =	sbarrier.arrive $0xFFFF  }
0x1ad: {  	_ =	shalt  }

</sc_bundles>
